<compile_context>
chip_gen: v7x
topology: tpu7x:2x2x1
jax: 0.10.2.dev20260603
libtpu: 0.0.44.dev20260713+nightly
codegen_flags: <defaults>
</compile_context>

<pallas_src>
import functools

import jax
import jax.numpy as jnp
from jax import lax
from jax.experimental import pallas as pl
from jax.experimental.pallas import tpu as pltpu
from jax.experimental.pallas import tpu_sc as plsc

NPIX_FINE = 196608
NPIX_COARSE = 49152
BATCH = 2
CHANNELS = 128

NC = 2
NS = 16
LANES = 16
NW = NC * NS

TOTAL_GROUPS = BATCH * NPIX_COARSE
GROUPS_PER_W = TOTAL_GROUPS // NW
G = 96
CHUNKS = GROUPS_PER_W // G
CC = CHANNELS // LANES

_TAKE_DN = lax.GatherDimensionNumbers(
    offset_dims=(), collapsed_slice_dims=(0,), start_index_map=(0,)
)


def _bcast_lane(v, j):
    idx = jnp.full((16, 1), j, jnp.int32)
    return lax.gather(v, idx, _TAKE_DN, slice_sizes=(1,),
                      mode=lax.GatherScatterMode.PROMISE_IN_BOUNDS)


def _sc_pool(xf, mf):
    mesh = plsc.VectorSubcoreMesh(core_axis_name="c", subcore_axis_name="s")

    @functools.partial(
        pl.kernel,
        out_type=(
            jax.ShapeDtypeStruct((TOTAL_GROUPS * CHANNELS,), jnp.float32),
            jax.ShapeDtypeStruct((TOTAL_GROUPS,), jnp.float32),
        ),
        mesh=mesh,
        scratch_types=[
            pltpu.VMEM((4 * G * CHANNELS,), jnp.float32),
            pltpu.VMEM((4 * G * CHANNELS,), jnp.float32),
            pltpu.VMEM((4 * G + 16,), jnp.float32),
            pltpu.VMEM((4 * G + 16,), jnp.float32),
            pltpu.VMEM((G * CHANNELS,), jnp.float32),
            pltpu.VMEM((G * CHANNELS,), jnp.float32),
            pltpu.VMEM((G * LANES,), jnp.float32),
            pltpu.VMEM((G * LANES,), jnp.float32),
            pltpu.VMEM((G,), jnp.float32),
            pltpu.VMEM((G,), jnp.float32),
            pltpu.SemaphoreType.DMA,
            pltpu.SemaphoreType.DMA,
            pltpu.SemaphoreType.DMA,
            pltpu.SemaphoreType.DMA,
        ],
    )
    def k(x_hbm, m_hbm, pooled_hbm, mm_hbm,
          x_v0, x_v1, m_v0, m_v1, o_v0, o_v1, mmb_v0, mmb_v1,
          mm_v0, mm_v1, in_s0, in_s1, out_s0, out_s1):
        wid = lax.axis_index("s") * NC + lax.axis_index("c")
        g0 = wid * GROUPS_PER_W

        lane = lax.iota(jnp.int32, 16)
        bufs = ((x_v0, m_v0, o_v0, mmb_v0, mm_v0, in_s0, out_s0),
                (x_v1, m_v1, o_v1, mmb_v1, mm_v1, in_s1, out_s1))

        def start_in(t, x_v, m_v, in_s):
            rb = 4 * (g0 + t * G)
            pltpu.make_async_copy(
                x_hbm.at[pl.ds(rb * CHANNELS, 4 * G * CHANNELS)], x_v, in_s
            ).start()
            pltpu.make_async_copy(
                m_hbm.at[pl.ds(rb, 4 * G)], m_v.at[pl.ds(0, 4 * G)], in_s
            ).start()

        def wait_in(x_v, m_v, in_s):
            pltpu.make_async_copy(
                x_hbm.at[pl.ds(0, 4 * G * CHANNELS)], x_v, in_s).wait()
            pltpu.make_async_copy(
                m_hbm.at[pl.ds(0, 4 * G)], m_v.at[pl.ds(0, 4 * G)], in_s
            ).wait()

        def start_out(t, o_v, mm_v, out_s):
            gb = g0 + t * G
            pltpu.make_async_copy(
                o_v, pooled_hbm.at[pl.ds(gb * CHANNELS, G * CHANNELS)], out_s
            ).start()
            pltpu.make_async_copy(
                mm_v, mm_hbm.at[pl.ds(gb, G)], out_s).start()

        def wait_out(o_v, mm_v, out_s):
            pltpu.make_async_copy(
                o_v, pooled_hbm.at[pl.ds(0, G * CHANNELS)], out_s).wait()
            pltpu.make_async_copy(
                mm_v, mm_hbm.at[pl.ds(0, G)], out_s).wait()

        def compute(x_v, m_v, o_v, mmb_v, mm_v):
            @plsc.parallel_loop(0, G, step=1, unroll=8)
            def _group(g):
                r = 4 * g
                mq = m_v[pl.ds(r, 16)]
                w0 = _bcast_lane(mq, 0)
                w1 = _bcast_lane(mq, 1)
                w2 = _bcast_lane(mq, 2)
                w3 = _bcast_lane(mq, 3)
                msum = (w0 + w1) + (w2 + w3)
                mmb_v[pl.ds(g * 16, 16)] = msum * 0.25
                iv = 1.0 / jnp.maximum(msum, 1e-6)
                xb = r * CHANNELS
                ob = g * CHANNELS
                for c in range(CC):
                    off = c * 16
                    acc = (
                        x_v[pl.ds(xb + off, 16)] * w0
                        + x_v[pl.ds(xb + CHANNELS + off, 16)] * w1
                    ) + (
                        x_v[pl.ds(xb + 2 * CHANNELS + off, 16)] * w2
                        + x_v[pl.ds(xb + 3 * CHANNELS + off, 16)] * w3
                    )
                    o_v[pl.ds(ob + off, 16)] = acc * iv

            @plsc.parallel_loop(0, G // 16, step=1, unroll=2)
            def _mmpack(kk):
                acc = jnp.zeros((16,), jnp.float32)
                for j in range(16):
                    v = mmb_v[pl.ds((kk * 16 + j) * 16, 16)]
                    acc = jnp.where(lane == j, v, acc)
                mm_v[pl.ds(kk * 16, 16)] = acc

        start_in(0, x_v0, m_v0, in_s0)

        def chunk_pair(tt, _):
            for b in range(2):
                x_v, m_v, o_v, mmb_v, mm_v, in_s, out_s = bufs[b]
                xn_v, mn_v, _, _, _, in_sn, _ = bufs[1 - b]
                t = 2 * tt + b
                if b == 0:
                    start_in(t + 1, xn_v, mn_v, in_sn)
                else:
                    @pl.when(t + 1 < CHUNKS)
                    def _():
                        start_in(t + 1, xn_v, mn_v, in_sn)
                wait_in(x_v, m_v, in_s)

                @pl.when(t >= 2)
                def _():
                    wait_out(o_v, mm_v, out_s)

                compute(x_v, m_v, o_v, mmb_v, mm_v)
                start_out(t, o_v, mm_v, out_s)
            return 0

        lax.fori_loop(0, CHUNKS // 2, chunk_pair, 0)
        wait_out(o_v0, mm_v0, out_s0)
        wait_out(o_v1, mm_v1, out_s1)

    return k(xf, mf)


def kernel(x, mask, groups):
    if x.ndim != 3:
        raise ValueError("Expected input with shape (batch, npix, channels).")
    if mask.ndim == 2:
        mask = mask[..., None]
    b, npix, ch = x.shape
    xf = x.reshape(b * npix * ch)
    mf = mask.reshape(b * npix)
    pooled, mm = _sc_pool(xf, mf)
    return (
        pooled.reshape(b, npix // 4, ch),
        mm.reshape(b, npix // 4, 1),
    )

# --- scband reference (transcript-rebuilt; emitter-appended) ---
"""Pipeline reference for scband-healpix-down-11295763988667 (READ-ONLY COPY).

The authoritative reference and input builder live on the scoring server;
editing this copy changes nothing except your own understanding.
"""

import jax, jax.numpy as jnp
import numpy as np

NPIX_FINE = 196608
NPIX_COARSE = 49152
BATCH = 2
CHANNELS = 128

def setup_inputs(seed: int = 0) -> dict:
    key = jax.random.key(seed)
    k1, k2 = jax.random.split(key)
    x = jax.random.normal(k1, (BATCH, NPIX_FINE, CHANNELS), dtype=jnp.float32)
    mask = jax.random.uniform(k2, (BATCH, NPIX_FINE, 1), dtype=jnp.float32)
    # Healpix NESTED ordering: the 4 children of coarse pixel i are fine pixels 4i..4i+3
    groups = jnp.arange(NPIX_FINE, dtype=jnp.int32).reshape(NPIX_COARSE, 4)
    return {"x": x, "mask": mask, "groups": groups}

def reference(x, mask, groups):
    if x.ndim != 3:
        raise ValueError('Expected input with shape (batch, npix, channels).')
    gathered = jnp.take(x, groups, axis=1)  # (B, npix_coarse, 4, C)
    if mask is None:
        return jnp.mean(gathered, axis=2)
    if mask.ndim == 2:
        mask = mask[..., None]
    if mask.ndim != 3:
        raise ValueError('Mask must have shape (batch, npix, 1) or (batch, npix, channels)')
    mask_gathered = jnp.take(mask, groups, axis=1)  # (B, npix_coarse, 4, 1)
    mask_sum = jnp.sum(mask_gathered, axis=2, keepdims=True)  # (B, npix_coarse, 1, 1)
    mask_mean = mask_sum / mask_gathered.shape[2]
    mask_sum = jnp.maximum(mask_sum, 1e-06)
    pooled = jnp.sum(gathered * mask_gathered, axis=2) / mask_sum.squeeze(-1)
    return (pooled, mask_mean.squeeze(-1))

if __name__ == "__main__":
    import jax
    _d = setup_inputs()
    print(jax.jit(kernel)(*tuple(_d.values())))

</pallas_src>

<mosaic_0001>
#map = affine_map<(d0, d1) -> (0)>
module attributes {stable_mosaic.version = 14 : i64} {
  func.func @k(%arg0: i32, %arg1: i32, %arg2: memref<50331648xf32, #tpu.memory_space<hbm>>, %arg3: memref<393216xf32, #tpu.memory_space<hbm>>, %arg4: memref<12582912xf32, #tpu.memory_space<hbm>>, %arg5: memref<98304xf32, #tpu.memory_space<hbm>>, %arg6: memref<49152xf32, #tpu.memory_space<vmem>>, %arg7: memref<49152xf32, #tpu.memory_space<vmem>>, %arg8: memref<400xf32, #tpu.memory_space<vmem>>, %arg9: memref<400xf32, #tpu.memory_space<vmem>>, %arg10: memref<12288xf32, #tpu.memory_space<vmem>>, %arg11: memref<12288xf32, #tpu.memory_space<vmem>>, %arg12: memref<1536xf32, #tpu.memory_space<vmem>>, %arg13: memref<1536xf32, #tpu.memory_space<vmem>>, %arg14: memref<96xf32, #tpu.memory_space<vmem>>, %arg15: memref<96xf32, #tpu.memory_space<vmem>>, %arg16: memref<!tpu.dma_semaphore, #tpu.memory_space<semaphore_mem>>, %arg17: memref<!tpu.dma_semaphore, #tpu.memory_space<semaphore_mem>>, %arg18: memref<!tpu.dma_semaphore, #tpu.memory_space<semaphore_mem>>, %arg19: memref<!tpu.dma_semaphore, #tpu.memory_space<semaphore_mem>>) attributes {dimension_semantics = [#tpu.dimension_semantics<core_parallel>, #tpu.dimension_semantics<subcore_parallel>], iteration_bounds = array<i64: 2, 16>, scalar_prefetch = 0 : i64, scratch_operands = 14 : i64, tpu.core_type = #tpu.core_type<sc_vector_subcore>, window_params = [{transform_indices = #map}, {transform_indices = #map}, {transform_indices = #map}, {transform_indices = #map}]} {
    %mul3A = arith.constant 2 : i32
    %mul3A_0 = arith.muli %arg1, %mul3A : i32
    %add3A = arith.addi %mul3A_0, %arg0 : i32
    %mul3A_1 = arith.constant 3072 : i32
    %mul3A_2 = arith.muli %add3A, %mul3A_1 : i32
    %iota3A = tpu.iota {dimensions = array<i32: 0>} : vector<16xi32>
    %add3A_3 = arith.constant 0 : i32
    %add3A_4 = arith.addi %mul3A_2, %add3A_3 : i32
    %mul3A_5 = arith.constant 4 : i32
    %mul3A_6 = arith.muli %mul3A_5, %add3A_4 : i32
    %mul3A_7 = arith.constant 128 : i32
    %mul3A_8 = arith.muli %mul3A_6, %mul3A_7 : i32
    %dma_start3A = tpu.memref_slice %arg2[%mul3A_8] : memref<50331648xf32, #tpu.memory_space<hbm>> -> memref<49152xf32, #tpu.memory_space<hbm>>
    %dma_start3A_9 = tpu.memref_slice %arg2[%mul3A_8] : memref<50331648xf32, #tpu.memory_space<hbm>> -> memref<49152xf32, #tpu.memory_space<hbm>>
    tpu.enqueue_dma source(%dma_start3A_9 : memref<49152xf32, #tpu.memory_space<hbm>>) target(%arg6 : memref<49152xf32, #tpu.memory_space<vmem>>) target_semaphore(%arg16 : memref<!tpu.dma_semaphore, #tpu.memory_space<semaphore_mem>>)
    %dma_start3A_10 = arith.constant 0 : i32
    %dma_start3A_11 = tpu.memref_slice %arg8[%dma_start3A_10] : memref<400xf32, #tpu.memory_space<vmem>> -> memref<384xf32, #tpu.memory_space<vmem>>
    %dma_start3A_12 = tpu.memref_slice %arg3[%mul3A_6] : memref<393216xf32, #tpu.memory_space<hbm>> -> memref<384xf32, #tpu.memory_space<hbm>>
    %dma_start3A_13 = arith.constant 0 : i32
    %dma_start3A_14 = tpu.memref_slice %arg8[%dma_start3A_13] : memref<400xf32, #tpu.memory_space<vmem>> -> memref<384xf32, #tpu.memory_space<vmem>>
    %dma_start3A_15 = tpu.memref_slice %arg3[%mul3A_6] : memref<393216xf32, #tpu.memory_space<hbm>> -> memref<384xf32, #tpu.memory_space<hbm>>
    tpu.enqueue_dma source(%dma_start3A_15 : memref<384xf32, #tpu.memory_space<hbm>>) target(%dma_start3A_14 : memref<384xf32, #tpu.memory_space<vmem>>) target_semaphore(%arg16 : memref<!tpu.dma_semaphore, #tpu.memory_space<semaphore_mem>>)
    %scan3A = arith.constant 0 : i32
    %scan3A_16 = arith.constant 0 : i32
    %scan3A_17 = arith.constant 16 : i32
    %scan3A_18 = arith.addi %scan3A_16, %scan3A_17 : i32
    %scan3A_19 = arith.constant 1 : i32
    %scan3A_20 = scf.for %scan3A_37 = %scan3A_16 to %scan3A_18 step %scan3A_19 iter_args(%scan3A_38 = %scan3A) -> (i32)  : i32 {
      %mul3A_39 = arith.constant 2 : i32
      %mul3A_40 = arith.muli %mul3A_39, %scan3A_37 : i32
      %add3A_41 = arith.constant 0 : i32
      %add3A_42 = arith.addi %mul3A_40, %add3A_41 : i32
      %add3A_43 = arith.constant 1 : i32
      %add3A_44 = arith.addi %add3A_42, %add3A_43 : i32
      %mul3A_45 = arith.constant 96 : i32
      %mul3A_46 = arith.muli %add3A_44, %mul3A_45 : i32
      %add3A_47 = arith.addi %mul3A_2, %mul3A_46 : i32
      %mul3A_48 = arith.constant 4 : i32
      %mul3A_49 = arith.muli %mul3A_48, %add3A_47 : i32
      %mul3A_50 = arith.constant 128 : i32
      %mul3A_51 = arith.muli %mul3A_49, %mul3A_50 : i32
      %dma_start3A_52 = tpu.memref_slice %arg2[%mul3A_51] : memref<50331648xf32, #tpu.memory_space<hbm>> -> memref<49152xf32, #tpu.memory_space<hbm>>
      %dma_start3A_53 = tpu.memref_slice %arg2[%mul3A_51] : memref<50331648xf32, #tpu.memory_space<hbm>> -> memref<49152xf32, #tpu.memory_space<hbm>>
      tpu.enqueue_dma source(%dma_start3A_53 : memref<49152xf32, #tpu.memory_space<hbm>>) target(%arg7 : memref<49152xf32, #tpu.memory_space<vmem>>) target_semaphore(%arg17 : memref<!tpu.dma_semaphore, #tpu.memory_space<semaphore_mem>>)
      %dma_start3A_54 = arith.constant 0 : i32
      %dma_start3A_55 = tpu.memref_slice %arg9[%dma_start3A_54] : memref<400xf32, #tpu.memory_space<vmem>> -> memref<384xf32, #tpu.memory_space<vmem>>
      %dma_start3A_56 = tpu.memref_slice %arg3[%mul3A_49] : memref<393216xf32, #tpu.memory_space<hbm>> -> memref<384xf32, #tpu.memory_space<hbm>>
      %dma_start3A_57 = arith.constant 0 : i32
      %dma_start3A_58 = tpu.memref_slice %arg9[%dma_start3A_57] : memref<400xf32, #tpu.memory_space<vmem>> -> memref<384xf32, #tpu.memory_space<vmem>>
      %dma_start3A_59 = tpu.memref_slice %arg3[%mul3A_49] : memref<393216xf32, #tpu.memory_space<hbm>> -> memref<384xf32, #tpu.memory_space<hbm>>
      tpu.enqueue_dma source(%dma_start3A_59 : memref<384xf32, #tpu.memory_space<hbm>>) target(%dma_start3A_58 : memref<384xf32, #tpu.memory_space<vmem>>) target_semaphore(%arg17 : memref<!tpu.dma_semaphore, #tpu.memory_space<semaphore_mem>>)
      %dma_wait3A_60 = arith.constant 0 : i32
      %dma_wait3A_61 = tpu.memref_slice %arg2[%dma_wait3A_60] : memref<50331648xf32, #tpu.memory_space<hbm>> -> memref<49152xf32, #tpu.memory_space<hbm>>
      %dma_wait3A_62 = arith.constant 0 : i32
      %dma_wait3A_63 = tpu.memref_slice %arg2[%dma_wait3A_62] : memref<50331648xf32, #tpu.memory_space<hbm>> -> memref<49152xf32, #tpu.memory_space<hbm>>
      tpu.wait_dma2 semaphore(%arg16 : memref<!tpu.dma_semaphore, #tpu.memory_space<semaphore_mem>>) src(%dma_wait3A_63 : memref<49152xf32, #tpu.memory_space<hbm>>) dst(%arg6 : memref<49152xf32, #tpu.memory_space<vmem>>)
      %dma_wait3A_64 = arith.constant 0 : i32
      %dma_wait3A_65 = tpu.memref_slice %arg8[%dma_wait3A_64] : memref<400xf32, #tpu.memory_space<vmem>> -> memref<384xf32, #tpu.memory_space<vmem>>
      %dma_wait3A_66 = arith.constant 0 : i32
      %dma_wait3A_67 = tpu.memref_slice %arg3[%dma_wait3A_66] : memref<393216xf32, #tpu.memory_space<hbm>> -> memref<384xf32, #tpu.memory_space<hbm>>
      %dma_wait3A_68 = arith.constant 0 : i32
      %dma_wait3A_69 = tpu.memref_slice %arg8[%dma_wait3A_68] : memref<400xf32, #tpu.memory_space<vmem>> -> memref<384xf32, #tpu.memory_space<vmem>>
      %dma_wait3A_70 = arith.constant 0 : i32
      %dma_wait3A_71 = tpu.memref_slice %arg3[%dma_wait3A_70] : memref<393216xf32, #tpu.memory_space<hbm>> -> memref<384xf32, #tpu.memory_space<hbm>>
      tpu.wait_dma2 semaphore(%arg16 : memref<!tpu.dma_semaphore, #tpu.memory_space<semaphore_mem>>) src(%dma_wait3A_71 : memref<384xf32, #tpu.memory_space<hbm>>) dst(%dma_wait3A_69 : memref<384xf32, #tpu.memory_space<vmem>>)
      %ge3A = arith.constant 2 : i32
      %ge3A_72 = arith.cmpi sge, %add3A_42, %ge3A : i32
      %convert_element_type3A = arith.extui %ge3A_72 : i1 to i32
      %cond3A = arith.constant 0 : i32
      %cond3A_73 = arith.cmpi ne, %convert_element_type3A, %cond3A : i32
      scf.if %cond3A_73 {
        %dma_wait3A_131 = arith.constant 0 : i32
        %dma_wait3A_132 = tpu.memref_slice %arg4[%dma_wait3A_131] : memref<12582912xf32, #tpu.memory_space<hbm>> -> memref<12288xf32, #tpu.memory_space<hbm>>
        %dma_wait3A_133 = arith.constant 0 : i32
        %dma_wait3A_134 = tpu.memref_slice %arg4[%dma_wait3A_133] : memref<12582912xf32, #tpu.memory_space<hbm>> -> memref<12288xf32, #tpu.memory_space<hbm>>
        tpu.wait_dma2 semaphore(%arg18 : memref<!tpu.dma_semaphore, #tpu.memory_space<semaphore_mem>>) src(%arg10 : memref<12288xf32, #tpu.memory_space<vmem>>) dst(%dma_wait3A_134 : memref<12288xf32, #tpu.memory_space<hbm>>)
        %dma_wait3A_135 = arith.constant 0 : i32
        %dma_wait3A_136 = tpu.memref_slice %arg5[%dma_wait3A_135] : memref<98304xf32, #tpu.memory_space<hbm>> -> memref<96xf32, #tpu.memory_space<hbm>>
        %dma_wait3A_137 = arith.constant 0 : i32
        %dma_wait3A_138 = tpu.memref_slice %arg5[%dma_wait3A_137] : memref<98304xf32, #tpu.memory_space<hbm>> -> memref<96xf32, #tpu.memory_space<hbm>>
        tpu.wait_dma2 semaphore(%arg18 : memref<!tpu.dma_semaphore, #tpu.memory_space<semaphore_mem>>) src(%arg14 : memref<96xf32, #tpu.memory_space<vmem>>) dst(%dma_wait3A_138 : memref<96xf32, #tpu.memory_space<hbm>>)
      } else {
      }
      %parallel_loop3A = arith.constant 0 : i32
      %parallel_loop3A_74 = arith.constant 96 : i32
      %parallel_loop3A_75 = arith.constant 1 : i32
      scf.for %parallel_loop3A_131 = %parallel_loop3A to %parallel_loop3A_74 step %parallel_loop3A_75  : i32 {
        %parallel_loop3A_132 = arith.constant 4 : i32
        %parallel_loop3A_133 = arith.muli %parallel_loop3A_132, %parallel_loop3A_131 : i32
        %parallel_loop3A_134 = arith.index_cast %parallel_loop3A_133 : i32 to index
        %parallel_loop3A_135 = tpu.vector_load %arg8[%parallel_loop3A_134] {strides = array<i32>} : memref<400xf32, #tpu.memory_space<vmem>>, vector<16xf32>,
        %parallel_loop3A_136 = vector.shape_cast %parallel_loop3A_135 : vector<16xf32> to vector<16xf32>
        %parallel_loop3A_137 = arith.constant 0 : i32
        %parallel_loop3A_138 = vector.broadcast %parallel_loop3A_137 : i32 to vector<16x1xi32>
        %parallel_loop3A_139 = vector.shape_cast %parallel_loop3A_138 : vector<16x1xi32> to vector<16xi32>
        %parallel_loop3A_140 = tpu.dynamic_gather %parallel_loop3A_136[%parallel_loop3A_139] in [0] : vector<16xf32>, vector<16xi32> -> vector<16xf32>
        %parallel_loop3A_141 = arith.constant 1 : i32
        %parallel_loop3A_142 = vector.broadcast %parallel_loop3A_141 : i32 to vector<16x1xi32>
        %parallel_loop3A_143 = vector.shape_cast %parallel_loop3A_142 : vector<16x1xi32> to vector<16xi32>
        %parallel_loop3A_144 = tpu.dynamic_gather %parallel_loop3A_136[%parallel_loop3A_143] in [0] : vector<16xf32>, vector<16xi32> -> vector<16xf32>
        %parallel_loop3A_145 = arith.constant 2 : i32
        %parallel_loop3A_146 = vector.broadcast %parallel_loop3A_145 : i32 to vector<16x1xi32>
        %parallel_loop3A_147 = vector.shape_cast %parallel_loop3A_146 : vector<16x1xi32> to vector<16xi32>
        %parallel_loop3A_148 = tpu.dynamic_gather %parallel_loop3A_136[%parallel_loop3A_147] in [0] : vector<16xf32>, vector<16xi32> -> vector<16xf32>
        %parallel_loop3A_149 = arith.constant 3 : i32
        %parallel_loop3A_150 = vector.broadcast %parallel_loop3A_149 : i32 to vector<16x1xi32>
        %parallel_loop3A_151 = vector.shape_cast %parallel_loop3A_150 : vector<16x1xi32> to vector<16xi32>
        %parallel_loop3A_152 = tpu.dynamic_gather %parallel_loop3A_136[%parallel_loop3A_151] in [0] : vector<16xf32>, vector<16xi32> -> vector<16xf32>
        %parallel_loop3A_153 = arith.addf %parallel_loop3A_140, %parallel_loop3A_144 : vector<16xf32>
        %parallel_loop3A_154 = arith.addf %parallel_loop3A_148, %parallel_loop3A_152 : vector<16xf32>
        %parallel_loop3A_155 = arith.addf %parallel_loop3A_153, %parallel_loop3A_154 : vector<16xf32>
        %parallel_loop3A_156 = arith.constant 2.500000e-01 : f32
        %parallel_loop3A_157 = vector.broadcast %parallel_loop3A_156 : f32 to vector<16xf32>
        %parallel_loop3A_158 = arith.mulf %parallel_loop3A_155, %parallel_loop3A_157 : vector<16xf32>
        %parallel_loop3A_159 = arith.constant 16 : i32
        %parallel_loop3A_160 = arith.muli %parallel_loop3A_131, %parallel_loop3A_159 : i32
        %parallel_loop3A_161 = arith.index_cast %parallel_loop3A_160 : i32 to index
        %parallel_loop3A_162 = tpu.vector_load %arg12[%parallel_loop3A_161] {strides = array<i32>} : memref<1536xf32, #tpu.memory_space<vmem>>, vector<16xf32>,
        %parallel_loop3A_163 = vector.shape_cast %parallel_loop3A_162 : vector<16xf32> to vector<16xf32>
        %parallel_loop3A_164 = vector.shape_cast %parallel_loop3A_158 : vector<16xf32> to vector<16xf32>
        tpu.vector_store %arg12[%parallel_loop3A_161], %parallel_loop3A_164 {strides = array<i32>} : memref<1536xf32, #tpu.memory_space<vmem>>, vector<16xf32>,
        %parallel_loop3A_165 = arith.constant 9.99999997E-7 : f32
        %parallel_loop3A_166 = vector.broadcast %parallel_loop3A_165 : f32 to vector<16xf32>
        %parallel_loop3A_167 = arith.maximumf %parallel_loop3A_155, %parallel_loop3A_166 : vector<16xf32>
        %parallel_loop3A_168 = arith.constant 1.000000e+00 : f32
        %parallel_loop3A_169 = vector.broadcast %parallel_loop3A_168 : f32 to vector<16xf32>
        %parallel_loop3A_170 = arith.divf %parallel_loop3A_169, %parallel_loop3A_167 : vector<16xf32>
        %parallel_loop3A_171 = arith.constant 128 : i32
        %parallel_loop3A_172 = arith.muli %parallel_loop3A_133, %parallel_loop3A_171 : i32
        %parallel_loop3A_173 = arith.constant 128 : i32
        %parallel_loop3A_174 = arith.muli %parallel_loop3A_131, %parallel_loop3A_173 : i32
        %parallel_loop3A_175 = arith.constant 0 : i32
        %parallel_loop3A_176 = arith.addi %parallel_loop3A_172, %parallel_loop3A_175 : i32
        %parallel_loop3A_177 = arith.index_cast %parallel_loop3A_176 : i32 to index
        %parallel_loop3A_178 = tpu.vector_load %arg6[%parallel_loop3A_177] {strides = array<i32>} : memref<49152xf32, #tpu.memory_space<vmem>>, vector<16xf32>,
        %parallel_loop3A_179 = vector.shape_cast %parallel_loop3A_178 : vector<16xf32> to vector<16xf32>
        %parallel_loop3A_180 = arith.mulf %parallel_loop3A_179, %parallel_loop3A_140 : vector<16xf32>
        %parallel_loop3A_181 = arith.constant 128 : i32
        %parallel_loop3A_182 = arith.addi %parallel_loop3A_172, %parallel_loop3A_181 : i32
        %parallel_loop3A_183 = arith.constant 0 : i32
        %parallel_loop3A_184 = arith.addi %parallel_loop3A_182, %parallel_loop3A_183 : i32
        %parallel_loop3A_185 = arith.index_cast %parallel_loop3A_184 : i32 to index
        %parallel_loop3A_186 = tpu.vector_load %arg6[%parallel_loop3A_185] {strides = array<i32>} : memref<49152xf32, #tpu.memory_space<vmem>>, vector<16xf32>,
        %parallel_loop3A_187 = vector.shape_cast %parallel_loop3A_186 : vector<16xf32> to vector<16xf32>
        %parallel_loop3A_188 = arith.mulf %parallel_loop3A_187, %parallel_loop3A_144 : vector<16xf32>
        %parallel_loop3A_189 = arith.addf %parallel_loop3A_180, %parallel_loop3A_188 : vector<16xf32>
        %parallel_loop3A_190 = arith.constant 256 : i32
        %parallel_loop3A_191 = arith.addi %parallel_loop3A_172, %parallel_loop3A_190 : i32
        %parallel_loop3A_192 = arith.constant 0 : i32
        %parallel_loop3A_193 = arith.addi %parallel_loop3A_191, %parallel_loop3A_192 : i32
        %parallel_loop3A_194 = arith.index_cast %parallel_loop3A_193 : i32 to index
        %parallel_loop3A_195 = tpu.vector_load %arg6[%parallel_loop3A_194] {strides = array<i32>} : memref<49152xf32, #tpu.memory_space<vmem>>, vector<16xf32>,
        %parallel_loop3A_196 = vector.shape_cast %parallel_loop3A_195 : vector<16xf32> to vector<16xf32>
        %parallel_loop3A_197 = arith.mulf %parallel_loop3A_196, %parallel_loop3A_148 : vector<16xf32>
        %parallel_loop3A_198 = arith.constant 384 : i32
        %parallel_loop3A_199 = arith.addi %parallel_loop3A_172, %parallel_loop3A_198 : i32
        %parallel_loop3A_200 = arith.constant 0 : i32
        %parallel_loop3A_201 = arith.addi %parallel_loop3A_199, %parallel_loop3A_200 : i32
        %parallel_loop3A_202 = arith.index_cast %parallel_loop3A_201 : i32 to index
        %parallel_loop3A_203 = tpu.vector_load %arg6[%parallel_loop3A_202] {strides = array<i32>} : memref<49152xf32, #tpu.memory_space<vmem>>, vector<16xf32>,
        %parallel_loop3A_204 = vector.shape_cast %parallel_loop3A_203 : vector<16xf32> to vector<16xf32>
        %parallel_loop3A_205 = arith.mulf %parallel_loop3A_204, %parallel_loop3A_152 : vector<16xf32>
        %parallel_loop3A_206 = arith.addf %parallel_loop3A_197, %parallel_loop3A_205 : vector<16xf32>
        %parallel_loop3A_207 = arith.addf %parallel_loop3A_189, %parallel_loop3A_206 : vector<16xf32>
        %parallel_loop3A_208 = arith.mulf %parallel_loop3A_207, %parallel_loop3A_170 : vector<16xf32>
        %parallel_loop3A_209 = arith.constant 0 : i32
        %parallel_loop3A_210 = arith.addi %parallel_loop3A_174, %parallel_loop3A_209 : i32
        %parallel_loop3A_211 = arith.index_cast %parallel_loop3A_210 : i32 to index
        %parallel_loop3A_212 = tpu.vector_load %arg10[%parallel_loop3A_211] {strides = array<i32>} : memref<12288xf32, #tpu.memory_space<vmem>>, vector<16xf32>,
        %parallel_loop3A_213 = vector.shape_cast %parallel_loop3A_212 : vector<16xf32> to vector<16xf32>
        %parallel_loop3A_214 = vector.shape_cast %parallel_loop3A_208 : vector<16xf32> to vector<16xf32>
        tpu.vector_store %arg10[%parallel_loop3A_211], %parallel_loop3A_214 {strides = array<i32>} : memref<12288xf32, #tpu.memory_space<vmem>>, vector<16xf32>,
        %parallel_loop3A_215 = arith.constant 16 : i32
        %parallel_loop3A_216 = arith.addi %parallel_loop3A_172, %parallel_loop3A_215 : i32
        %parallel_loop3A_217 = arith.index_cast %parallel_loop3A_216 : i32 to index
        %parallel_loop3A_218 = tpu.vector_load %arg6[%parallel_loop3A_217] {strides = array<i32>} : memref<49152xf32, #tpu.memory_space<vmem>>, vector<16xf32>,
        %parallel_loop3A_219 = vector.shape_cast %parallel_loop3A_218 : vector<16xf32> to vector<16xf32>
        %parallel_loop3A_220 = arith.mulf %parallel_loop3A_219, %parallel_loop3A_140 : vector<16xf32>
        %parallel_loop3A_221 = arith.constant 128 : i32
        %parallel_loop3A_222 = arith.addi %parallel_loop3A_172, %parallel_loop3A_221 : i32
        %parallel_loop3A_223 = arith.constant 16 : i32
        %parallel_loop3A_224 = arith.addi %parallel_loop3A_222, %parallel_loop3A_223 : i32
        %parallel_loop3A_225 = arith.index_cast %parallel_loop3A_224 : i32 to index
        %parallel_loop3A_226 = tpu.vector_load %arg6[%parallel_loop3A_225] {strides = array<i32>} : memref<49152xf32, #tpu.memory_space<vmem>>, vector<16xf32>,
        %parallel_loop3A_227 = vector.shape_cast %parallel_loop3A_226 : vector<16xf32> to vector<16xf32>
        %parallel_loop3A_228 = arith.mulf %parallel_loop3A_227, %parallel_loop3A_144 : vector<16xf32>
        %parallel_loop3A_229 = arith.addf %parallel_loop3A_220, %parallel_loop3A_228 : vector<16xf32>
        %parallel_loop3A_230 = arith.constant 256 : i32
        %parallel_loop3A_231 = arith.addi %parallel_loop3A_172, %parallel_loop3A_230 : i32
        %parallel_loop3A_232 = arith.constant 16 : i32
        %parallel_loop3A_233 = arith.addi %parallel_loop3A_231, %parallel_loop3A_232 : i32
        %parallel_loop3A_234 = arith.index_cast %parallel_loop3A_233 : i32 to index
        %parallel_loop3A_235 = tpu.vector_load %arg6[%parallel_loop3A_234] {strides = array<i32>} : memref<49152xf32, #tpu.memory_space<vmem>>, vector<16xf32>,
        %parallel_loop3A_236 = vector.shape_cast %parallel_loop3A_235 : vector<16xf32> to vector<16xf32>
        %parallel_loop3A_237 = arith.mulf %parallel_loop3A_236, %parallel_loop3A_148 : vector<16xf32>
        %parallel_loop3A_238 = arith.constant 384 : i32
        %parallel_loop3A_239 = arith.addi %parallel_loop3A_172, %parallel_loop3A_238 : i32
        %parallel_loop3A_240 = arith.constant 16 : i32
        %parallel_loop3A_241 = arith.addi %parallel_loop3A_239, %parallel_loop3A_240 : i32
        %parallel_loop3A_242 = arith.index_cast %parallel_loop3A_241 : i32 to index
        %parallel_loop3A_243 = tpu.vector_load %arg6[%parallel_loop3A_242] {strides = array<i32>} : memref<49152xf32, #tpu.memory_space<vmem>>, vector<16xf32>,
        %parallel_loop3A_244 = vector.shape_cast %parallel_loop3A_243 : vector<16xf32> to vector<16xf32>
        %parallel_loop3A_245 = arith.mulf %parallel_loop3A_244, %parallel_loop3A_152 : vector<16xf32>
        %parallel_loop3A_246 = arith.addf %parallel_loop3A_237, %parallel_loop3A_245 : vector<16xf32>
        %parallel_loop3A_247 = arith.addf %parallel_loop3A_229, %parallel_loop3A_246 : vector<16xf32>
        %parallel_loop3A_248 = arith.mulf %parallel_loop3A_247, %parallel_loop3A_170 : vector<16xf32>
        %parallel_loop3A_249 = arith.constant 16 : i32
        %parallel_loop3A_250 = arith.addi %parallel_loop3A_174, %parallel_loop3A_249 : i32
        %parallel_loop3A_251 = arith.index_cast %parallel_loop3A_250 : i32 to index
        %parallel_loop3A_252 = tpu.vector_load %arg10[%parallel_loop3A_251] {strides = array<i32>} : memref<12288xf32, #tpu.memory_space<vmem>>, vector<16xf32>,
        %parallel_loop3A_253 = vector.shape_cast %parallel_loop3A_252 : vector<16xf32> to vector<16xf32>
        %parallel_loop3A_254 = vector.shape_cast %parallel_loop3A_248 : vector<16xf32> to vector<16xf32>
        tpu.vector_store %arg10[%parallel_loop3A_251], %parallel_loop3A_254 {strides = array<i32>} : memref<12288xf32, #tpu.memory_space<vmem>>, vector<16xf32>,
        %parallel_loop3A_255 = arith.constant 32 : i32
        %parallel_loop3A_256 = arith.addi %parallel_loop3A_172, %parallel_loop3A_255 : i32
        %parallel_loop3A_257 = arith.index_cast %parallel_loop3A_256 : i32 to index
        %parallel_loop3A_258 = tpu.vector_load %arg6[%parallel_loop3A_257] {strides = array<i32>} : memref<49152xf32, #tpu.memory_space<vmem>>, vector<16xf32>,
        %parallel_loop3A_259 = vector.shape_cast %parallel_loop3A_258 : vector<16xf32> to vector<16xf32>
        %parallel_loop3A_260 = arith.mulf %parallel_loop3A_259, %parallel_loop3A_140 : vector<16xf32>
        %parallel_loop3A_261 = arith.constant 128 : i32
        %parallel_loop3A_262 = arith.addi %parallel_loop3A_172, %parallel_loop3A_261 : i32
        %parallel_loop3A_263 = arith.constant 32 : i32
        %parallel_loop3A_264 = arith.addi %parallel_loop3A_262, %parallel_loop3A_263 : i32
        %parallel_loop3A_265 = arith.index_cast %parallel_loop3A_264 : i32 to index
        %parallel_loop3A_266 = tpu.vector_load %arg6[%parallel_loop3A_265] {strides = array<i32>} : memref<49152xf32, #tpu.memory_space<vmem>>, vector<16xf32>,
        %parallel_loop3A_267 = vector.shape_cast %parallel_loop3A_266 : vector<16xf32> to vector<16xf32>
        %parallel_loop3A_268 = arith.mulf %parallel_loop3A_267, %parallel_loop3A_144 : vector<16xf32>
        %parallel_loop3A_269 = arith.addf %parallel_loop3A_260, %parallel_loop3A_268 : vector<16xf32>
        %parallel_loop3A_270 = arith.constant 256 : i32
        %parallel_loop3A_271 = arith.addi %parallel_loop3A_172, %parallel_loop3A_270 : i32
        %parallel_loop3A_272 = arith.constant 32 : i32
        %parallel_loop3A_273 = arith.addi %parallel_loop3A_271, %parallel_loop3A_272 : i32
        %parallel_loop3A_274 = arith.index_cast %parallel_loop3A_273 : i32 to index
        %parallel_loop3A_275 = tpu.vector_load %arg6[%parallel_loop3A_274] {strides = array<i32>} : memref<49152xf32, #tpu.memory_space<vmem>>, vector<16xf32>,
        %parallel_loop3A_276 = vector.shape_cast %parallel_loop3A_275 : vector<16xf32> to vector<16xf32>
        %parallel_loop3A_277 = arith.mulf %parallel_loop3A_276, %parallel_loop3A_148 : vector<16xf32>
        %parallel_loop3A_278 = arith.constant 384 : i32
        %parallel_loop3A_279 = arith.addi %parallel_loop3A_172, %parallel_loop3A_278 : i32
        %parallel_loop3A_280 = arith.constant 32 : i32
        %parallel_loop3A_281 = arith.addi %parallel_loop3A_279, %parallel_loop3A_280 : i32
        %parallel_loop3A_282 = arith.index_cast %parallel_loop3A_281 : i32 to index
        %parallel_loop3A_283 = tpu.vector_load %arg6[%parallel_loop3A_282] {strides = array<i32>} : memref<49152xf32, #tpu.memory_space<vmem>>, vector<16xf32>,
        %parallel_loop3A_284 = vector.shape_cast %parallel_loop3A_283 : vector<16xf32> to vector<16xf32>
        %parallel_loop3A_285 = arith.mulf %parallel_loop3A_284, %parallel_loop3A_152 : vector<16xf32>
        %parallel_loop3A_286 = arith.addf %parallel_loop3A_277, %parallel_loop3A_285 : vector<16xf32>
        %parallel_loop3A_287 = arith.addf %parallel_loop3A_269, %parallel_loop3A_286 : vector<16xf32>
        %parallel_loop3A_288 = arith.mulf %parallel_loop3A_287, %parallel_loop3A_170 : vector<16xf32>
        %parallel_loop3A_289 = arith.constant 32 : i32
        %parallel_loop3A_290 = arith.addi %parallel_loop3A_174, %parallel_loop3A_289 : i32
        %parallel_loop3A_291 = arith.index_cast %parallel_loop3A_290 : i32 to index
        %parallel_loop3A_292 = tpu.vector_load %arg10[%parallel_loop3A_291] {strides = array<i32>} : memref<12288xf32, #tpu.memory_space<vmem>>, vector<16xf32>,
        %parallel_loop3A_293 = vector.shape_cast %parallel_loop3A_292 : vector<16xf32> to vector<16xf32>
        %parallel_loop3A_294 = vector.shape_cast %parallel_loop3A_288 : vector<16xf32> to vector<16xf32>
        tpu.vector_store %arg10[%parallel_loop3A_291], %parallel_loop3A_294 {strides = array<i32>} : memref<12288xf32, #tpu.memory_space<vmem>>, vector<16xf32>,
        %parallel_loop3A_295 = arith.constant 48 : i32
        %parallel_loop3A_296 = arith.addi %parallel_loop3A_172, %parallel_loop3A_295 : i32
        %parallel_loop3A_297 = arith.index_cast %parallel_loop3A_296 : i32 to index
        %parallel_loop3A_298 = tpu.vector_load %arg6[%parallel_loop3A_297] {strides = array<i32>} : memref<49152xf32, #tpu.memory_space<vmem>>, vector<16xf32>,
        %parallel_loop3A_299 = vector.shape_cast %parallel_loop3A_298 : vector<16xf32> to vector<16xf32>
        %parallel_loop3A_300 = arith.mulf %parallel_loop3A_299, %parallel_loop3A_140 : vector<16xf32>
        %parallel_loop3A_301 = arith.constant 128 : i32
        %parallel_loop3A_302 = arith.addi %parallel_loop3A_172, %parallel_loop3A_301 : i32
        %parallel_loop3A_303 = arith.constant 48 : i32
        %parallel_loop3A_304 = arith.addi %parallel_loop3A_302, %parallel_loop3A_303 : i32
        %parallel_loop3A_305 = arith.index_cast %parallel_loop3A_304 : i32 to index
        %parallel_loop3A_306 = tpu.vector_load %arg6[%parallel_loop3A_305] {strides = array<i32>} : memref<49152xf32, #tpu.memory_space<vmem>>, vector<16xf32>,
        %parallel_loop3A_307 = vector.shape_cast %parallel_loop3A_306 : vector<16xf32> to vector<16xf32>
        %parallel_loop3A_308 = arith.mulf %parallel_loop3A_307, %parallel_loop3A_144 : vector<16xf32>
        %parallel_loop3A_309 = arith.addf %parallel_loop3A_300, %parallel_loop3A_308 : vector<16xf32>
        %parallel_loop3A_310 = arith.constant 256 : i32
        %parallel_loop3A_311 = arith.addi %parallel_loop3A_172, %parallel_loop3A_310 : i32
        %parallel_loop3A_312 = arith.constant 48 : i32
        %parallel_loop3A_313 = arith.addi %parallel_loop3A_311, %parallel_loop3A_312 : i32
        %parallel_loop3A_314 = arith.index_cast %parallel_loop3A_313 : i32 to index
        %parallel_loop3A_315 = tpu.vector_load %arg6[%parallel_loop3A_314] {strides = array<i32>} : memref<49152xf32, #tpu.memory_space<vmem>>, vector<16xf32>,
        %parallel_loop3A_316 = vector.shape_cast %parallel_loop3A_315 : vector<16xf32> to vector<16xf32>
        %parallel_loop3A_317 = arith.mulf %parallel_loop3A_316, %parallel_loop3A_148 : vector<16xf32>
        %parallel_loop3A_318 = arith.constant 384 : i32
        %parallel_loop3A_319 = arith.addi %parallel_loop3A_172, %parallel_loop3A_318 : i32
        %parallel_loop3A_320 = arith.constant 48 : i32
        %parallel_loop3A_321 = arith.addi %parallel_loop3A_319, %parallel_loop3A_320 : i32
        %parallel_loop3A_322 = arith.index_cast %parallel_loop3A_321 : i32 to index
        %parallel_loop3A_323 = tpu.vector_load %arg6[%parallel_loop3A_322] {strides = array<i32>} : memref<49152xf32, #tpu.memory_space<vmem>>, vector<16xf32>,
        %parallel_loop3A_324 = vector.shape_cast %parallel_loop3A_323 : vector<16xf32> to vector<16xf32>
        %parallel_loop3A_325 = arith.mulf %parallel_loop3A_324, %parallel_loop3A_152 : vector<16xf32>
        %parallel_loop3A_326 = arith.addf %parallel_loop3A_317, %parallel_loop3A_325 : vector<16xf32>
        %parallel_loop3A_327 = arith.addf %parallel_loop3A_309, %parallel_loop3A_326 : vector<16xf32>
        %parallel_loop3A_328 = arith.mulf %parallel_loop3A_327, %parallel_loop3A_170 : vector<16xf32>
        %parallel_loop3A_329 = arith.constant 48 : i32
        %parallel_loop3A_330 = arith.addi %parallel_loop3A_174, %parallel_loop3A_329 : i32
        %parallel_loop3A_331 = arith.index_cast %parallel_loop3A_330 : i32 to index
        %parallel_loop3A_332 = tpu.vector_load %arg10[%parallel_loop3A_331] {strides = array<i32>} : memref<12288xf32, #tpu.memory_space<vmem>>, vector<16xf32>,
        %parallel_loop3A_333 = vector.shape_cast %parallel_loop3A_332 : vector<16xf32> to vector<16xf32>
        %parallel_loop3A_334 = vector.shape_cast %parallel_loop3A_328 : vector<16xf32> to vector<16xf32>
        tpu.vector_store %arg10[%parallel_loop3A_331], %parallel_loop3A_334 {strides = array<i32>} : memref<12288xf32, #tpu.memory_space<vmem>>, vector<16xf32>,
        %parallel_loop3A_335 = arith.constant 64 : i32
        %parallel_loop3A_336 = arith.addi %parallel_loop3A_172, %parallel_loop3A_335 : i32
        %parallel_loop3A_337 = arith.index_cast %parallel_loop3A_336 : i32 to index
        %parallel_loop3A_338 = tpu.vector_load %arg6[%parallel_loop3A_337] {strides = array<i32>} : memref<49152xf32, #tpu.memory_space<vmem>>, vector<16xf32>,
        %parallel_loop3A_339 = vector.shape_cast %parallel_loop3A_338 : vector<16xf32> to vector<16xf32>
        %parallel_loop3A_340 = arith.mulf %parallel_loop3A_339, %parallel_loop3A_140 : vector<16xf32>
        %parallel_loop3A_341 = arith.constant 128 : i32
        %parallel_loop3A_342 = arith.addi %parallel_loop3A_172, %parallel_loop3A_341 : i32
        %parallel_loop3A_343 = arith.constant 64 : i32
        %parallel_loop3A_344 = arith.addi %parallel_loop3A_342, %parallel_loop3A_343 : i32
        %parallel_loop3A_345 = arith.index_cast %parallel_loop3A_344 : i32 to index
        %parallel_loop3A_346 = tpu.vector_load %arg6[%parallel_loop3A_345] {strides = array<i32>} : memref<49152xf32, #tpu.memory_space<vmem>>, vector<16xf32>,
        %parallel_loop3A_347 = vector.shape_cast %parallel_loop3A_346 : vector<16xf32> to vector<16xf32>
        %parallel_loop3A_348 = arith.mulf %parallel_loop3A_347, %parallel_loop3A_144 : vector<16xf32>
        %parallel_loop3A_349 = arith.addf %parallel_loop3A_340, %parallel_loop3A_348 : vector<16xf32>
        %parallel_loop3A_350 = arith.constant 256 : i32
        %parallel_loop3A_351 = arith.addi %parallel_loop3A_172, %parallel_loop3A_350 : i32
        %parallel_loop3A_352 = arith.constant 64 : i32
        %parallel_loop3A_353 = arith.addi %parallel_loop3A_351, %parallel_loop3A_352 : i32
        %parallel_loop3A_354 = arith.index_cast %parallel_loop3A_353 : i32 to index
        %parallel_loop3A_355 = tpu.vector_load %arg6[%parallel_loop3A_354] {strides = array<i32>} : memref<49152xf32, #tpu.memory_space<vmem>>, vector<16xf32>,
        %parallel_loop3A_356 = vector.shape_cast %parallel_loop3A_355 : vector<16xf32> to vector<16xf32>
        %parallel_loop3A_357 = arith.mulf %parallel_loop3A_356, %parallel_loop3A_148 : vector<16xf32>
        %parallel_loop3A_358 = arith.constant 384 : i32
        %parallel_loop3A_359 = arith.addi %parallel_loop3A_172, %parallel_loop3A_358 : i32
        %parallel_loop3A_360 = arith.constant 64 : i32
        %parallel_loop3A_361 = arith.addi %parallel_loop3A_359, %parallel_loop3A_360 : i32
        %parallel_loop3A_362 = arith.index_cast %parallel_loop3A_361 : i32 to index
        %parallel_loop3A_363 = tpu.vector_load %arg6[%parallel_loop3A_362] {strides = array<i32>} : memref<49152xf32, #tpu.memory_space<vmem>>, vector<16xf32>,
        %parallel_loop3A_364 = vector.shape_cast %parallel_loop3A_363 : vector<16xf32> to vector<16xf32>
        %parallel_loop3A_365 = arith.mulf %parallel_loop3A_364, %parallel_loop3A_152 : vector<16xf32>
        %parallel_loop3A_366 = arith.addf %parallel_loop3A_357, %parallel_loop3A_365 : vector<16xf32>
        %parallel_loop3A_367 = arith.addf %parallel_loop3A_349, %parallel_loop3A_366 : vector<16xf32>
        %parallel_loop3A_368 = arith.mulf %parallel_loop3A_367, %parallel_loop3A_170 : vector<16xf32>
        %parallel_loop3A_369 = arith.constant 64 : i32
        %parallel_loop3A_370 = arith.addi %parallel_loop3A_174, %parallel_loop3A_369 : i32
        %parallel_loop3A_371 = arith.index_cast %parallel_loop3A_370 : i32 to index
        %parallel_loop3A_372 = tpu.vector_load %arg10[%parallel_loop3A_371] {strides = array<i32>} : memref<12288xf32, #tpu.memory_space<vmem>>, vector<16xf32>,
        %parallel_loop3A_373 = vector.shape_cast %parallel_loop3A_372 : vector<16xf32> to vector<16xf32>
        %parallel_loop3A_374 = vector.shape_cast %parallel_loop3A_368 : vector<16xf32> to vector<16xf32>
        tpu.vector_store %arg10[%parallel_loop3A_371], %parallel_loop3A_374 {strides = array<i32>} : memref<12288xf32, #tpu.memory_space<vmem>>, vector<16xf32>,
        %parallel_loop3A_375 = arith.constant 80 : i32
        %parallel_loop3A_376 = arith.addi %parallel_loop3A_172, %parallel_loop3A_375 : i32
        %parallel_loop3A_377 = arith.index_cast %parallel_loop3A_376 : i32 to index
        %parallel_loop3A_378 = tpu.vector_load %arg6[%parallel_loop3A_377] {strides = array<i32>} : memref<49152xf32, #tpu.memory_space<vmem>>, vector<16xf32>,
        %parallel_loop3A_379 = vector.shape_cast %parallel_loop3A_378 : vector<16xf32> to vector<16xf32>
        %parallel_loop3A_380 = arith.mulf %parallel_loop3A_379, %parallel_loop3A_140 : vector<16xf32>
        %parallel_loop3A_381 = arith.constant 128 : i32
        %parallel_loop3A_382 = arith.addi %parallel_loop3A_172, %parallel_loop3A_381 : i32
        %parallel_loop3A_383 = arith.constant 80 : i32
        %parallel_loop3A_384 = arith.addi %parallel_loop3A_382, %parallel_loop3A_383 : i32
        %parallel_loop3A_385 = arith.index_cast %parallel_loop3A_384 : i32 to index
        %parallel_loop3A_386 = tpu.vector_load %arg6[%parallel_loop3A_385] {strides = array<i32>} : memref<49152xf32, #tpu.memory_space<vmem>>, vector<16xf32>,
        %parallel_loop3A_387 = vector.shape_cast %parallel_loop3A_386 : vector<16xf32> to vector<16xf32>
        %parallel_loop3A_388 = arith.mulf %parallel_loop3A_387, %parallel_loop3A_144 : vector<16xf32>
        %parallel_loop3A_389 = arith.addf %parallel_loop3A_380, %parallel_loop3A_388 : vector<16xf32>
        %parallel_loop3A_390 = arith.constant 256 : i32
        %parallel_loop3A_391 = arith.addi %parallel_loop3A_172, %parallel_loop3A_390 : i32
        %parallel_loop3A_392 = arith.constant 80 : i32
        %parallel_loop3A_393 = arith.addi %parallel_loop3A_391, %parallel_loop3A_392 : i32
        %parallel_loop3A_394 = arith.index_cast %parallel_loop3A_393 : i32 to index
        %parallel_loop3A_395 = tpu.vector_load %arg6[%parallel_loop3A_394] {strides = array<i32>} : memref<49152xf32, #tpu.memory_space<vmem>>, vector<16xf32>,
        %parallel_loop3A_396 = vector.shape_cast %parallel_loop3A_395 : vector<16xf32> to vector<16xf32>
        %parallel_loop3A_397 = arith.mulf %parallel_loop3A_396, %parallel_loop3A_148 : vector<16xf32>
        %parallel_loop3A_398 = arith.constant 384 : i32
        %parallel_loop3A_399 = arith.addi %parallel_loop3A_172, %parallel_loop3A_398 : i32
        %parallel_loop3A_400 = arith.constant 80 : i32
        %parallel_loop3A_401 = arith.addi %parallel_loop3A_399, %parallel_loop3A_400 : i32
        %parallel_loop3A_402 = arith.index_cast %parallel_loop3A_401 : i32 to index
        %parallel_loop3A_403 = tpu.vector_load %arg6[%parallel_loop3A_402] {strides = array<i32>} : memref<49152xf32, #tpu.memory_space<vmem>>, vector<16xf32>,
        %parallel_loop3A_404 = vector.shape_cast %parallel_loop3A_403 : vector<16xf32> to vector<16xf32>
        %parallel_loop3A_405 = arith.mulf %parallel_loop3A_404, %parallel_loop3A_152 : vector<16xf32>
        %parallel_loop3A_406 = arith.addf %parallel_loop3A_397, %parallel_loop3A_405 : vector<16xf32>
        %parallel_loop3A_407 = arith.addf %parallel_loop3A_389, %parallel_loop3A_406 : vector<16xf32>
        %parallel_loop3A_408 = arith.mulf %parallel_loop3A_407, %parallel_loop3A_170 : vector<16xf32>
        %parallel_loop3A_409 = arith.constant 80 : i32
        %parallel_loop3A_410 = arith.addi %parallel_loop3A_174, %parallel_loop3A_409 : i32
        %parallel_loop3A_411 = arith.index_cast %parallel_loop3A_410 : i32 to index
        %parallel_loop3A_412 = tpu.vector_load %arg10[%parallel_loop3A_411] {strides = array<i32>} : memref<12288xf32, #tpu.memory_space<vmem>>, vector<16xf32>,
        %parallel_loop3A_413 = vector.shape_cast %parallel_loop3A_412 : vector<16xf32> to vector<16xf32>
        %parallel_loop3A_414 = vector.shape_cast %parallel_loop3A_408 : vector<16xf32> to vector<16xf32>
        tpu.vector_store %arg10[%parallel_loop3A_411], %parallel_loop3A_414 {strides = array<i32>} : memref<12288xf32, #tpu.memory_space<vmem>>, vector<16xf32>,
        %parallel_loop3A_415 = arith.constant 96 : i32
        %parallel_loop3A_416 = arith.addi %parallel_loop3A_172, %parallel_loop3A_415 : i32
        %parallel_loop3A_417 = arith.index_cast %parallel_loop3A_416 : i32 to index
        %parallel_loop3A_418 = tpu.vector_load %arg6[%parallel_loop3A_417] {strides = array<i32>} : memref<49152xf32, #tpu.memory_space<vmem>>, vector<16xf32>,
        %parallel_loop3A_419 = vector.shape_cast %parallel_loop3A_418 : vector<16xf32> to vector<16xf32>
        %parallel_loop3A_420 = arith.mulf %parallel_loop3A_419, %parallel_loop3A_140 : vector<16xf32>
        %parallel_loop3A_421 = arith.constant 128 : i32
        %parallel_loop3A_422 = arith.addi %parallel_loop3A_172, %parallel_loop3A_421 : i32
        %parallel_loop3A_423 = arith.constant 96 : i32
        %parallel_loop3A_424 = arith.addi %parallel_loop3A_422, %parallel_loop3A_423 : i32
        %parallel_loop3A_425 = arith.index_cast %parallel_loop3A_424 : i32 to index
        %parallel_loop3A_426 = tpu.vector_load %arg6[%parallel_loop3A_425] {strides = array<i32>} : memref<49152xf32, #tpu.memory_space<vmem>>, vector<16xf32>,
        %parallel_loop3A_427 = vector.shape_cast %parallel_loop3A_426 : vector<16xf32> to vector<16xf32>
        %parallel_loop3A_428 = arith.mulf %parallel_loop3A_427, %parallel_loop3A_144 : vector<16xf32>
        %parallel_loop3A_429 = arith.addf %parallel_loop3A_420, %parallel_loop3A_428 : vector<16xf32>
        %parallel_loop3A_430 = arith.constant 256 : i32
        %parallel_loop3A_431 = arith.addi %parallel_loop3A_172, %parallel_loop3A_430 : i32
        %parallel_loop3A_432 = arith.constant 96 : i32
        %parallel_loop3A_433 = arith.addi %parallel_loop3A_431, %parallel_loop3A_432 : i32
        %parallel_loop3A_434 = arith.index_cast %parallel_loop3A_433 : i32 to index
        %parallel_loop3A_435 = tpu.vector_load %arg6[%parallel_loop3A_434] {strides = array<i32>} : memref<49152xf32, #tpu.memory_space<vmem>>, vector<16xf32>,
        %parallel_loop3A_436 = vector.shape_cast %parallel_loop3A_435 : vector<16xf32> to vector<16xf32>
        %parallel_loop3A_437 = arith.mulf %parallel_loop3A_436, %parallel_loop3A_148 : vector<16xf32>
        %parallel_loop3A_438 = arith.constant 384 : i32
        %parallel_loop3A_439 = arith.addi %parallel_loop3A_172, %parallel_loop3A_438 : i32
        %parallel_loop3A_440 = arith.constant 96 : i32
        %parallel_loop3A_441 = arith.addi %parallel_loop3A_439, %parallel_loop3A_440 : i32
        %parallel_loop3A_442 = arith.index_cast %parallel_loop3A_441 : i32 to index
        %parallel_loop3A_443 = tpu.vector_load %arg6[%parallel_loop3A_442] {strides = array<i32>} : memref<49152xf32, #tpu.memory_space<vmem>>, vector<16xf32>,
        %parallel_loop3A_444 = vector.shape_cast %parallel_loop3A_443 : vector<16xf32> to vector<16xf32>
        %parallel_loop3A_445 = arith.mulf %parallel_loop3A_444, %parallel_loop3A_152 : vector<16xf32>
        %parallel_loop3A_446 = arith.addf %parallel_loop3A_437, %parallel_loop3A_445 : vector<16xf32>
        %parallel_loop3A_447 = arith.addf %parallel_loop3A_429, %parallel_loop3A_446 : vector<16xf32>
        %parallel_loop3A_448 = arith.mulf %parallel_loop3A_447, %parallel_loop3A_170 : vector<16xf32>
        %parallel_loop3A_449 = arith.constant 96 : i32
        %parallel_loop3A_450 = arith.addi %parallel_loop3A_174, %parallel_loop3A_449 : i32
        %parallel_loop3A_451 = arith.index_cast %parallel_loop3A_450 : i32 to index
        %parallel_loop3A_452 = tpu.vector_load %arg10[%parallel_loop3A_451] {strides = array<i32>} : memref<12288xf32, #tpu.memory_space<vmem>>, vector<16xf32>,
        %parallel_loop3A_453 = vector.shape_cast %parallel_loop3A_452 : vector<16xf32> to vector<16xf32>
        %parallel_loop3A_454 = vector.shape_cast %parallel_loop3A_448 : vector<16xf32> to vector<16xf32>
        tpu.vector_store %arg10[%parallel_loop3A_451], %parallel_loop3A_454 {strides = array<i32>} : memref<12288xf32, #tpu.memory_space<vmem>>, vector<16xf32>,
        %parallel_loop3A_455 = arith.constant 112 : i32
        %parallel_loop3A_456 = arith.addi %parallel_loop3A_172, %parallel_loop3A_455 : i32
        %parallel_loop3A_457 = arith.index_cast %parallel_loop3A_456 : i32 to index
        %parallel_loop3A_458 = tpu.vector_load %arg6[%parallel_loop3A_457] {strides = array<i32>} : memref<49152xf32, #tpu.memory_space<vmem>>, vector<16xf32>,
        %parallel_loop3A_459 = vector.shape_cast %parallel_loop3A_458 : vector<16xf32> to vector<16xf32>
        %parallel_loop3A_460 = arith.mulf %parallel_loop3A_459, %parallel_loop3A_140 : vector<16xf32>
        %parallel_loop3A_461 = arith.constant 128 : i32
        %parallel_loop3A_462 = arith.addi %parallel_loop3A_172, %parallel_loop3A_461 : i32
        %parallel_loop3A_463 = arith.constant 112 : i32
        %parallel_loop3A_464 = arith.addi %parallel_loop3A_462, %parallel_loop3A_463 : i32
        %parallel_loop3A_465 = arith.index_cast %parallel_loop3A_464 : i32 to index
        %parallel_loop3A_466 = tpu.vector_load %arg6[%parallel_loop3A_465] {strides = array<i32>} : memref<49152xf32, #tpu.memory_space<vmem>>, vector<16xf32>,
        %parallel_loop3A_467 = vector.shape_cast %parallel_loop3A_466 : vector<16xf32> to vector<16xf32>
        %parallel_loop3A_468 = arith.mulf %parallel_loop3A_467, %parallel_loop3A_144 : vector<16xf32>
        %parallel_loop3A_469 = arith.addf %parallel_loop3A_460, %parallel_loop3A_468 : vector<16xf32>
        %parallel_loop3A_470 = arith.constant 256 : i32
        %parallel_loop3A_471 = arith.addi %parallel_loop3A_172, %parallel_loop3A_470 : i32
        %parallel_loop3A_472 = arith.constant 112 : i32
        %parallel_loop3A_473 = arith.addi %parallel_loop3A_471, %parallel_loop3A_472 : i32
        %parallel_loop3A_474 = arith.index_cast %parallel_loop3A_473 : i32 to index
        %parallel_loop3A_475 = tpu.vector_load %arg6[%parallel_loop3A_474] {strides = array<i32>} : memref<49152xf32, #tpu.memory_space<vmem>>, vector<16xf32>,
        %parallel_loop3A_476 = vector.shape_cast %parallel_loop3A_475 : vector<16xf32> to vector<16xf32>
        %parallel_loop3A_477 = arith.mulf %parallel_loop3A_476, %parallel_loop3A_148 : vector<16xf32>
        %parallel_loop3A_478 = arith.constant 384 : i32
        %parallel_loop3A_479 = arith.addi %parallel_loop3A_172, %parallel_loop3A_478 : i32
        %parallel_loop3A_480 = arith.constant 112 : i32
        %parallel_loop3A_481 = arith.addi %parallel_loop3A_479, %parallel_loop3A_480 : i32
        %parallel_loop3A_482 = arith.index_cast %parallel_loop3A_481 : i32 to index
        %parallel_loop3A_483 = tpu.vector_load %arg6[%parallel_loop3A_482] {strides = array<i32>} : memref<49152xf32, #tpu.memory_space<vmem>>, vector<16xf32>,
        %parallel_loop3A_484 = vector.shape_cast %parallel_loop3A_483 : vector<16xf32> to vector<16xf32>
        %parallel_loop3A_485 = arith.mulf %parallel_loop3A_484, %parallel_loop3A_152 : vector<16xf32>
        %parallel_loop3A_486 = arith.addf %parallel_loop3A_477, %parallel_loop3A_485 : vector<16xf32>
        %parallel_loop3A_487 = arith.addf %parallel_loop3A_469, %parallel_loop3A_486 : vector<16xf32>
        %parallel_loop3A_488 = arith.mulf %parallel_loop3A_487, %parallel_loop3A_170 : vector<16xf32>
        %parallel_loop3A_489 = arith.constant 112 : i32
        %parallel_loop3A_490 = arith.addi %parallel_loop3A_174, %parallel_loop3A_489 : i32
        %parallel_loop3A_491 = arith.index_cast %parallel_loop3A_490 : i32 to index
        %parallel_loop3A_492 = tpu.vector_load %arg10[%parallel_loop3A_491] {strides = array<i32>} : memref<12288xf32, #tpu.memory_space<vmem>>, vector<16xf32>,
        %parallel_loop3A_493 = vector.shape_cast %parallel_loop3A_492 : vector<16xf32> to vector<16xf32>
        %parallel_loop3A_494 = vector.shape_cast %parallel_loop3A_488 : vector<16xf32> to vector<16xf32>
        tpu.vector_store %arg10[%parallel_loop3A_491], %parallel_loop3A_494 {strides = array<i32>} : memref<12288xf32, #tpu.memory_space<vmem>>, vector<16xf32>,
      } {sc.loop_unroll_factor = 8 : i64, sc.parallel_access}
      %parallel_loop3A_76 = arith.constant 0 : i32
      %parallel_loop3A_77 = arith.constant 6 : i32
      %parallel_loop3A_78 = arith.constant 1 : i32
      scf.for %parallel_loop3A_131 = %parallel_loop3A_76 to %parallel_loop3A_77 step %parallel_loop3A_78  : i32 {
        %parallel_loop3A_132 = arith.constant 0.000000e+00 : f32
        %parallel_loop3A_133 = vector.broadcast %parallel_loop3A_132 : f32 to vector<16xf32>
        %parallel_loop3A_134 = arith.constant 16 : i32
        %parallel_loop3A_135 = arith.muli %parallel_loop3A_131, %parallel_loop3A_134 : i32
        %parallel_loop3A_136 = arith.constant 0 : i32
        %parallel_loop3A_137 = arith.addi %parallel_loop3A_135, %parallel_loop3A_136 : i32
        %parallel_loop3A_138 = arith.constant 16 : i32
        %parallel_loop3A_139 = arith.muli %parallel_loop3A_137, %parallel_loop3A_138 : i32
        %parallel_loop3A_140 = arith.index_cast %parallel_loop3A_139 : i32 to index
        %parallel_loop3A_141 = tpu.vector_load %arg12[%parallel_loop3A_140] {strides = array<i32>} : memref<1536xf32, #tpu.memory_space<vmem>>, vector<16xf32>,
        %parallel_loop3A_142 = vector.shape_cast %parallel_loop3A_141 : vector<16xf32> to vector<16xf32>
        %parallel_loop3A_143 = arith.constant 0 : i32
        %parallel_loop3A_144 = vector.broadcast %parallel_loop3A_143 : i32 to vector<16xi32>
        %parallel_loop3A_145 = arith.cmpi eq, %iota3A, %parallel_loop3A_144 : vector<16xi32>
        %parallel_loop3A_146 = arith.select %parallel_loop3A_145, %parallel_loop3A_142, %parallel_loop3A_133 : vector<16xi1>, vector<16xf32>
        %parallel_loop3A_147 = arith.constant 16 : i32
        %parallel_loop3A_148 = arith.muli %parallel_loop3A_131, %parallel_loop3A_147 : i32
        %parallel_loop3A_149 = arith.constant 1 : i32
        %parallel_loop3A_150 = arith.addi %parallel_loop3A_148, %parallel_loop3A_149 : i32
        %parallel_loop3A_151 = arith.constant 16 : i32
        %parallel_loop3A_152 = arith.muli %parallel_loop3A_150, %parallel_loop3A_151 : i32
        %parallel_loop3A_153 = arith.index_cast %parallel_loop3A_152 : i32 to index
        %parallel_loop3A_154 = tpu.vector_load %arg12[%parallel_loop3A_153] {strides = array<i32>} : memref<1536xf32, #tpu.memory_space<vmem>>, vector<16xf32>,
        %parallel_loop3A_155 = vector.shape_cast %parallel_loop3A_154 : vector<16xf32> to vector<16xf32>
        %parallel_loop3A_156 = arith.constant 1 : i32
        %parallel_loop3A_157 = vector.broadcast %parallel_loop3A_156 : i32 to vector<16xi32>
        %parallel_loop3A_158 = arith.cmpi eq, %iota3A, %parallel_loop3A_157 : vector<16xi32>
        %parallel_loop3A_159 = arith.select %parallel_loop3A_158, %parallel_loop3A_155, %parallel_loop3A_146 : vector<16xi1>, vector<16xf32>
        %parallel_loop3A_160 = arith.constant 16 : i32
        %parallel_loop3A_161 = arith.muli %parallel_loop3A_131, %parallel_loop3A_160 : i32
        %parallel_loop3A_162 = arith.constant 2 : i32
        %parallel_loop3A_163 = arith.addi %parallel_loop3A_161, %parallel_loop3A_162 : i32
        %parallel_loop3A_164 = arith.constant 16 : i32
        %parallel_loop3A_165 = arith.muli %parallel_loop3A_163, %parallel_loop3A_164 : i32
        %parallel_loop3A_166 = arith.index_cast %parallel_loop3A_165 : i32 to index
        %parallel_loop3A_167 = tpu.vector_load %arg12[%parallel_loop3A_166] {strides = array<i32>} : memref<1536xf32, #tpu.memory_space<vmem>>, vector<16xf32>,
        %parallel_loop3A_168 = vector.shape_cast %parallel_loop3A_167 : vector<16xf32> to vector<16xf32>
        %parallel_loop3A_169 = arith.constant 2 : i32
        %parallel_loop3A_170 = vector.broadcast %parallel_loop3A_169 : i32 to vector<16xi32>
        %parallel_loop3A_171 = arith.cmpi eq, %iota3A, %parallel_loop3A_170 : vector<16xi32>
        %parallel_loop3A_172 = arith.select %parallel_loop3A_171, %parallel_loop3A_168, %parallel_loop3A_159 : vector<16xi1>, vector<16xf32>
        %parallel_loop3A_173 = arith.constant 16 : i32
        %parallel_loop3A_174 = arith.muli %parallel_loop3A_131, %parallel_loop3A_173 : i32
        %parallel_loop3A_175 = arith.constant 3 : i32
        %parallel_loop3A_176 = arith.addi %parallel_loop3A_174, %parallel_loop3A_175 : i32
        %parallel_loop3A_177 = arith.constant 16 : i32
        %parallel_loop3A_178 = arith.muli %parallel_loop3A_176, %parallel_loop3A_177 : i32
        %parallel_loop3A_179 = arith.index_cast %parallel_loop3A_178 : i32 to index
        %parallel_loop3A_180 = tpu.vector_load %arg12[%parallel_loop3A_179] {strides = array<i32>} : memref<1536xf32, #tpu.memory_space<vmem>>, vector<16xf32>,
        %parallel_loop3A_181 = vector.shape_cast %parallel_loop3A_180 : vector<16xf32> to vector<16xf32>
        %parallel_loop3A_182 = arith.constant 3 : i32
        %parallel_loop3A_183 = vector.broadcast %parallel_loop3A_182 : i32 to vector<16xi32>
        %parallel_loop3A_184 = arith.cmpi eq, %iota3A, %parallel_loop3A_183 : vector<16xi32>
        %parallel_loop3A_185 = arith.select %parallel_loop3A_184, %parallel_loop3A_181, %parallel_loop3A_172 : vector<16xi1>, vector<16xf32>
        %parallel_loop3A_186 = arith.constant 16 : i32
        %parallel_loop3A_187 = arith.muli %parallel_loop3A_131, %parallel_loop3A_186 : i32
        %parallel_loop3A_188 = arith.constant 4 : i32
        %parallel_loop3A_189 = arith.addi %parallel_loop3A_187, %parallel_loop3A_188 : i32
        %parallel_loop3A_190 = arith.constant 16 : i32
        %parallel_loop3A_191 = arith.muli %parallel_loop3A_189, %parallel_loop3A_190 : i32
        %parallel_loop3A_192 = arith.index_cast %parallel_loop3A_191 : i32 to index
        %parallel_loop3A_193 = tpu.vector_load %arg12[%parallel_loop3A_192] {strides = array<i32>} : memref<1536xf32, #tpu.memory_space<vmem>>, vector<16xf32>,
        %parallel_loop3A_194 = vector.shape_cast %parallel_loop3A_193 : vector<16xf32> to vector<16xf32>
        %parallel_loop3A_195 = arith.constant 4 : i32
        %parallel_loop3A_196 = vector.broadcast %parallel_loop3A_195 : i32 to vector<16xi32>
        %parallel_loop3A_197 = arith.cmpi eq, %iota3A, %parallel_loop3A_196 : vector<16xi32>
        %parallel_loop3A_198 = arith.select %parallel_loop3A_197, %parallel_loop3A_194, %parallel_loop3A_185 : vector<16xi1>, vector<16xf32>
        %parallel_loop3A_199 = arith.constant 16 : i32
        %parallel_loop3A_200 = arith.muli %parallel_loop3A_131, %parallel_loop3A_199 : i32
        %parallel_loop3A_201 = arith.constant 5 : i32
        %parallel_loop3A_202 = arith.addi %parallel_loop3A_200, %parallel_loop3A_201 : i32
        %parallel_loop3A_203 = arith.constant 16 : i32
        %parallel_loop3A_204 = arith.muli %parallel_loop3A_202, %parallel_loop3A_203 : i32
        %parallel_loop3A_205 = arith.index_cast %parallel_loop3A_204 : i32 to index
        %parallel_loop3A_206 = tpu.vector_load %arg12[%parallel_loop3A_205] {strides = array<i32>} : memref<1536xf32, #tpu.memory_space<vmem>>, vector<16xf32>,
        %parallel_loop3A_207 = vector.shape_cast %parallel_loop3A_206 : vector<16xf32> to vector<16xf32>
        %parallel_loop3A_208 = arith.constant 5 : i32
        %parallel_loop3A_209 = vector.broadcast %parallel_loop3A_208 : i32 to vector<16xi32>
        %parallel_loop3A_210 = arith.cmpi eq, %iota3A, %parallel_loop3A_209 : vector<16xi32>
        %parallel_loop3A_211 = arith.select %parallel_loop3A_210, %parallel_loop3A_207, %parallel_loop3A_198 : vector<16xi1>, vector<16xf32>
        %parallel_loop3A_212 = arith.constant 16 : i32
        %parallel_loop3A_213 = arith.muli %parallel_loop3A_131, %parallel_loop3A_212 : i32
        %parallel_loop3A_214 = arith.constant 6 : i32
        %parallel_loop3A_215 = arith.addi %parallel_loop3A_213, %parallel_loop3A_214 : i32
        %parallel_loop3A_216 = arith.constant 16 : i32
        %parallel_loop3A_217 = arith.muli %parallel_loop3A_215, %parallel_loop3A_216 : i32
        %parallel_loop3A_218 = arith.index_cast %parallel_loop3A_217 : i32 to index
        %parallel_loop3A_219 = tpu.vector_load %arg12[%parallel_loop3A_218] {strides = array<i32>} : memref<1536xf32, #tpu.memory_space<vmem>>, vector<16xf32>,
        %parallel_loop3A_220 = vector.shape_cast %parallel_loop3A_219 : vector<16xf32> to vector<16xf32>
        %parallel_loop3A_221 = arith.constant 6 : i32
        %parallel_loop3A_222 = vector.broadcast %parallel_loop3A_221 : i32 to vector<16xi32>
        %parallel_loop3A_223 = arith.cmpi eq, %iota3A, %parallel_loop3A_222 : vector<16xi32>
        %parallel_loop3A_224 = arith.select %parallel_loop3A_223, %parallel_loop3A_220, %parallel_loop3A_211 : vector<16xi1>, vector<16xf32>
        %parallel_loop3A_225 = arith.constant 16 : i32
        %parallel_loop3A_226 = arith.muli %parallel_loop3A_131, %parallel_loop3A_225 : i32
        %parallel_loop3A_227 = arith.constant 7 : i32
        %parallel_loop3A_228 = arith.addi %parallel_loop3A_226, %parallel_loop3A_227 : i32
        %parallel_loop3A_229 = arith.constant 16 : i32
        %parallel_loop3A_230 = arith.muli %parallel_loop3A_228, %parallel_loop3A_229 : i32
        %parallel_loop3A_231 = arith.index_cast %parallel_loop3A_230 : i32 to index
        %parallel_loop3A_232 = tpu.vector_load %arg12[%parallel_loop3A_231] {strides = array<i32>} : memref<1536xf32, #tpu.memory_space<vmem>>, vector<16xf32>,
        %parallel_loop3A_233 = vector.shape_cast %parallel_loop3A_232 : vector<16xf32> to vector<16xf32>
        %parallel_loop3A_234 = arith.constant 7 : i32
        %parallel_loop3A_235 = vector.broadcast %parallel_loop3A_234 : i32 to vector<16xi32>
        %parallel_loop3A_236 = arith.cmpi eq, %iota3A, %parallel_loop3A_235 : vector<16xi32>
        %parallel_loop3A_237 = arith.select %parallel_loop3A_236, %parallel_loop3A_233, %parallel_loop3A_224 : vector<16xi1>, vector<16xf32>
        %parallel_loop3A_238 = arith.constant 16 : i32
        %parallel_loop3A_239 = arith.muli %parallel_loop3A_131, %parallel_loop3A_238 : i32
        %parallel_loop3A_240 = arith.constant 8 : i32
        %parallel_loop3A_241 = arith.addi %parallel_loop3A_239, %parallel_loop3A_240 : i32
        %parallel_loop3A_242 = arith.constant 16 : i32
        %parallel_loop3A_243 = arith.muli %parallel_loop3A_241, %parallel_loop3A_242 : i32
        %parallel_loop3A_244 = arith.index_cast %parallel_loop3A_243 : i32 to index
        %parallel_loop3A_245 = tpu.vector_load %arg12[%parallel_loop3A_244] {strides = array<i32>} : memref<1536xf32, #tpu.memory_space<vmem>>, vector<16xf32>,
        %parallel_loop3A_246 = vector.shape_cast %parallel_loop3A_245 : vector<16xf32> to vector<16xf32>
        %parallel_loop3A_247 = arith.constant 8 : i32
        %parallel_loop3A_248 = vector.broadcast %parallel_loop3A_247 : i32 to vector<16xi32>
        %parallel_loop3A_249 = arith.cmpi eq, %iota3A, %parallel_loop3A_248 : vector<16xi32>
        %parallel_loop3A_250 = arith.select %parallel_loop3A_249, %parallel_loop3A_246, %parallel_loop3A_237 : vector<16xi1>, vector<16xf32>
        %parallel_loop3A_251 = arith.constant 16 : i32
        %parallel_loop3A_252 = arith.muli %parallel_loop3A_131, %parallel_loop3A_251 : i32
        %parallel_loop3A_253 = arith.constant 9 : i32
        %parallel_loop3A_254 = arith.addi %parallel_loop3A_252, %parallel_loop3A_253 : i32
        %parallel_loop3A_255 = arith.constant 16 : i32
        %parallel_loop3A_256 = arith.muli %parallel_loop3A_254, %parallel_loop3A_255 : i32
        %parallel_loop3A_257 = arith.index_cast %parallel_loop3A_256 : i32 to index
        %parallel_loop3A_258 = tpu.vector_load %arg12[%parallel_loop3A_257] {strides = array<i32>} : memref<1536xf32, #tpu.memory_space<vmem>>, vector<16xf32>,
        %parallel_loop3A_259 = vector.shape_cast %parallel_loop3A_258 : vector<16xf32> to vector<16xf32>
        %parallel_loop3A_260 = arith.constant 9 : i32
        %parallel_loop3A_261 = vector.broadcast %parallel_loop3A_260 : i32 to vector<16xi32>
        %parallel_loop3A_262 = arith.cmpi eq, %iota3A, %parallel_loop3A_261 : vector<16xi32>
        %parallel_loop3A_263 = arith.select %parallel_loop3A_262, %parallel_loop3A_259, %parallel_loop3A_250 : vector<16xi1>, vector<16xf32>
        %parallel_loop3A_264 = arith.constant 16 : i32
        %parallel_loop3A_265 = arith.muli %parallel_loop3A_131, %parallel_loop3A_264 : i32
        %parallel_loop3A_266 = arith.constant 10 : i32
        %parallel_loop3A_267 = arith.addi %parallel_loop3A_265, %parallel_loop3A_266 : i32
        %parallel_loop3A_268 = arith.constant 16 : i32
        %parallel_loop3A_269 = arith.muli %parallel_loop3A_267, %parallel_loop3A_268 : i32
        %parallel_loop3A_270 = arith.index_cast %parallel_loop3A_269 : i32 to index
        %parallel_loop3A_271 = tpu.vector_load %arg12[%parallel_loop3A_270] {strides = array<i32>} : memref<1536xf32, #tpu.memory_space<vmem>>, vector<16xf32>,
        %parallel_loop3A_272 = vector.shape_cast %parallel_loop3A_271 : vector<16xf32> to vector<16xf32>
        %parallel_loop3A_273 = arith.constant 10 : i32
        %parallel_loop3A_274 = vector.broadcast %parallel_loop3A_273 : i32 to vector<16xi32>
        %parallel_loop3A_275 = arith.cmpi eq, %iota3A, %parallel_loop3A_274 : vector<16xi32>
        %parallel_loop3A_276 = arith.select %parallel_loop3A_275, %parallel_loop3A_272, %parallel_loop3A_263 : vector<16xi1>, vector<16xf32>
        %parallel_loop3A_277 = arith.constant 16 : i32
        %parallel_loop3A_278 = arith.muli %parallel_loop3A_131, %parallel_loop3A_277 : i32
        %parallel_loop3A_279 = arith.constant 11 : i32
        %parallel_loop3A_280 = arith.addi %parallel_loop3A_278, %parallel_loop3A_279 : i32
        %parallel_loop3A_281 = arith.constant 16 : i32
        %parallel_loop3A_282 = arith.muli %parallel_loop3A_280, %parallel_loop3A_281 : i32
        %parallel_loop3A_283 = arith.index_cast %parallel_loop3A_282 : i32 to index
        %parallel_loop3A_284 = tpu.vector_load %arg12[%parallel_loop3A_283] {strides = array<i32>} : memref<1536xf32, #tpu.memory_space<vmem>>, vector<16xf32>,
        %parallel_loop3A_285 = vector.shape_cast %parallel_loop3A_284 : vector<16xf32> to vector<16xf32>
        %parallel_loop3A_286 = arith.constant 11 : i32
        %parallel_loop3A_287 = vector.broadcast %parallel_loop3A_286 : i32 to vector<16xi32>
        %parallel_loop3A_288 = arith.cmpi eq, %iota3A, %parallel_loop3A_287 : vector<16xi32>
        %parallel_loop3A_289 = arith.select %parallel_loop3A_288, %parallel_loop3A_285, %parallel_loop3A_276 : vector<16xi1>, vector<16xf32>
        %parallel_loop3A_290 = arith.constant 16 : i32
        %parallel_loop3A_291 = arith.muli %parallel_loop3A_131, %parallel_loop3A_290 : i32
        %parallel_loop3A_292 = arith.constant 12 : i32
        %parallel_loop3A_293 = arith.addi %parallel_loop3A_291, %parallel_loop3A_292 : i32
        %parallel_loop3A_294 = arith.constant 16 : i32
        %parallel_loop3A_295 = arith.muli %parallel_loop3A_293, %parallel_loop3A_294 : i32
        %parallel_loop3A_296 = arith.index_cast %parallel_loop3A_295 : i32 to index
        %parallel_loop3A_297 = tpu.vector_load %arg12[%parallel_loop3A_296] {strides = array<i32>} : memref<1536xf32, #tpu.memory_space<vmem>>, vector<16xf32>,
        %parallel_loop3A_298 = vector.shape_cast %parallel_loop3A_297 : vector<16xf32> to vector<16xf32>
        %parallel_loop3A_299 = arith.constant 12 : i32
        %parallel_loop3A_300 = vector.broadcast %parallel_loop3A_299 : i32 to vector<16xi32>
        %parallel_loop3A_301 = arith.cmpi eq, %iota3A, %parallel_loop3A_300 : vector<16xi32>
        %parallel_loop3A_302 = arith.select %parallel_loop3A_301, %parallel_loop3A_298, %parallel_loop3A_289 : vector<16xi1>, vector<16xf32>
        %parallel_loop3A_303 = arith.constant 16 : i32
        %parallel_loop3A_304 = arith.muli %parallel_loop3A_131, %parallel_loop3A_303 : i32
        %parallel_loop3A_305 = arith.constant 13 : i32
        %parallel_loop3A_306 = arith.addi %parallel_loop3A_304, %parallel_loop3A_305 : i32
        %parallel_loop3A_307 = arith.constant 16 : i32
        %parallel_loop3A_308 = arith.muli %parallel_loop3A_306, %parallel_loop3A_307 : i32
        %parallel_loop3A_309 = arith.index_cast %parallel_loop3A_308 : i32 to index
        %parallel_loop3A_310 = tpu.vector_load %arg12[%parallel_loop3A_309] {strides = array<i32>} : memref<1536xf32, #tpu.memory_space<vmem>>, vector<16xf32>,
        %parallel_loop3A_311 = vector.shape_cast %parallel_loop3A_310 : vector<16xf32> to vector<16xf32>
        %parallel_loop3A_312 = arith.constant 13 : i32
        %parallel_loop3A_313 = vector.broadcast %parallel_loop3A_312 : i32 to vector<16xi32>
        %parallel_loop3A_314 = arith.cmpi eq, %iota3A, %parallel_loop3A_313 : vector<16xi32>
        %parallel_loop3A_315 = arith.select %parallel_loop3A_314, %parallel_loop3A_311, %parallel_loop3A_302 : vector<16xi1>, vector<16xf32>
        %parallel_loop3A_316 = arith.constant 16 : i32
        %parallel_loop3A_317 = arith.muli %parallel_loop3A_131, %parallel_loop3A_316 : i32
        %parallel_loop3A_318 = arith.constant 14 : i32
        %parallel_loop3A_319 = arith.addi %parallel_loop3A_317, %parallel_loop3A_318 : i32
        %parallel_loop3A_320 = arith.constant 16 : i32
        %parallel_loop3A_321 = arith.muli %parallel_loop3A_319, %parallel_loop3A_320 : i32
        %parallel_loop3A_322 = arith.index_cast %parallel_loop3A_321 : i32 to index
        %parallel_loop3A_323 = tpu.vector_load %arg12[%parallel_loop3A_322] {strides = array<i32>} : memref<1536xf32, #tpu.memory_space<vmem>>, vector<16xf32>,
        %parallel_loop3A_324 = vector.shape_cast %parallel_loop3A_323 : vector<16xf32> to vector<16xf32>
        %parallel_loop3A_325 = arith.constant 14 : i32
        %parallel_loop3A_326 = vector.broadcast %parallel_loop3A_325 : i32 to vector<16xi32>
        %parallel_loop3A_327 = arith.cmpi eq, %iota3A, %parallel_loop3A_326 : vector<16xi32>
        %parallel_loop3A_328 = arith.select %parallel_loop3A_327, %parallel_loop3A_324, %parallel_loop3A_315 : vector<16xi1>, vector<16xf32>
        %parallel_loop3A_329 = arith.constant 16 : i32
        %parallel_loop3A_330 = arith.muli %parallel_loop3A_131, %parallel_loop3A_329 : i32
        %parallel_loop3A_331 = arith.constant 15 : i32
        %parallel_loop3A_332 = arith.addi %parallel_loop3A_330, %parallel_loop3A_331 : i32
        %parallel_loop3A_333 = arith.constant 16 : i32
        %parallel_loop3A_334 = arith.muli %parallel_loop3A_332, %parallel_loop3A_333 : i32
        %parallel_loop3A_335 = arith.index_cast %parallel_loop3A_334 : i32 to index
        %parallel_loop3A_336 = tpu.vector_load %arg12[%parallel_loop3A_335] {strides = array<i32>} : memref<1536xf32, #tpu.memory_space<vmem>>, vector<16xf32>,
        %parallel_loop3A_337 = vector.shape_cast %parallel_loop3A_336 : vector<16xf32> to vector<16xf32>
        %parallel_loop3A_338 = arith.constant 15 : i32
        %parallel_loop3A_339 = vector.broadcast %parallel_loop3A_338 : i32 to vector<16xi32>
        %parallel_loop3A_340 = arith.cmpi eq, %iota3A, %parallel_loop3A_339 : vector<16xi32>
        %parallel_loop3A_341 = arith.select %parallel_loop3A_340, %parallel_loop3A_337, %parallel_loop3A_328 : vector<16xi1>, vector<16xf32>
        %parallel_loop3A_342 = arith.constant 16 : i32
        %parallel_loop3A_343 = arith.muli %parallel_loop3A_131, %parallel_loop3A_342 : i32
        %parallel_loop3A_344 = arith.index_cast %parallel_loop3A_343 : i32 to index
        %parallel_loop3A_345 = tpu.vector_load %arg14[%parallel_loop3A_344] {strides = array<i32>} : memref<96xf32, #tpu.memory_space<vmem>>, vector<16xf32>,
        %parallel_loop3A_346 = vector.shape_cast %parallel_loop3A_345 : vector<16xf32> to vector<16xf32>
        %parallel_loop3A_347 = vector.shape_cast %parallel_loop3A_341 : vector<16xf32> to vector<16xf32>
        tpu.vector_store %arg14[%parallel_loop3A_344], %parallel_loop3A_347 {strides = array<i32>} : memref<96xf32, #tpu.memory_space<vmem>>, vector<16xf32>,
      } {sc.loop_unroll_factor = 2 : i64, sc.parallel_access}
      %mul3A_79 = arith.constant 96 : i32
      %mul3A_80 = arith.muli %add3A_42, %mul3A_79 : i32
      %add3A_81 = arith.addi %mul3A_2, %mul3A_80 : i32
      %mul3A_82 = arith.constant 128 : i32
      %mul3A_83 = arith.muli %add3A_81, %mul3A_82 : i32
      %dma_start3A_84 = tpu.memref_slice %arg4[%mul3A_83] : memref<12582912xf32, #tpu.memory_space<hbm>> -> memref<12288xf32, #tpu.memory_space<hbm>>
      %dma_start3A_85 = tpu.memref_slice %arg4[%mul3A_83] : memref<12582912xf32, #tpu.memory_space<hbm>> -> memref<12288xf32, #tpu.memory_space<hbm>>
      tpu.enqueue_dma source(%arg10 : memref<12288xf32, #tpu.memory_space<vmem>>) target(%dma_start3A_85 : memref<12288xf32, #tpu.memory_space<hbm>>) target_semaphore(%arg18 : memref<!tpu.dma_semaphore, #tpu.memory_space<semaphore_mem>>)
      %dma_start3A_86 = tpu.memref_slice %arg5[%add3A_81] : memref<98304xf32, #tpu.memory_space<hbm>> -> memref<96xf32, #tpu.memory_space<hbm>>
      %dma_start3A_87 = tpu.memref_slice %arg5[%add3A_81] : memref<98304xf32, #tpu.memory_space<hbm>> -> memref<96xf32, #tpu.memory_space<hbm>>
      tpu.enqueue_dma source(%arg14 : memref<96xf32, #tpu.memory_space<vmem>>) target(%dma_start3A_87 : memref<96xf32, #tpu.memory_space<hbm>>) target_semaphore(%arg18 : memref<!tpu.dma_semaphore, #tpu.memory_space<semaphore_mem>>)
      %mul3A_88 = arith.constant 2 : i32
      %mul3A_89 = arith.muli %mul3A_88, %scan3A_37 : i32
      %add3A_90 = arith.constant 1 : i32
      %add3A_91 = arith.addi %mul3A_89, %add3A_90 : i32
      %add3A_92 = arith.constant 1 : i32
      %add3A_93 = arith.addi %add3A_91, %add3A_92 : i32
      %lt3A = arith.constant 32 : i32
      %lt3A_94 = arith.cmpi slt, %add3A_93, %lt3A : i32
      %convert_element_type3A_95 = arith.extui %lt3A_94 : i1 to i32
      %cond3A_96 = arith.constant 0 : i32
      %cond3A_97 = arith.cmpi ne, %convert_element_type3A_95, %cond3A_96 : i32
      scf.if %cond3A_97 {
        %add3A_131 = arith.constant 1 : i32
        %add3A_132 = arith.addi %add3A_91, %add3A_131 : i32
        %mul3A_133 = arith.constant 96 : i32
        %mul3A_134 = arith.muli %add3A_132, %mul3A_133 : i32
        %add3A_135 = arith.addi %mul3A_2, %mul3A_134 : i32
        %mul3A_136 = arith.constant 4 : i32
        %mul3A_137 = arith.muli %mul3A_136, %add3A_135 : i32
        %mul3A_138 = arith.constant 128 : i32
        %mul3A_139 = arith.muli %mul3A_137, %mul3A_138 : i32
        %dma_start3A_140 = tpu.memref_slice %arg2[%mul3A_139] : memref<50331648xf32, #tpu.memory_space<hbm>> -> memref<49152xf32, #tpu.memory_space<hbm>>
        %dma_start3A_141 = tpu.memref_slice %arg2[%mul3A_139] : memref<50331648xf32, #tpu.memory_space<hbm>> -> memref<49152xf32, #tpu.memory_space<hbm>>
        tpu.enqueue_dma source(%dma_start3A_141 : memref<49152xf32, #tpu.memory_space<hbm>>) target(%arg6 : memref<49152xf32, #tpu.memory_space<vmem>>) target_semaphore(%arg16 : memref<!tpu.dma_semaphore, #tpu.memory_space<semaphore_mem>>)
        %dma_start3A_142 = arith.constant 0 : i32
        %dma_start3A_143 = tpu.memref_slice %arg8[%dma_start3A_142] : memref<400xf32, #tpu.memory_space<vmem>> -> memref<384xf32, #tpu.memory_space<vmem>>
        %dma_start3A_144 = tpu.memref_slice %arg3[%mul3A_137] : memref<393216xf32, #tpu.memory_space<hbm>> -> memref<384xf32, #tpu.memory_space<hbm>>
        %dma_start3A_145 = arith.constant 0 : i32
        %dma_start3A_146 = tpu.memref_slice %arg8[%dma_start3A_145] : memref<400xf32, #tpu.memory_space<vmem>> -> memref<384xf32, #tpu.memory_space<vmem>>
        %dma_start3A_147 = tpu.memref_slice %arg3[%mul3A_137] : memref<393216xf32, #tpu.memory_space<hbm>> -> memref<384xf32, #tpu.memory_space<hbm>>
        tpu.enqueue_dma source(%dma_start3A_147 : memref<384xf32, #tpu.memory_space<hbm>>) target(%dma_start3A_146 : memref<384xf32, #tpu.memory_space<vmem>>) target_semaphore(%arg16 : memref<!tpu.dma_semaphore, #tpu.memory_space<semaphore_mem>>)
      } else {
      }
      %dma_wait3A_98 = arith.constant 0 : i32
      %dma_wait3A_99 = tpu.memref_slice %arg2[%dma_wait3A_98] : memref<50331648xf32, #tpu.memory_space<hbm>> -> memref<49152xf32, #tpu.memory_space<hbm>>
      %dma_wait3A_100 = arith.constant 0 : i32
      %dma_wait3A_101 = tpu.memref_slice %arg2[%dma_wait3A_100] : memref<50331648xf32, #tpu.memory_space<hbm>> -> memref<49152xf32, #tpu.memory_space<hbm>>
      tpu.wait_dma2 semaphore(%arg17 : memref<!tpu.dma_semaphore, #tpu.memory_space<semaphore_mem>>) src(%dma_wait3A_101 : memref<49152xf32, #tpu.memory_space<hbm>>) dst(%arg7 : memref<49152xf32, #tpu.memory_space<vmem>>)
      %dma_wait3A_102 = arith.constant 0 : i32
      %dma_wait3A_103 = tpu.memref_slice %arg9[%dma_wait3A_102] : memref<400xf32, #tpu.memory_space<vmem>> -> memref<384xf32, #tpu.memory_space<vmem>>
      %dma_wait3A_104 = arith.constant 0 : i32
      %dma_wait3A_105 = tpu.memref_slice %arg3[%dma_wait3A_104] : memref<393216xf32, #tpu.memory_space<hbm>> -> memref<384xf32, #tpu.memory_space<hbm>>
      %dma_wait3A_106 = arith.constant 0 : i32
      %dma_wait3A_107 = tpu.memref_slice %arg9[%dma_wait3A_106] : memref<400xf32, #tpu.memory_space<vmem>> -> memref<384xf32, #tpu.memory_space<vmem>>
      %dma_wait3A_108 = arith.constant 0 : i32
      %dma_wait3A_109 = tpu.memref_slice %arg3[%dma_wait3A_108] : memref<393216xf32, #tpu.memory_space<hbm>> -> memref<384xf32, #tpu.memory_space<hbm>>
      tpu.wait_dma2 semaphore(%arg17 : memref<!tpu.dma_semaphore, #tpu.memory_space<semaphore_mem>>) src(%dma_wait3A_109 : memref<384xf32, #tpu.memory_space<hbm>>) dst(%dma_wait3A_107 : memref<384xf32, #tpu.memory_space<vmem>>)
      %ge3A_110 = arith.constant 2 : i32
      %ge3A_111 = arith.cmpi sge, %add3A_91, %ge3A_110 : i32
      %convert_element_type3A_112 = arith.extui %ge3A_111 : i1 to i32
      %cond3A_113 = arith.constant 0 : i32
      %cond3A_114 = arith.cmpi ne, %convert_element_type3A_112, %cond3A_113 : i32
      scf.if %cond3A_114 {
        %dma_wait3A_131 = arith.constant 0 : i32
        %dma_wait3A_132 = tpu.memref_slice %arg4[%dma_wait3A_131] : memref<12582912xf32, #tpu.memory_space<hbm>> -> memref<12288xf32, #tpu.memory_space<hbm>>
        %dma_wait3A_133 = arith.constant 0 : i32
        %dma_wait3A_134 = tpu.memref_slice %arg4[%dma_wait3A_133] : memref<12582912xf32, #tpu.memory_space<hbm>> -> memref<12288xf32, #tpu.memory_space<hbm>>
        tpu.wait_dma2 semaphore(%arg19 : memref<!tpu.dma_semaphore, #tpu.memory_space<semaphore_mem>>) src(%arg11 : memref<12288xf32, #tpu.memory_space<vmem>>) dst(%dma_wait3A_134 : memref<12288xf32, #tpu.memory_space<hbm>>)
        %dma_wait3A_135 = arith.constant 0 : i32
        %dma_wait3A_136 = tpu.memref_slice %arg5[%dma_wait3A_135] : memref<98304xf32, #tpu.memory_space<hbm>> -> memref<96xf32, #tpu.memory_space<hbm>>
        %dma_wait3A_137 = arith.constant 0 : i32
        %dma_wait3A_138 = tpu.memref_slice %arg5[%dma_wait3A_137] : memref<98304xf32, #tpu.memory_space<hbm>> -> memref<96xf32, #tpu.memory_space<hbm>>
        tpu.wait_dma2 semaphore(%arg19 : memref<!tpu.dma_semaphore, #tpu.memory_space<semaphore_mem>>) src(%arg15 : memref<96xf32, #tpu.memory_space<vmem>>) dst(%dma_wait3A_138 : memref<96xf32, #tpu.memory_space<hbm>>)
      } else {
      }
      %parallel_loop3A_115 = arith.constant 0 : i32
      %parallel_loop3A_116 = arith.constant 96 : i32
      %parallel_loop3A_117 = arith.constant 1 : i32
      scf.for %parallel_loop3A_131 = %parallel_loop3A_115 to %parallel_loop3A_116 step %parallel_loop3A_117  : i32 {
        %parallel_loop3A_132 = arith.constant 4 : i32
        %parallel_loop3A_133 = arith.muli %parallel_loop3A_132, %parallel_loop3A_131 : i32
        %parallel_loop3A_134 = arith.index_cast %parallel_loop3A_133 : i32 to index
        %parallel_loop3A_135 = tpu.vector_load %arg9[%parallel_loop3A_134] {strides = array<i32>} : memref<400xf32, #tpu.memory_space<vmem>>, vector<16xf32>,
        %parallel_loop3A_136 = vector.shape_cast %parallel_loop3A_135 : vector<16xf32> to vector<16xf32>
        %parallel_loop3A_137 = arith.constant 0 : i32
        %parallel_loop3A_138 = vector.broadcast %parallel_loop3A_137 : i32 to vector<16x1xi32>
        %parallel_loop3A_139 = vector.shape_cast %parallel_loop3A_138 : vector<16x1xi32> to vector<16xi32>
        %parallel_loop3A_140 = tpu.dynamic_gather %parallel_loop3A_136[%parallel_loop3A_139] in [0] : vector<16xf32>, vector<16xi32> -> vector<16xf32>
        %parallel_loop3A_141 = arith.constant 1 : i32
        %parallel_loop3A_142 = vector.broadcast %parallel_loop3A_141 : i32 to vector<16x1xi32>
        %parallel_loop3A_143 = vector.shape_cast %parallel_loop3A_142 : vector<16x1xi32> to vector<16xi32>
        %parallel_loop3A_144 = tpu.dynamic_gather %parallel_loop3A_136[%parallel_loop3A_143] in [0] : vector<16xf32>, vector<16xi32> -> vector<16xf32>
        %parallel_loop3A_145 = arith.constant 2 : i32
        %parallel_loop3A_146 = vector.broadcast %parallel_loop3A_145 : i32 to vector<16x1xi32>
        %parallel_loop3A_147 = vector.shape_cast %parallel_loop3A_146 : vector<16x1xi32> to vector<16xi32>
        %parallel_loop3A_148 = tpu.dynamic_gather %parallel_loop3A_136[%parallel_loop3A_147] in [0] : vector<16xf32>, vector<16xi32> -> vector<16xf32>
        %parallel_loop3A_149 = arith.constant 3 : i32
        %parallel_loop3A_150 = vector.broadcast %parallel_loop3A_149 : i32 to vector<16x1xi32>
        %parallel_loop3A_151 = vector.shape_cast %parallel_loop3A_150 : vector<16x1xi32> to vector<16xi32>
        %parallel_loop3A_152 = tpu.dynamic_gather %parallel_loop3A_136[%parallel_loop3A_151] in [0] : vector<16xf32>, vector<16xi32> -> vector<16xf32>
        %parallel_loop3A_153 = arith.addf %parallel_loop3A_140, %parallel_loop3A_144 : vector<16xf32>
        %parallel_loop3A_154 = arith.addf %parallel_loop3A_148, %parallel_loop3A_152 : vector<16xf32>
        %parallel_loop3A_155 = arith.addf %parallel_loop3A_153, %parallel_loop3A_154 : vector<16xf32>
        %parallel_loop3A_156 = arith.constant 2.500000e-01 : f32
        %parallel_loop3A_157 = vector.broadcast %parallel_loop3A_156 : f32 to vector<16xf32>
        %parallel_loop3A_158 = arith.mulf %parallel_loop3A_155, %parallel_loop3A_157 : vector<16xf32>
        %parallel_loop3A_159 = arith.constant 16 : i32
        %parallel_loop3A_160 = arith.muli %parallel_loop3A_131, %parallel_loop3A_159 : i32
        %parallel_loop3A_161 = arith.index_cast %parallel_loop3A_160 : i32 to index
        %parallel_loop3A_162 = tpu.vector_load %arg13[%parallel_loop3A_161] {strides = array<i32>} : memref<1536xf32, #tpu.memory_space<vmem>>, vector<16xf32>,
        %parallel_loop3A_163 = vector.shape_cast %parallel_loop3A_162 : vector<16xf32> to vector<16xf32>
        %parallel_loop3A_164 = vector.shape_cast %parallel_loop3A_158 : vector<16xf32> to vector<16xf32>
        tpu.vector_store %arg13[%parallel_loop3A_161], %parallel_loop3A_164 {strides = array<i32>} : memref<1536xf32, #tpu.memory_space<vmem>>, vector<16xf32>,
        %parallel_loop3A_165 = arith.constant 9.99999997E-7 : f32
        %parallel_loop3A_166 = vector.broadcast %parallel_loop3A_165 : f32 to vector<16xf32>
        %parallel_loop3A_167 = arith.maximumf %parallel_loop3A_155, %parallel_loop3A_166 : vector<16xf32>
        %parallel_loop3A_168 = arith.constant 1.000000e+00 : f32
        %parallel_loop3A_169 = vector.broadcast %parallel_loop3A_168 : f32 to vector<16xf32>
        %parallel_loop3A_170 = arith.divf %parallel_loop3A_169, %parallel_loop3A_167 : vector<16xf32>
        %parallel_loop3A_171 = arith.constant 128 : i32
        %parallel_loop3A_172 = arith.muli %parallel_loop3A_133, %parallel_loop3A_171 : i32
        %parallel_loop3A_173 = arith.constant 128 : i32
        %parallel_loop3A_174 = arith.muli %parallel_loop3A_131, %parallel_loop3A_173 : i32
        %parallel_loop3A_175 = arith.constant 0 : i32
        %parallel_loop3A_176 = arith.addi %parallel_loop3A_172, %parallel_loop3A_175 : i32
        %parallel_loop3A_177 = arith.index_cast %parallel_loop3A_176 : i32 to index
        %parallel_loop3A_178 = tpu.vector_load %arg7[%parallel_loop3A_177] {strides = array<i32>} : memref<49152xf32, #tpu.memory_space<vmem>>, vector<16xf32>,
        %parallel_loop3A_179 = vector.shape_cast %parallel_loop3A_178 : vector<16xf32> to vector<16xf32>
        %parallel_loop3A_180 = arith.mulf %parallel_loop3A_179, %parallel_loop3A_140 : vector<16xf32>
        %parallel_loop3A_181 = arith.constant 128 : i32
        %parallel_loop3A_182 = arith.addi %parallel_loop3A_172, %parallel_loop3A_181 : i32
        %parallel_loop3A_183 = arith.constant 0 : i32
        %parallel_loop3A_184 = arith.addi %parallel_loop3A_182, %parallel_loop3A_183 : i32
        %parallel_loop3A_185 = arith.index_cast %parallel_loop3A_184 : i32 to index
        %parallel_loop3A_186 = tpu.vector_load %arg7[%parallel_loop3A_185] {strides = array<i32>} : memref<49152xf32, #tpu.memory_space<vmem>>, vector<16xf32>,
        %parallel_loop3A_187 = vector.shape_cast %parallel_loop3A_186 : vector<16xf32> to vector<16xf32>
        %parallel_loop3A_188 = arith.mulf %parallel_loop3A_187, %parallel_loop3A_144 : vector<16xf32>
        %parallel_loop3A_189 = arith.addf %parallel_loop3A_180, %parallel_loop3A_188 : vector<16xf32>
        %parallel_loop3A_190 = arith.constant 256 : i32
        %parallel_loop3A_191 = arith.addi %parallel_loop3A_172, %parallel_loop3A_190 : i32
        %parallel_loop3A_192 = arith.constant 0 : i32
        %parallel_loop3A_193 = arith.addi %parallel_loop3A_191, %parallel_loop3A_192 : i32
        %parallel_loop3A_194 = arith.index_cast %parallel_loop3A_193 : i32 to index
        %parallel_loop3A_195 = tpu.vector_load %arg7[%parallel_loop3A_194] {strides = array<i32>} : memref<49152xf32, #tpu.memory_space<vmem>>, vector<16xf32>,
        %parallel_loop3A_196 = vector.shape_cast %parallel_loop3A_195 : vector<16xf32> to vector<16xf32>
        %parallel_loop3A_197 = arith.mulf %parallel_loop3A_196, %parallel_loop3A_148 : vector<16xf32>
        %parallel_loop3A_198 = arith.constant 384 : i32
        %parallel_loop3A_199 = arith.addi %parallel_loop3A_172, %parallel_loop3A_198 : i32
        %parallel_loop3A_200 = arith.constant 0 : i32
        %parallel_loop3A_201 = arith.addi %parallel_loop3A_199, %parallel_loop3A_200 : i32
        %parallel_loop3A_202 = arith.index_cast %parallel_loop3A_201 : i32 to index
        %parallel_loop3A_203 = tpu.vector_load %arg7[%parallel_loop3A_202] {strides = array<i32>} : memref<49152xf32, #tpu.memory_space<vmem>>, vector<16xf32>,
        %parallel_loop3A_204 = vector.shape_cast %parallel_loop3A_203 : vector<16xf32> to vector<16xf32>
        %parallel_loop3A_205 = arith.mulf %parallel_loop3A_204, %parallel_loop3A_152 : vector<16xf32>
        %parallel_loop3A_206 = arith.addf %parallel_loop3A_197, %parallel_loop3A_205 : vector<16xf32>
        %parallel_loop3A_207 = arith.addf %parallel_loop3A_189, %parallel_loop3A_206 : vector<16xf32>
        %parallel_loop3A_208 = arith.mulf %parallel_loop3A_207, %parallel_loop3A_170 : vector<16xf32>
        %parallel_loop3A_209 = arith.constant 0 : i32
        %parallel_loop3A_210 = arith.addi %parallel_loop3A_174, %parallel_loop3A_209 : i32
        %parallel_loop3A_211 = arith.index_cast %parallel_loop3A_210 : i32 to index
        %parallel_loop3A_212 = tpu.vector_load %arg11[%parallel_loop3A_211] {strides = array<i32>} : memref<12288xf32, #tpu.memory_space<vmem>>, vector<16xf32>,
        %parallel_loop3A_213 = vector.shape_cast %parallel_loop3A_212 : vector<16xf32> to vector<16xf32>
        %parallel_loop3A_214 = vector.shape_cast %parallel_loop3A_208 : vector<16xf32> to vector<16xf32>
        tpu.vector_store %arg11[%parallel_loop3A_211], %parallel_loop3A_214 {strides = array<i32>} : memref<12288xf32, #tpu.memory_space<vmem>>, vector<16xf32>,
        %parallel_loop3A_215 = arith.constant 16 : i32
        %parallel_loop3A_216 = arith.addi %parallel_loop3A_172, %parallel_loop3A_215 : i32
        %parallel_loop3A_217 = arith.index_cast %parallel_loop3A_216 : i32 to index
        %parallel_loop3A_218 = tpu.vector_load %arg7[%parallel_loop3A_217] {strides = array<i32>} : memref<49152xf32, #tpu.memory_space<vmem>>, vector<16xf32>,
        %parallel_loop3A_219 = vector.shape_cast %parallel_loop3A_218 : vector<16xf32> to vector<16xf32>
        %parallel_loop3A_220 = arith.mulf %parallel_loop3A_219, %parallel_loop3A_140 : vector<16xf32>
        %parallel_loop3A_221 = arith.constant 128 : i32
        %parallel_loop3A_222 = arith.addi %parallel_loop3A_172, %parallel_loop3A_221 : i32
        %parallel_loop3A_223 = arith.constant 16 : i32
        %parallel_loop3A_224 = arith.addi %parallel_loop3A_222, %parallel_loop3A_223 : i32
        %parallel_loop3A_225 = arith.index_cast %parallel_loop3A_224 : i32 to index
        %parallel_loop3A_226 = tpu.vector_load %arg7[%parallel_loop3A_225] {strides = array<i32>} : memref<49152xf32, #tpu.memory_space<vmem>>, vector<16xf32>,
        %parallel_loop3A_227 = vector.shape_cast %parallel_loop3A_226 : vector<16xf32> to vector<16xf32>
        %parallel_loop3A_228 = arith.mulf %parallel_loop3A_227, %parallel_loop3A_144 : vector<16xf32>
        %parallel_loop3A_229 = arith.addf %parallel_loop3A_220, %parallel_loop3A_228 : vector<16xf32>
        %parallel_loop3A_230 = arith.constant 256 : i32
        %parallel_loop3A_231 = arith.addi %parallel_loop3A_172, %parallel_loop3A_230 : i32
        %parallel_loop3A_232 = arith.constant 16 : i32
        %parallel_loop3A_233 = arith.addi %parallel_loop3A_231, %parallel_loop3A_232 : i32
        %parallel_loop3A_234 = arith.index_cast %parallel_loop3A_233 : i32 to index
        %parallel_loop3A_235 = tpu.vector_load %arg7[%parallel_loop3A_234] {strides = array<i32>} : memref<49152xf32, #tpu.memory_space<vmem>>, vector<16xf32>,
        %parallel_loop3A_236 = vector.shape_cast %parallel_loop3A_235 : vector<16xf32> to vector<16xf32>
        %parallel_loop3A_237 = arith.mulf %parallel_loop3A_236, %parallel_loop3A_148 : vector<16xf32>
        %parallel_loop3A_238 = arith.constant 384 : i32
        %parallel_loop3A_239 = arith.addi %parallel_loop3A_172, %parallel_loop3A_238 : i32
        %parallel_loop3A_240 = arith.constant 16 : i32
        %parallel_loop3A_241 = arith.addi %parallel_loop3A_239, %parallel_loop3A_240 : i32
        %parallel_loop3A_242 = arith.index_cast %parallel_loop3A_241 : i32 to index
        %parallel_loop3A_243 = tpu.vector_load %arg7[%parallel_loop3A_242] {strides = array<i32>} : memref<49152xf32, #tpu.memory_space<vmem>>, vector<16xf32>,
        %parallel_loop3A_244 = vector.shape_cast %parallel_loop3A_243 : vector<16xf32> to vector<16xf32>
        %parallel_loop3A_245 = arith.mulf %parallel_loop3A_244, %parallel_loop3A_152 : vector<16xf32>
        %parallel_loop3A_246 = arith.addf %parallel_loop3A_237, %parallel_loop3A_245 : vector<16xf32>
        %parallel_loop3A_247 = arith.addf %parallel_loop3A_229, %parallel_loop3A_246 : vector<16xf32>
        %parallel_loop3A_248 = arith.mulf %parallel_loop3A_247, %parallel_loop3A_170 : vector<16xf32>
        %parallel_loop3A_249 = arith.constant 16 : i32
        %parallel_loop3A_250 = arith.addi %parallel_loop3A_174, %parallel_loop3A_249 : i32
        %parallel_loop3A_251 = arith.index_cast %parallel_loop3A_250 : i32 to index
        %parallel_loop3A_252 = tpu.vector_load %arg11[%parallel_loop3A_251] {strides = array<i32>} : memref<12288xf32, #tpu.memory_space<vmem>>, vector<16xf32>,
        %parallel_loop3A_253 = vector.shape_cast %parallel_loop3A_252 : vector<16xf32> to vector<16xf32>
        %parallel_loop3A_254 = vector.shape_cast %parallel_loop3A_248 : vector<16xf32> to vector<16xf32>
        tpu.vector_store %arg11[%parallel_loop3A_251], %parallel_loop3A_254 {strides = array<i32>} : memref<12288xf32, #tpu.memory_space<vmem>>, vector<16xf32>,
        %parallel_loop3A_255 = arith.constant 32 : i32
        %parallel_loop3A_256 = arith.addi %parallel_loop3A_172, %parallel_loop3A_255 : i32
        %parallel_loop3A_257 = arith.index_cast %parallel_loop3A_256 : i32 to index
        %parallel_loop3A_258 = tpu.vector_load %arg7[%parallel_loop3A_257] {strides = array<i32>} : memref<49152xf32, #tpu.memory_space<vmem>>, vector<16xf32>,
        %parallel_loop3A_259 = vector.shape_cast %parallel_loop3A_258 : vector<16xf32> to vector<16xf32>
        %parallel_loop3A_260 = arith.mulf %parallel_loop3A_259, %parallel_loop3A_140 : vector<16xf32>
        %parallel_loop3A_261 = arith.constant 128 : i32
        %parallel_loop3A_262 = arith.addi %parallel_loop3A_172, %parallel_loop3A_261 : i32
        %parallel_loop3A_263 = arith.constant 32 : i32
        %parallel_loop3A_264 = arith.addi %parallel_loop3A_262, %parallel_loop3A_263 : i32
        %parallel_loop3A_265 = arith.index_cast %parallel_loop3A_264 : i32 to index
        %parallel_loop3A_266 = tpu.vector_load %arg7[%parallel_loop3A_265] {strides = array<i32>} : memref<49152xf32, #tpu.memory_space<vmem>>, vector<16xf32>,
        %parallel_loop3A_267 = vector.shape_cast %parallel_loop3A_266 : vector<16xf32> to vector<16xf32>
        %parallel_loop3A_268 = arith.mulf %parallel_loop3A_267, %parallel_loop3A_144 : vector<16xf32>
        %parallel_loop3A_269 = arith.addf %parallel_loop3A_260, %parallel_loop3A_268 : vector<16xf32>
        %parallel_loop3A_270 = arith.constant 256 : i32
        %parallel_loop3A_271 = arith.addi %parallel_loop3A_172, %parallel_loop3A_270 : i32
        %parallel_loop3A_272 = arith.constant 32 : i32
        %parallel_loop3A_273 = arith.addi %parallel_loop3A_271, %parallel_loop3A_272 : i32
        %parallel_loop3A_274 = arith.index_cast %parallel_loop3A_273 : i32 to index
        %parallel_loop3A_275 = tpu.vector_load %arg7[%parallel_loop3A_274] {strides = array<i32>} : memref<49152xf32, #tpu.memory_space<vmem>>, vector<16xf32>,
        %parallel_loop3A_276 = vector.shape_cast %parallel_loop3A_275 : vector<16xf32> to vector<16xf32>
        %parallel_loop3A_277 = arith.mulf %parallel_loop3A_276, %parallel_loop3A_148 : vector<16xf32>
        %parallel_loop3A_278 = arith.constant 384 : i32
        %parallel_loop3A_279 = arith.addi %parallel_loop3A_172, %parallel_loop3A_278 : i32
        %parallel_loop3A_280 = arith.constant 32 : i32
        %parallel_loop3A_281 = arith.addi %parallel_loop3A_279, %parallel_loop3A_280 : i32
        %parallel_loop3A_282 = arith.index_cast %parallel_loop3A_281 : i32 to index
        %parallel_loop3A_283 = tpu.vector_load %arg7[%parallel_loop3A_282] {strides = array<i32>} : memref<49152xf32, #tpu.memory_space<vmem>>, vector<16xf32>,
        %parallel_loop3A_284 = vector.shape_cast %parallel_loop3A_283 : vector<16xf32> to vector<16xf32>
        %parallel_loop3A_285 = arith.mulf %parallel_loop3A_284, %parallel_loop3A_152 : vector<16xf32>
        %parallel_loop3A_286 = arith.addf %parallel_loop3A_277, %parallel_loop3A_285 : vector<16xf32>
        %parallel_loop3A_287 = arith.addf %parallel_loop3A_269, %parallel_loop3A_286 : vector<16xf32>
        %parallel_loop3A_288 = arith.mulf %parallel_loop3A_287, %parallel_loop3A_170 : vector<16xf32>
        %parallel_loop3A_289 = arith.constant 32 : i32
        %parallel_loop3A_290 = arith.addi %parallel_loop3A_174, %parallel_loop3A_289 : i32
        %parallel_loop3A_291 = arith.index_cast %parallel_loop3A_290 : i32 to index
        %parallel_loop3A_292 = tpu.vector_load %arg11[%parallel_loop3A_291] {strides = array<i32>} : memref<12288xf32, #tpu.memory_space<vmem>>, vector<16xf32>,
        %parallel_loop3A_293 = vector.shape_cast %parallel_loop3A_292 : vector<16xf32> to vector<16xf32>
        %parallel_loop3A_294 = vector.shape_cast %parallel_loop3A_288 : vector<16xf32> to vector<16xf32>
        tpu.vector_store %arg11[%parallel_loop3A_291], %parallel_loop3A_294 {strides = array<i32>} : memref<12288xf32, #tpu.memory_space<vmem>>, vector<16xf32>,
        %parallel_loop3A_295 = arith.constant 48 : i32
        %parallel_loop3A_296 = arith.addi %parallel_loop3A_172, %parallel_loop3A_295 : i32
        %parallel_loop3A_297 = arith.index_cast %parallel_loop3A_296 : i32 to index
        %parallel_loop3A_298 = tpu.vector_load %arg7[%parallel_loop3A_297] {strides = array<i32>} : memref<49152xf32, #tpu.memory_space<vmem>>, vector<16xf32>,
        %parallel_loop3A_299 = vector.shape_cast %parallel_loop3A_298 : vector<16xf32> to vector<16xf32>
        %parallel_loop3A_300 = arith.mulf %parallel_loop3A_299, %parallel_loop3A_140 : vector<16xf32>
        %parallel_loop3A_301 = arith.constant 128 : i32
        %parallel_loop3A_302 = arith.addi %parallel_loop3A_172, %parallel_loop3A_301 : i32
        %parallel_loop3A_303 = arith.constant 48 : i32
        %parallel_loop3A_304 = arith.addi %parallel_loop3A_302, %parallel_loop3A_303 : i32
        %parallel_loop3A_305 = arith.index_cast %parallel_loop3A_304 : i32 to index
        %parallel_loop3A_306 = tpu.vector_load %arg7[%parallel_loop3A_305] {strides = array<i32>} : memref<49152xf32, #tpu.memory_space<vmem>>, vector<16xf32>,
        %parallel_loop3A_307 = vector.shape_cast %parallel_loop3A_306 : vector<16xf32> to vector<16xf32>
        %parallel_loop3A_308 = arith.mulf %parallel_loop3A_307, %parallel_loop3A_144 : vector<16xf32>
        %parallel_loop3A_309 = arith.addf %parallel_loop3A_300, %parallel_loop3A_308 : vector<16xf32>
        %parallel_loop3A_310 = arith.constant 256 : i32
        %parallel_loop3A_311 = arith.addi %parallel_loop3A_172, %parallel_loop3A_310 : i32
        %parallel_loop3A_312 = arith.constant 48 : i32
        %parallel_loop3A_313 = arith.addi %parallel_loop3A_311, %parallel_loop3A_312 : i32
        %parallel_loop3A_314 = arith.index_cast %parallel_loop3A_313 : i32 to index
        %parallel_loop3A_315 = tpu.vector_load %arg7[%parallel_loop3A_314] {strides = array<i32>} : memref<49152xf32, #tpu.memory_space<vmem>>, vector<16xf32>,
        %parallel_loop3A_316 = vector.shape_cast %parallel_loop3A_315 : vector<16xf32> to vector<16xf32>
        %parallel_loop3A_317 = arith.mulf %parallel_loop3A_316, %parallel_loop3A_148 : vector<16xf32>
        %parallel_loop3A_318 = arith.constant 384 : i32
        %parallel_loop3A_319 = arith.addi %parallel_loop3A_172, %parallel_loop3A_318 : i32
        %parallel_loop3A_320 = arith.constant 48 : i32
        %parallel_loop3A_321 = arith.addi %parallel_loop3A_319, %parallel_loop3A_320 : i32
        %parallel_loop3A_322 = arith.index_cast %parallel_loop3A_321 : i32 to index
        %parallel_loop3A_323 = tpu.vector_load %arg7[%parallel_loop3A_322] {strides = array<i32>} : memref<49152xf32, #tpu.memory_space<vmem>>, vector<16xf32>,
        %parallel_loop3A_324 = vector.shape_cast %parallel_loop3A_323 : vector<16xf32> to vector<16xf32>
        %parallel_loop3A_325 = arith.mulf %parallel_loop3A_324, %parallel_loop3A_152 : vector<16xf32>
        %parallel_loop3A_326 = arith.addf %parallel_loop3A_317, %parallel_loop3A_325 : vector<16xf32>
        %parallel_loop3A_327 = arith.addf %parallel_loop3A_309, %parallel_loop3A_326 : vector<16xf32>
        %parallel_loop3A_328 = arith.mulf %parallel_loop3A_327, %parallel_loop3A_170 : vector<16xf32>
        %parallel_loop3A_329 = arith.constant 48 : i32
        %parallel_loop3A_330 = arith.addi %parallel_loop3A_174, %parallel_loop3A_329 : i32
        %parallel_loop3A_331 = arith.index_cast %parallel_loop3A_330 : i32 to index
        %parallel_loop3A_332 = tpu.vector_load %arg11[%parallel_loop3A_331] {strides = array<i32>} : memref<12288xf32, #tpu.memory_space<vmem>>, vector<16xf32>,
        %parallel_loop3A_333 = vector.shape_cast %parallel_loop3A_332 : vector<16xf32> to vector<16xf32>
        %parallel_loop3A_334 = vector.shape_cast %parallel_loop3A_328 : vector<16xf32> to vector<16xf32>
        tpu.vector_store %arg11[%parallel_loop3A_331], %parallel_loop3A_334 {strides = array<i32>} : memref<12288xf32, #tpu.memory_space<vmem>>, vector<16xf32>,
        %parallel_loop3A_335 = arith.constant 64 : i32
        %parallel_loop3A_336 = arith.addi %parallel_loop3A_172, %parallel_loop3A_335 : i32
        %parallel_loop3A_337 = arith.index_cast %parallel_loop3A_336 : i32 to index
        %parallel_loop3A_338 = tpu.vector_load %arg7[%parallel_loop3A_337] {strides = array<i32>} : memref<49152xf32, #tpu.memory_space<vmem>>, vector<16xf32>,
        %parallel_loop3A_339 = vector.shape_cast %parallel_loop3A_338 : vector<16xf32> to vector<16xf32>
        %parallel_loop3A_340 = arith.mulf %parallel_loop3A_339, %parallel_loop3A_140 : vector<16xf32>
        %parallel_loop3A_341 = arith.constant 128 : i32
        %parallel_loop3A_342 = arith.addi %parallel_loop3A_172, %parallel_loop3A_341 : i32
        %parallel_loop3A_343 = arith.constant 64 : i32
        %parallel_loop3A_344 = arith.addi %parallel_loop3A_342, %parallel_loop3A_343 : i32
        %parallel_loop3A_345 = arith.index_cast %parallel_loop3A_344 : i32 to index
        %parallel_loop3A_346 = tpu.vector_load %arg7[%parallel_loop3A_345] {strides = array<i32>} : memref<49152xf32, #tpu.memory_space<vmem>>, vector<16xf32>,
        %parallel_loop3A_347 = vector.shape_cast %parallel_loop3A_346 : vector<16xf32> to vector<16xf32>
        %parallel_loop3A_348 = arith.mulf %parallel_loop3A_347, %parallel_loop3A_144 : vector<16xf32>
        %parallel_loop3A_349 = arith.addf %parallel_loop3A_340, %parallel_loop3A_348 : vector<16xf32>
        %parallel_loop3A_350 = arith.constant 256 : i32
        %parallel_loop3A_351 = arith.addi %parallel_loop3A_172, %parallel_loop3A_350 : i32
        %parallel_loop3A_352 = arith.constant 64 : i32
        %parallel_loop3A_353 = arith.addi %parallel_loop3A_351, %parallel_loop3A_352 : i32
        %parallel_loop3A_354 = arith.index_cast %parallel_loop3A_353 : i32 to index
        %parallel_loop3A_355 = tpu.vector_load %arg7[%parallel_loop3A_354] {strides = array<i32>} : memref<49152xf32, #tpu.memory_space<vmem>>, vector<16xf32>,
        %parallel_loop3A_356 = vector.shape_cast %parallel_loop3A_355 : vector<16xf32> to vector<16xf32>
        %parallel_loop3A_357 = arith.mulf %parallel_loop3A_356, %parallel_loop3A_148 : vector<16xf32>
        %parallel_loop3A_358 = arith.constant 384 : i32
        %parallel_loop3A_359 = arith.addi %parallel_loop3A_172, %parallel_loop3A_358 : i32
        %parallel_loop3A_360 = arith.constant 64 : i32
        %parallel_loop3A_361 = arith.addi %parallel_loop3A_359, %parallel_loop3A_360 : i32
        %parallel_loop3A_362 = arith.index_cast %parallel_loop3A_361 : i32 to index
        %parallel_loop3A_363 = tpu.vector_load %arg7[%parallel_loop3A_362] {strides = array<i32>} : memref<49152xf32, #tpu.memory_space<vmem>>, vector<16xf32>,
        %parallel_loop3A_364 = vector.shape_cast %parallel_loop3A_363 : vector<16xf32> to vector<16xf32>
        %parallel_loop3A_365 = arith.mulf %parallel_loop3A_364, %parallel_loop3A_152 : vector<16xf32>
        %parallel_loop3A_366 = arith.addf %parallel_loop3A_357, %parallel_loop3A_365 : vector<16xf32>
        %parallel_loop3A_367 = arith.addf %parallel_loop3A_349, %parallel_loop3A_366 : vector<16xf32>
        %parallel_loop3A_368 = arith.mulf %parallel_loop3A_367, %parallel_loop3A_170 : vector<16xf32>
        %parallel_loop3A_369 = arith.constant 64 : i32
        %parallel_loop3A_370 = arith.addi %parallel_loop3A_174, %parallel_loop3A_369 : i32
        %parallel_loop3A_371 = arith.index_cast %parallel_loop3A_370 : i32 to index
        %parallel_loop3A_372 = tpu.vector_load %arg11[%parallel_loop3A_371] {strides = array<i32>} : memref<12288xf32, #tpu.memory_space<vmem>>, vector<16xf32>,
        %parallel_loop3A_373 = vector.shape_cast %parallel_loop3A_372 : vector<16xf32> to vector<16xf32>
        %parallel_loop3A_374 = vector.shape_cast %parallel_loop3A_368 : vector<16xf32> to vector<16xf32>
        tpu.vector_store %arg11[%parallel_loop3A_371], %parallel_loop3A_374 {strides = array<i32>} : memref<12288xf32, #tpu.memory_space<vmem>>, vector<16xf32>,
        %parallel_loop3A_375 = arith.constant 80 : i32
        %parallel_loop3A_376 = arith.addi %parallel_loop3A_172, %parallel_loop3A_375 : i32
        %parallel_loop3A_377 = arith.index_cast %parallel_loop3A_376 : i32 to index
        %parallel_loop3A_378 = tpu.vector_load %arg7[%parallel_loop3A_377] {strides = array<i32>} : memref<49152xf32, #tpu.memory_space<vmem>>, vector<16xf32>,
        %parallel_loop3A_379 = vector.shape_cast %parallel_loop3A_378 : vector<16xf32> to vector<16xf32>
        %parallel_loop3A_380 = arith.mulf %parallel_loop3A_379, %parallel_loop3A_140 : vector<16xf32>
        %parallel_loop3A_381 = arith.constant 128 : i32
        %parallel_loop3A_382 = arith.addi %parallel_loop3A_172, %parallel_loop3A_381 : i32
        %parallel_loop3A_383 = arith.constant 80 : i32
        %parallel_loop3A_384 = arith.addi %parallel_loop3A_382, %parallel_loop3A_383 : i32
        %parallel_loop3A_385 = arith.index_cast %parallel_loop3A_384 : i32 to index
        %parallel_loop3A_386 = tpu.vector_load %arg7[%parallel_loop3A_385] {strides = array<i32>} : memref<49152xf32, #tpu.memory_space<vmem>>, vector<16xf32>,
        %parallel_loop3A_387 = vector.shape_cast %parallel_loop3A_386 : vector<16xf32> to vector<16xf32>
        %parallel_loop3A_388 = arith.mulf %parallel_loop3A_387, %parallel_loop3A_144 : vector<16xf32>
        %parallel_loop3A_389 = arith.addf %parallel_loop3A_380, %parallel_loop3A_388 : vector<16xf32>
        %parallel_loop3A_390 = arith.constant 256 : i32
        %parallel_loop3A_391 = arith.addi %parallel_loop3A_172, %parallel_loop3A_390 : i32
        %parallel_loop3A_392 = arith.constant 80 : i32
        %parallel_loop3A_393 = arith.addi %parallel_loop3A_391, %parallel_loop3A_392 : i32
        %parallel_loop3A_394 = arith.index_cast %parallel_loop3A_393 : i32 to index
        %parallel_loop3A_395 = tpu.vector_load %arg7[%parallel_loop3A_394] {strides = array<i32>} : memref<49152xf32, #tpu.memory_space<vmem>>, vector<16xf32>,
        %parallel_loop3A_396 = vector.shape_cast %parallel_loop3A_395 : vector<16xf32> to vector<16xf32>
        %parallel_loop3A_397 = arith.mulf %parallel_loop3A_396, %parallel_loop3A_148 : vector<16xf32>
        %parallel_loop3A_398 = arith.constant 384 : i32
        %parallel_loop3A_399 = arith.addi %parallel_loop3A_172, %parallel_loop3A_398 : i32
        %parallel_loop3A_400 = arith.constant 80 : i32
        %parallel_loop3A_401 = arith.addi %parallel_loop3A_399, %parallel_loop3A_400 : i32
        %parallel_loop3A_402 = arith.index_cast %parallel_loop3A_401 : i32 to index
        %parallel_loop3A_403 = tpu.vector_load %arg7[%parallel_loop3A_402] {strides = array<i32>} : memref<49152xf32, #tpu.memory_space<vmem>>, vector<16xf32>,
        %parallel_loop3A_404 = vector.shape_cast %parallel_loop3A_403 : vector<16xf32> to vector<16xf32>
        %parallel_loop3A_405 = arith.mulf %parallel_loop3A_404, %parallel_loop3A_152 : vector<16xf32>
        %parallel_loop3A_406 = arith.addf %parallel_loop3A_397, %parallel_loop3A_405 : vector<16xf32>
        %parallel_loop3A_407 = arith.addf %parallel_loop3A_389, %parallel_loop3A_406 : vector<16xf32>
        %parallel_loop3A_408 = arith.mulf %parallel_loop3A_407, %parallel_loop3A_170 : vector<16xf32>
        %parallel_loop3A_409 = arith.constant 80 : i32
        %parallel_loop3A_410 = arith.addi %parallel_loop3A_174, %parallel_loop3A_409 : i32
        %parallel_loop3A_411 = arith.index_cast %parallel_loop3A_410 : i32 to index
        %parallel_loop3A_412 = tpu.vector_load %arg11[%parallel_loop3A_411] {strides = array<i32>} : memref<12288xf32, #tpu.memory_space<vmem>>, vector<16xf32>,
        %parallel_loop3A_413 = vector.shape_cast %parallel_loop3A_412 : vector<16xf32> to vector<16xf32>
        %parallel_loop3A_414 = vector.shape_cast %parallel_loop3A_408 : vector<16xf32> to vector<16xf32>
        tpu.vector_store %arg11[%parallel_loop3A_411], %parallel_loop3A_414 {strides = array<i32>} : memref<12288xf32, #tpu.memory_space<vmem>>, vector<16xf32>,
        %parallel_loop3A_415 = arith.constant 96 : i32
        %parallel_loop3A_416 = arith.addi %parallel_loop3A_172, %parallel_loop3A_415 : i32
        %parallel_loop3A_417 = arith.index_cast %parallel_loop3A_416 : i32 to index
        %parallel_loop3A_418 = tpu.vector_load %arg7[%parallel_loop3A_417] {strides = array<i32>} : memref<49152xf32, #tpu.memory_space<vmem>>, vector<16xf32>,
        %parallel_loop3A_419 = vector.shape_cast %parallel_loop3A_418 : vector<16xf32> to vector<16xf32>
        %parallel_loop3A_420 = arith.mulf %parallel_loop3A_419, %parallel_loop3A_140 : vector<16xf32>
        %parallel_loop3A_421 = arith.constant 128 : i32
        %parallel_loop3A_422 = arith.addi %parallel_loop3A_172, %parallel_loop3A_421 : i32
        %parallel_loop3A_423 = arith.constant 96 : i32
        %parallel_loop3A_424 = arith.addi %parallel_loop3A_422, %parallel_loop3A_423 : i32
        %parallel_loop3A_425 = arith.index_cast %parallel_loop3A_424 : i32 to index
        %parallel_loop3A_426 = tpu.vector_load %arg7[%parallel_loop3A_425] {strides = array<i32>} : memref<49152xf32, #tpu.memory_space<vmem>>, vector<16xf32>,
        %parallel_loop3A_427 = vector.shape_cast %parallel_loop3A_426 : vector<16xf32> to vector<16xf32>
        %parallel_loop3A_428 = arith.mulf %parallel_loop3A_427, %parallel_loop3A_144 : vector<16xf32>
        %parallel_loop3A_429 = arith.addf %parallel_loop3A_420, %parallel_loop3A_428 : vector<16xf32>
        %parallel_loop3A_430 = arith.constant 256 : i32
        %parallel_loop3A_431 = arith.addi %parallel_loop3A_172, %parallel_loop3A_430 : i32
        %parallel_loop3A_432 = arith.constant 96 : i32
        %parallel_loop3A_433 = arith.addi %parallel_loop3A_431, %parallel_loop3A_432 : i32
        %parallel_loop3A_434 = arith.index_cast %parallel_loop3A_433 : i32 to index
        %parallel_loop3A_435 = tpu.vector_load %arg7[%parallel_loop3A_434] {strides = array<i32>} : memref<49152xf32, #tpu.memory_space<vmem>>, vector<16xf32>,
        %parallel_loop3A_436 = vector.shape_cast %parallel_loop3A_435 : vector<16xf32> to vector<16xf32>
        %parallel_loop3A_437 = arith.mulf %parallel_loop3A_436, %parallel_loop3A_148 : vector<16xf32>
        %parallel_loop3A_438 = arith.constant 384 : i32
        %parallel_loop3A_439 = arith.addi %parallel_loop3A_172, %parallel_loop3A_438 : i32
        %parallel_loop3A_440 = arith.constant 96 : i32
        %parallel_loop3A_441 = arith.addi %parallel_loop3A_439, %parallel_loop3A_440 : i32
        %parallel_loop3A_442 = arith.index_cast %parallel_loop3A_441 : i32 to index
        %parallel_loop3A_443 = tpu.vector_load %arg7[%parallel_loop3A_442] {strides = array<i32>} : memref<49152xf32, #tpu.memory_space<vmem>>, vector<16xf32>,
        %parallel_loop3A_444 = vector.shape_cast %parallel_loop3A_443 : vector<16xf32> to vector<16xf32>
        %parallel_loop3A_445 = arith.mulf %parallel_loop3A_444, %parallel_loop3A_152 : vector<16xf32>
        %parallel_loop3A_446 = arith.addf %parallel_loop3A_437, %parallel_loop3A_445 : vector<16xf32>
        %parallel_loop3A_447 = arith.addf %parallel_loop3A_429, %parallel_loop3A_446 : vector<16xf32>
        %parallel_loop3A_448 = arith.mulf %parallel_loop3A_447, %parallel_loop3A_170 : vector<16xf32>
        %parallel_loop3A_449 = arith.constant 96 : i32
        %parallel_loop3A_450 = arith.addi %parallel_loop3A_174, %parallel_loop3A_449 : i32
        %parallel_loop3A_451 = arith.index_cast %parallel_loop3A_450 : i32 to index
        %parallel_loop3A_452 = tpu.vector_load %arg11[%parallel_loop3A_451] {strides = array<i32>} : memref<12288xf32, #tpu.memory_space<vmem>>, vector<16xf32>,
        %parallel_loop3A_453 = vector.shape_cast %parallel_loop3A_452 : vector<16xf32> to vector<16xf32>
        %parallel_loop3A_454 = vector.shape_cast %parallel_loop3A_448 : vector<16xf32> to vector<16xf32>
        tpu.vector_store %arg11[%parallel_loop3A_451], %parallel_loop3A_454 {strides = array<i32>} : memref<12288xf32, #tpu.memory_space<vmem>>, vector<16xf32>,
        %parallel_loop3A_455 = arith.constant 112 : i32
        %parallel_loop3A_456 = arith.addi %parallel_loop3A_172, %parallel_loop3A_455 : i32
        %parallel_loop3A_457 = arith.index_cast %parallel_loop3A_456 : i32 to index
        %parallel_loop3A_458 = tpu.vector_load %arg7[%parallel_loop3A_457] {strides = array<i32>} : memref<49152xf32, #tpu.memory_space<vmem>>, vector<16xf32>,
        %parallel_loop3A_459 = vector.shape_cast %parallel_loop3A_458 : vector<16xf32> to vector<16xf32>
        %parallel_loop3A_460 = arith.mulf %parallel_loop3A_459, %parallel_loop3A_140 : vector<16xf32>
        %parallel_loop3A_461 = arith.constant 128 : i32
        %parallel_loop3A_462 = arith.addi %parallel_loop3A_172, %parallel_loop3A_461 : i32
        %parallel_loop3A_463 = arith.constant 112 : i32
        %parallel_loop3A_464 = arith.addi %parallel_loop3A_462, %parallel_loop3A_463 : i32
        %parallel_loop3A_465 = arith.index_cast %parallel_loop3A_464 : i32 to index
        %parallel_loop3A_466 = tpu.vector_load %arg7[%parallel_loop3A_465] {strides = array<i32>} : memref<49152xf32, #tpu.memory_space<vmem>>, vector<16xf32>,
        %parallel_loop3A_467 = vector.shape_cast %parallel_loop3A_466 : vector<16xf32> to vector<16xf32>
        %parallel_loop3A_468 = arith.mulf %parallel_loop3A_467, %parallel_loop3A_144 : vector<16xf32>
        %parallel_loop3A_469 = arith.addf %parallel_loop3A_460, %parallel_loop3A_468 : vector<16xf32>
        %parallel_loop3A_470 = arith.constant 256 : i32
        %parallel_loop3A_471 = arith.addi %parallel_loop3A_172, %parallel_loop3A_470 : i32
        %parallel_loop3A_472 = arith.constant 112 : i32
        %parallel_loop3A_473 = arith.addi %parallel_loop3A_471, %parallel_loop3A_472 : i32
        %parallel_loop3A_474 = arith.index_cast %parallel_loop3A_473 : i32 to index
        %parallel_loop3A_475 = tpu.vector_load %arg7[%parallel_loop3A_474] {strides = array<i32>} : memref<49152xf32, #tpu.memory_space<vmem>>, vector<16xf32>,
        %parallel_loop3A_476 = vector.shape_cast %parallel_loop3A_475 : vector<16xf32> to vector<16xf32>
        %parallel_loop3A_477 = arith.mulf %parallel_loop3A_476, %parallel_loop3A_148 : vector<16xf32>
        %parallel_loop3A_478 = arith.constant 384 : i32
        %parallel_loop3A_479 = arith.addi %parallel_loop3A_172, %parallel_loop3A_478 : i32
        %parallel_loop3A_480 = arith.constant 112 : i32
        %parallel_loop3A_481 = arith.addi %parallel_loop3A_479, %parallel_loop3A_480 : i32
        %parallel_loop3A_482 = arith.index_cast %parallel_loop3A_481 : i32 to index
        %parallel_loop3A_483 = tpu.vector_load %arg7[%parallel_loop3A_482] {strides = array<i32>} : memref<49152xf32, #tpu.memory_space<vmem>>, vector<16xf32>,
        %parallel_loop3A_484 = vector.shape_cast %parallel_loop3A_483 : vector<16xf32> to vector<16xf32>
        %parallel_loop3A_485 = arith.mulf %parallel_loop3A_484, %parallel_loop3A_152 : vector<16xf32>
        %parallel_loop3A_486 = arith.addf %parallel_loop3A_477, %parallel_loop3A_485 : vector<16xf32>
        %parallel_loop3A_487 = arith.addf %parallel_loop3A_469, %parallel_loop3A_486 : vector<16xf32>
        %parallel_loop3A_488 = arith.mulf %parallel_loop3A_487, %parallel_loop3A_170 : vector<16xf32>
        %parallel_loop3A_489 = arith.constant 112 : i32
        %parallel_loop3A_490 = arith.addi %parallel_loop3A_174, %parallel_loop3A_489 : i32
        %parallel_loop3A_491 = arith.index_cast %parallel_loop3A_490 : i32 to index
        %parallel_loop3A_492 = tpu.vector_load %arg11[%parallel_loop3A_491] {strides = array<i32>} : memref<12288xf32, #tpu.memory_space<vmem>>, vector<16xf32>,
        %parallel_loop3A_493 = vector.shape_cast %parallel_loop3A_492 : vector<16xf32> to vector<16xf32>
        %parallel_loop3A_494 = vector.shape_cast %parallel_loop3A_488 : vector<16xf32> to vector<16xf32>
        tpu.vector_store %arg11[%parallel_loop3A_491], %parallel_loop3A_494 {strides = array<i32>} : memref<12288xf32, #tpu.memory_space<vmem>>, vector<16xf32>,
      } {sc.loop_unroll_factor = 8 : i64, sc.parallel_access}
      %parallel_loop3A_118 = arith.constant 0 : i32
      %parallel_loop3A_119 = arith.constant 6 : i32
      %parallel_loop3A_120 = arith.constant 1 : i32
      scf.for %parallel_loop3A_131 = %parallel_loop3A_118 to %parallel_loop3A_119 step %parallel_loop3A_120  : i32 {
        %parallel_loop3A_132 = arith.constant 0.000000e+00 : f32
        %parallel_loop3A_133 = vector.broadcast %parallel_loop3A_132 : f32 to vector<16xf32>
        %parallel_loop3A_134 = arith.constant 16 : i32
        %parallel_loop3A_135 = arith.muli %parallel_loop3A_131, %parallel_loop3A_134 : i32
        %parallel_loop3A_136 = arith.constant 0 : i32
        %parallel_loop3A_137 = arith.addi %parallel_loop3A_135, %parallel_loop3A_136 : i32
        %parallel_loop3A_138 = arith.constant 16 : i32
        %parallel_loop3A_139 = arith.muli %parallel_loop3A_137, %parallel_loop3A_138 : i32
        %parallel_loop3A_140 = arith.index_cast %parallel_loop3A_139 : i32 to index
        %parallel_loop3A_141 = tpu.vector_load %arg13[%parallel_loop3A_140] {strides = array<i32>} : memref<1536xf32, #tpu.memory_space<vmem>>, vector<16xf32>,
        %parallel_loop3A_142 = vector.shape_cast %parallel_loop3A_141 : vector<16xf32> to vector<16xf32>
        %parallel_loop3A_143 = arith.constant 0 : i32
        %parallel_loop3A_144 = vector.broadcast %parallel_loop3A_143 : i32 to vector<16xi32>
        %parallel_loop3A_145 = arith.cmpi eq, %iota3A, %parallel_loop3A_144 : vector<16xi32>
        %parallel_loop3A_146 = arith.select %parallel_loop3A_145, %parallel_loop3A_142, %parallel_loop3A_133 : vector<16xi1>, vector<16xf32>
        %parallel_loop3A_147 = arith.constant 16 : i32
        %parallel_loop3A_148 = arith.muli %parallel_loop3A_131, %parallel_loop3A_147 : i32
        %parallel_loop3A_149 = arith.constant 1 : i32
        %parallel_loop3A_150 = arith.addi %parallel_loop3A_148, %parallel_loop3A_149 : i32
        %parallel_loop3A_151 = arith.constant 16 : i32
        %parallel_loop3A_152 = arith.muli %parallel_loop3A_150, %parallel_loop3A_151 : i32
        %parallel_loop3A_153 = arith.index_cast %parallel_loop3A_152 : i32 to index
        %parallel_loop3A_154 = tpu.vector_load %arg13[%parallel_loop3A_153] {strides = array<i32>} : memref<1536xf32, #tpu.memory_space<vmem>>, vector<16xf32>,
        %parallel_loop3A_155 = vector.shape_cast %parallel_loop3A_154 : vector<16xf32> to vector<16xf32>
        %parallel_loop3A_156 = arith.constant 1 : i32
        %parallel_loop3A_157 = vector.broadcast %parallel_loop3A_156 : i32 to vector<16xi32>
        %parallel_loop3A_158 = arith.cmpi eq, %iota3A, %parallel_loop3A_157 : vector<16xi32>
        %parallel_loop3A_159 = arith.select %parallel_loop3A_158, %parallel_loop3A_155, %parallel_loop3A_146 : vector<16xi1>, vector<16xf32>
        %parallel_loop3A_160 = arith.constant 16 : i32
        %parallel_loop3A_161 = arith.muli %parallel_loop3A_131, %parallel_loop3A_160 : i32
        %parallel_loop3A_162 = arith.constant 2 : i32
        %parallel_loop3A_163 = arith.addi %parallel_loop3A_161, %parallel_loop3A_162 : i32
        %parallel_loop3A_164 = arith.constant 16 : i32
        %parallel_loop3A_165 = arith.muli %parallel_loop3A_163, %parallel_loop3A_164 : i32
        %parallel_loop3A_166 = arith.index_cast %parallel_loop3A_165 : i32 to index
        %parallel_loop3A_167 = tpu.vector_load %arg13[%parallel_loop3A_166] {strides = array<i32>} : memref<1536xf32, #tpu.memory_space<vmem>>, vector<16xf32>,
        %parallel_loop3A_168 = vector.shape_cast %parallel_loop3A_167 : vector<16xf32> to vector<16xf32>
        %parallel_loop3A_169 = arith.constant 2 : i32
        %parallel_loop3A_170 = vector.broadcast %parallel_loop3A_169 : i32 to vector<16xi32>
        %parallel_loop3A_171 = arith.cmpi eq, %iota3A, %parallel_loop3A_170 : vector<16xi32>
        %parallel_loop3A_172 = arith.select %parallel_loop3A_171, %parallel_loop3A_168, %parallel_loop3A_159 : vector<16xi1>, vector<16xf32>
        %parallel_loop3A_173 = arith.constant 16 : i32
        %parallel_loop3A_174 = arith.muli %parallel_loop3A_131, %parallel_loop3A_173 : i32
        %parallel_loop3A_175 = arith.constant 3 : i32
        %parallel_loop3A_176 = arith.addi %parallel_loop3A_174, %parallel_loop3A_175 : i32
        %parallel_loop3A_177 = arith.constant 16 : i32
        %parallel_loop3A_178 = arith.muli %parallel_loop3A_176, %parallel_loop3A_177 : i32
        %parallel_loop3A_179 = arith.index_cast %parallel_loop3A_178 : i32 to index
        %parallel_loop3A_180 = tpu.vector_load %arg13[%parallel_loop3A_179] {strides = array<i32>} : memref<1536xf32, #tpu.memory_space<vmem>>, vector<16xf32>,
        %parallel_loop3A_181 = vector.shape_cast %parallel_loop3A_180 : vector<16xf32> to vector<16xf32>
        %parallel_loop3A_182 = arith.constant 3 : i32
        %parallel_loop3A_183 = vector.broadcast %parallel_loop3A_182 : i32 to vector<16xi32>
        %parallel_loop3A_184 = arith.cmpi eq, %iota3A, %parallel_loop3A_183 : vector<16xi32>
        %parallel_loop3A_185 = arith.select %parallel_loop3A_184, %parallel_loop3A_181, %parallel_loop3A_172 : vector<16xi1>, vector<16xf32>
        %parallel_loop3A_186 = arith.constant 16 : i32
        %parallel_loop3A_187 = arith.muli %parallel_loop3A_131, %parallel_loop3A_186 : i32
        %parallel_loop3A_188 = arith.constant 4 : i32
        %parallel_loop3A_189 = arith.addi %parallel_loop3A_187, %parallel_loop3A_188 : i32
        %parallel_loop3A_190 = arith.constant 16 : i32
        %parallel_loop3A_191 = arith.muli %parallel_loop3A_189, %parallel_loop3A_190 : i32
        %parallel_loop3A_192 = arith.index_cast %parallel_loop3A_191 : i32 to index
        %parallel_loop3A_193 = tpu.vector_load %arg13[%parallel_loop3A_192] {strides = array<i32>} : memref<1536xf32, #tpu.memory_space<vmem>>, vector<16xf32>,
        %parallel_loop3A_194 = vector.shape_cast %parallel_loop3A_193 : vector<16xf32> to vector<16xf32>
        %parallel_loop3A_195 = arith.constant 4 : i32
        %parallel_loop3A_196 = vector.broadcast %parallel_loop3A_195 : i32 to vector<16xi32>
        %parallel_loop3A_197 = arith.cmpi eq, %iota3A, %parallel_loop3A_196 : vector<16xi32>
        %parallel_loop3A_198 = arith.select %parallel_loop3A_197, %parallel_loop3A_194, %parallel_loop3A_185 : vector<16xi1>, vector<16xf32>
        %parallel_loop3A_199 = arith.constant 16 : i32
        %parallel_loop3A_200 = arith.muli %parallel_loop3A_131, %parallel_loop3A_199 : i32
        %parallel_loop3A_201 = arith.constant 5 : i32
        %parallel_loop3A_202 = arith.addi %parallel_loop3A_200, %parallel_loop3A_201 : i32
        %parallel_loop3A_203 = arith.constant 16 : i32
        %parallel_loop3A_204 = arith.muli %parallel_loop3A_202, %parallel_loop3A_203 : i32
        %parallel_loop3A_205 = arith.index_cast %parallel_loop3A_204 : i32 to index
        %parallel_loop3A_206 = tpu.vector_load %arg13[%parallel_loop3A_205] {strides = array<i32>} : memref<1536xf32, #tpu.memory_space<vmem>>, vector<16xf32>,
        %parallel_loop3A_207 = vector.shape_cast %parallel_loop3A_206 : vector<16xf32> to vector<16xf32>
        %parallel_loop3A_208 = arith.constant 5 : i32
        %parallel_loop3A_209 = vector.broadcast %parallel_loop3A_208 : i32 to vector<16xi32>
        %parallel_loop3A_210 = arith.cmpi eq, %iota3A, %parallel_loop3A_209 : vector<16xi32>
        %parallel_loop3A_211 = arith.select %parallel_loop3A_210, %parallel_loop3A_207, %parallel_loop3A_198 : vector<16xi1>, vector<16xf32>
        %parallel_loop3A_212 = arith.constant 16 : i32
        %parallel_loop3A_213 = arith.muli %parallel_loop3A_131, %parallel_loop3A_212 : i32
        %parallel_loop3A_214 = arith.constant 6 : i32
        %parallel_loop3A_215 = arith.addi %parallel_loop3A_213, %parallel_loop3A_214 : i32
        %parallel_loop3A_216 = arith.constant 16 : i32
        %parallel_loop3A_217 = arith.muli %parallel_loop3A_215, %parallel_loop3A_216 : i32
        %parallel_loop3A_218 = arith.index_cast %parallel_loop3A_217 : i32 to index
        %parallel_loop3A_219 = tpu.vector_load %arg13[%parallel_loop3A_218] {strides = array<i32>} : memref<1536xf32, #tpu.memory_space<vmem>>, vector<16xf32>,
        %parallel_loop3A_220 = vector.shape_cast %parallel_loop3A_219 : vector<16xf32> to vector<16xf32>
        %parallel_loop3A_221 = arith.constant 6 : i32
        %parallel_loop3A_222 = vector.broadcast %parallel_loop3A_221 : i32 to vector<16xi32>
        %parallel_loop3A_223 = arith.cmpi eq, %iota3A, %parallel_loop3A_222 : vector<16xi32>
        %parallel_loop3A_224 = arith.select %parallel_loop3A_223, %parallel_loop3A_220, %parallel_loop3A_211 : vector<16xi1>, vector<16xf32>
        %parallel_loop3A_225 = arith.constant 16 : i32
        %parallel_loop3A_226 = arith.muli %parallel_loop3A_131, %parallel_loop3A_225 : i32
        %parallel_loop3A_227 = arith.constant 7 : i32
        %parallel_loop3A_228 = arith.addi %parallel_loop3A_226, %parallel_loop3A_227 : i32
        %parallel_loop3A_229 = arith.constant 16 : i32
        %parallel_loop3A_230 = arith.muli %parallel_loop3A_228, %parallel_loop3A_229 : i32
        %parallel_loop3A_231 = arith.index_cast %parallel_loop3A_230 : i32 to index
        %parallel_loop3A_232 = tpu.vector_load %arg13[%parallel_loop3A_231] {strides = array<i32>} : memref<1536xf32, #tpu.memory_space<vmem>>, vector<16xf32>,
        %parallel_loop3A_233 = vector.shape_cast %parallel_loop3A_232 : vector<16xf32> to vector<16xf32>
        %parallel_loop3A_234 = arith.constant 7 : i32
        %parallel_loop3A_235 = vector.broadcast %parallel_loop3A_234 : i32 to vector<16xi32>
        %parallel_loop3A_236 = arith.cmpi eq, %iota3A, %parallel_loop3A_235 : vector<16xi32>
        %parallel_loop3A_237 = arith.select %parallel_loop3A_236, %parallel_loop3A_233, %parallel_loop3A_224 : vector<16xi1>, vector<16xf32>
        %parallel_loop3A_238 = arith.constant 16 : i32
        %parallel_loop3A_239 = arith.muli %parallel_loop3A_131, %parallel_loop3A_238 : i32
        %parallel_loop3A_240 = arith.constant 8 : i32
        %parallel_loop3A_241 = arith.addi %parallel_loop3A_239, %parallel_loop3A_240 : i32
        %parallel_loop3A_242 = arith.constant 16 : i32
        %parallel_loop3A_243 = arith.muli %parallel_loop3A_241, %parallel_loop3A_242 : i32
        %parallel_loop3A_244 = arith.index_cast %parallel_loop3A_243 : i32 to index
        %parallel_loop3A_245 = tpu.vector_load %arg13[%parallel_loop3A_244] {strides = array<i32>} : memref<1536xf32, #tpu.memory_space<vmem>>, vector<16xf32>,
        %parallel_loop3A_246 = vector.shape_cast %parallel_loop3A_245 : vector<16xf32> to vector<16xf32>
        %parallel_loop3A_247 = arith.constant 8 : i32
        %parallel_loop3A_248 = vector.broadcast %parallel_loop3A_247 : i32 to vector<16xi32>
        %parallel_loop3A_249 = arith.cmpi eq, %iota3A, %parallel_loop3A_248 : vector<16xi32>
        %parallel_loop3A_250 = arith.select %parallel_loop3A_249, %parallel_loop3A_246, %parallel_loop3A_237 : vector<16xi1>, vector<16xf32>
        %parallel_loop3A_251 = arith.constant 16 : i32
        %parallel_loop3A_252 = arith.muli %parallel_loop3A_131, %parallel_loop3A_251 : i32
        %parallel_loop3A_253 = arith.constant 9 : i32
        %parallel_loop3A_254 = arith.addi %parallel_loop3A_252, %parallel_loop3A_253 : i32
        %parallel_loop3A_255 = arith.constant 16 : i32
        %parallel_loop3A_256 = arith.muli %parallel_loop3A_254, %parallel_loop3A_255 : i32
        %parallel_loop3A_257 = arith.index_cast %parallel_loop3A_256 : i32 to index
        %parallel_loop3A_258 = tpu.vector_load %arg13[%parallel_loop3A_257] {strides = array<i32>} : memref<1536xf32, #tpu.memory_space<vmem>>, vector<16xf32>,
        %parallel_loop3A_259 = vector.shape_cast %parallel_loop3A_258 : vector<16xf32> to vector<16xf32>
        %parallel_loop3A_260 = arith.constant 9 : i32
        %parallel_loop3A_261 = vector.broadcast %parallel_loop3A_260 : i32 to vector<16xi32>
        %parallel_loop3A_262 = arith.cmpi eq, %iota3A, %parallel_loop3A_261 : vector<16xi32>
        %parallel_loop3A_263 = arith.select %parallel_loop3A_262, %parallel_loop3A_259, %parallel_loop3A_250 : vector<16xi1>, vector<16xf32>
        %parallel_loop3A_264 = arith.constant 16 : i32
        %parallel_loop3A_265 = arith.muli %parallel_loop3A_131, %parallel_loop3A_264 : i32
        %parallel_loop3A_266 = arith.constant 10 : i32
        %parallel_loop3A_267 = arith.addi %parallel_loop3A_265, %parallel_loop3A_266 : i32
        %parallel_loop3A_268 = arith.constant 16 : i32
        %parallel_loop3A_269 = arith.muli %parallel_loop3A_267, %parallel_loop3A_268 : i32
        %parallel_loop3A_270 = arith.index_cast %parallel_loop3A_269 : i32 to index
        %parallel_loop3A_271 = tpu.vector_load %arg13[%parallel_loop3A_270] {strides = array<i32>} : memref<1536xf32, #tpu.memory_space<vmem>>, vector<16xf32>,
        %parallel_loop3A_272 = vector.shape_cast %parallel_loop3A_271 : vector<16xf32> to vector<16xf32>
        %parallel_loop3A_273 = arith.constant 10 : i32
        %parallel_loop3A_274 = vector.broadcast %parallel_loop3A_273 : i32 to vector<16xi32>
        %parallel_loop3A_275 = arith.cmpi eq, %iota3A, %parallel_loop3A_274 : vector<16xi32>
        %parallel_loop3A_276 = arith.select %parallel_loop3A_275, %parallel_loop3A_272, %parallel_loop3A_263 : vector<16xi1>, vector<16xf32>
        %parallel_loop3A_277 = arith.constant 16 : i32
        %parallel_loop3A_278 = arith.muli %parallel_loop3A_131, %parallel_loop3A_277 : i32
        %parallel_loop3A_279 = arith.constant 11 : i32
        %parallel_loop3A_280 = arith.addi %parallel_loop3A_278, %parallel_loop3A_279 : i32
        %parallel_loop3A_281 = arith.constant 16 : i32
        %parallel_loop3A_282 = arith.muli %parallel_loop3A_280, %parallel_loop3A_281 : i32
        %parallel_loop3A_283 = arith.index_cast %parallel_loop3A_282 : i32 to index
        %parallel_loop3A_284 = tpu.vector_load %arg13[%parallel_loop3A_283] {strides = array<i32>} : memref<1536xf32, #tpu.memory_space<vmem>>, vector<16xf32>,
        %parallel_loop3A_285 = vector.shape_cast %parallel_loop3A_284 : vector<16xf32> to vector<16xf32>
        %parallel_loop3A_286 = arith.constant 11 : i32
        %parallel_loop3A_287 = vector.broadcast %parallel_loop3A_286 : i32 to vector<16xi32>
        %parallel_loop3A_288 = arith.cmpi eq, %iota3A, %parallel_loop3A_287 : vector<16xi32>
        %parallel_loop3A_289 = arith.select %parallel_loop3A_288, %parallel_loop3A_285, %parallel_loop3A_276 : vector<16xi1>, vector<16xf32>
        %parallel_loop3A_290 = arith.constant 16 : i32
        %parallel_loop3A_291 = arith.muli %parallel_loop3A_131, %parallel_loop3A_290 : i32
        %parallel_loop3A_292 = arith.constant 12 : i32
        %parallel_loop3A_293 = arith.addi %parallel_loop3A_291, %parallel_loop3A_292 : i32
        %parallel_loop3A_294 = arith.constant 16 : i32
        %parallel_loop3A_295 = arith.muli %parallel_loop3A_293, %parallel_loop3A_294 : i32
        %parallel_loop3A_296 = arith.index_cast %parallel_loop3A_295 : i32 to index
        %parallel_loop3A_297 = tpu.vector_load %arg13[%parallel_loop3A_296] {strides = array<i32>} : memref<1536xf32, #tpu.memory_space<vmem>>, vector<16xf32>,
        %parallel_loop3A_298 = vector.shape_cast %parallel_loop3A_297 : vector<16xf32> to vector<16xf32>
        %parallel_loop3A_299 = arith.constant 12 : i32
        %parallel_loop3A_300 = vector.broadcast %parallel_loop3A_299 : i32 to vector<16xi32>
        %parallel_loop3A_301 = arith.cmpi eq, %iota3A, %parallel_loop3A_300 : vector<16xi32>
        %parallel_loop3A_302 = arith.select %parallel_loop3A_301, %parallel_loop3A_298, %parallel_loop3A_289 : vector<16xi1>, vector<16xf32>
        %parallel_loop3A_303 = arith.constant 16 : i32
        %parallel_loop3A_304 = arith.muli %parallel_loop3A_131, %parallel_loop3A_303 : i32
        %parallel_loop3A_305 = arith.constant 13 : i32
        %parallel_loop3A_306 = arith.addi %parallel_loop3A_304, %parallel_loop3A_305 : i32
        %parallel_loop3A_307 = arith.constant 16 : i32
        %parallel_loop3A_308 = arith.muli %parallel_loop3A_306, %parallel_loop3A_307 : i32
        %parallel_loop3A_309 = arith.index_cast %parallel_loop3A_308 : i32 to index
        %parallel_loop3A_310 = tpu.vector_load %arg13[%parallel_loop3A_309] {strides = array<i32>} : memref<1536xf32, #tpu.memory_space<vmem>>, vector<16xf32>,
        %parallel_loop3A_311 = vector.shape_cast %parallel_loop3A_310 : vector<16xf32> to vector<16xf32>
        %parallel_loop3A_312 = arith.constant 13 : i32
        %parallel_loop3A_313 = vector.broadcast %parallel_loop3A_312 : i32 to vector<16xi32>
        %parallel_loop3A_314 = arith.cmpi eq, %iota3A, %parallel_loop3A_313 : vector<16xi32>
        %parallel_loop3A_315 = arith.select %parallel_loop3A_314, %parallel_loop3A_311, %parallel_loop3A_302 : vector<16xi1>, vector<16xf32>
        %parallel_loop3A_316 = arith.constant 16 : i32
        %parallel_loop3A_317 = arith.muli %parallel_loop3A_131, %parallel_loop3A_316 : i32
        %parallel_loop3A_318 = arith.constant 14 : i32
        %parallel_loop3A_319 = arith.addi %parallel_loop3A_317, %parallel_loop3A_318 : i32
        %parallel_loop3A_320 = arith.constant 16 : i32
        %parallel_loop3A_321 = arith.muli %parallel_loop3A_319, %parallel_loop3A_320 : i32
        %parallel_loop3A_322 = arith.index_cast %parallel_loop3A_321 : i32 to index
        %parallel_loop3A_323 = tpu.vector_load %arg13[%parallel_loop3A_322] {strides = array<i32>} : memref<1536xf32, #tpu.memory_space<vmem>>, vector<16xf32>,
        %parallel_loop3A_324 = vector.shape_cast %parallel_loop3A_323 : vector<16xf32> to vector<16xf32>
        %parallel_loop3A_325 = arith.constant 14 : i32
        %parallel_loop3A_326 = vector.broadcast %parallel_loop3A_325 : i32 to vector<16xi32>
        %parallel_loop3A_327 = arith.cmpi eq, %iota3A, %parallel_loop3A_326 : vector<16xi32>
        %parallel_loop3A_328 = arith.select %parallel_loop3A_327, %parallel_loop3A_324, %parallel_loop3A_315 : vector<16xi1>, vector<16xf32>
        %parallel_loop3A_329 = arith.constant 16 : i32
        %parallel_loop3A_330 = arith.muli %parallel_loop3A_131, %parallel_loop3A_329 : i32
        %parallel_loop3A_331 = arith.constant 15 : i32
        %parallel_loop3A_332 = arith.addi %parallel_loop3A_330, %parallel_loop3A_331 : i32
        %parallel_loop3A_333 = arith.constant 16 : i32
        %parallel_loop3A_334 = arith.muli %parallel_loop3A_332, %parallel_loop3A_333 : i32
        %parallel_loop3A_335 = arith.index_cast %parallel_loop3A_334 : i32 to index
        %parallel_loop3A_336 = tpu.vector_load %arg13[%parallel_loop3A_335] {strides = array<i32>} : memref<1536xf32, #tpu.memory_space<vmem>>, vector<16xf32>,
        %parallel_loop3A_337 = vector.shape_cast %parallel_loop3A_336 : vector<16xf32> to vector<16xf32>
        %parallel_loop3A_338 = arith.constant 15 : i32
        %parallel_loop3A_339 = vector.broadcast %parallel_loop3A_338 : i32 to vector<16xi32>
        %parallel_loop3A_340 = arith.cmpi eq, %iota3A, %parallel_loop3A_339 : vector<16xi32>
        %parallel_loop3A_341 = arith.select %parallel_loop3A_340, %parallel_loop3A_337, %parallel_loop3A_328 : vector<16xi1>, vector<16xf32>
        %parallel_loop3A_342 = arith.constant 16 : i32
        %parallel_loop3A_343 = arith.muli %parallel_loop3A_131, %parallel_loop3A_342 : i32
        %parallel_loop3A_344 = arith.index_cast %parallel_loop3A_343 : i32 to index
        %parallel_loop3A_345 = tpu.vector_load %arg15[%parallel_loop3A_344] {strides = array<i32>} : memref<96xf32, #tpu.memory_space<vmem>>, vector<16xf32>,
        %parallel_loop3A_346 = vector.shape_cast %parallel_loop3A_345 : vector<16xf32> to vector<16xf32>
        %parallel_loop3A_347 = vector.shape_cast %parallel_loop3A_341 : vector<16xf32> to vector<16xf32>
        tpu.vector_store %arg15[%parallel_loop3A_344], %parallel_loop3A_347 {strides = array<i32>} : memref<96xf32, #tpu.memory_space<vmem>>, vector<16xf32>,
      } {sc.loop_unroll_factor = 2 : i64, sc.parallel_access}
      %mul3A_121 = arith.constant 96 : i32
      %mul3A_122 = arith.muli %add3A_91, %mul3A_121 : i32
      %add3A_123 = arith.addi %mul3A_2, %mul3A_122 : i32
      %mul3A_124 = arith.constant 128 : i32
      %mul3A_125 = arith.muli %add3A_123, %mul3A_124 : i32
      %dma_start3A_126 = tpu.memref_slice %arg4[%mul3A_125] : memref<12582912xf32, #tpu.memory_space<hbm>> -> memref<12288xf32, #tpu.memory_space<hbm>>
      %dma_start3A_127 = tpu.memref_slice %arg4[%mul3A_125] : memref<12582912xf32, #tpu.memory_space<hbm>> -> memref<12288xf32, #tpu.memory_space<hbm>>
      tpu.enqueue_dma source(%arg11 : memref<12288xf32, #tpu.memory_space<vmem>>) target(%dma_start3A_127 : memref<12288xf32, #tpu.memory_space<hbm>>) target_semaphore(%arg19 : memref<!tpu.dma_semaphore, #tpu.memory_space<semaphore_mem>>)
      %dma_start3A_128 = tpu.memref_slice %arg5[%add3A_123] : memref<98304xf32, #tpu.memory_space<hbm>> -> memref<96xf32, #tpu.memory_space<hbm>>
      %dma_start3A_129 = tpu.memref_slice %arg5[%add3A_123] : memref<98304xf32, #tpu.memory_space<hbm>> -> memref<96xf32, #tpu.memory_space<hbm>>
      tpu.enqueue_dma source(%arg15 : memref<96xf32, #tpu.memory_space<vmem>>) target(%dma_start3A_129 : memref<96xf32, #tpu.memory_space<hbm>>) target_semaphore(%arg19 : memref<!tpu.dma_semaphore, #tpu.memory_space<semaphore_mem>>)
      %scan3A_130 = arith.constant 0 : i32
      scf.yield %scan3A_130 : i32
    }
    %scan3A_21 = arith.constant 16 : i32
    %dma_wait3A = arith.constant 0 : i32
    %dma_wait3A_22 = tpu.memref_slice %arg4[%dma_wait3A] : memref<12582912xf32, #tpu.memory_space<hbm>> -> memref<12288xf32, #tpu.memory_space<hbm>>
    %dma_wait3A_23 = arith.constant 0 : i32
    %dma_wait3A_24 = tpu.memref_slice %arg4[%dma_wait3A_23] : memref<12582912xf32, #tpu.memory_space<hbm>> -> memref<12288xf32, #tpu.memory_space<hbm>>
    tpu.wait_dma2 semaphore(%arg18 : memref<!tpu.dma_semaphore, #tpu.memory_space<semaphore_mem>>) src(%arg10 : memref<12288xf32, #tpu.memory_space<vmem>>) dst(%dma_wait3A_24 : memref<12288xf32, #tpu.memory_space<hbm>>)
    %dma_wait3A_25 = arith.constant 0 : i32
    %dma_wait3A_26 = tpu.memref_slice %arg5[%dma_wait3A_25] : memref<98304xf32, #tpu.memory_space<hbm>> -> memref<96xf32, #tpu.memory_space<hbm>>
    %dma_wait3A_27 = arith.constant 0 : i32
    %dma_wait3A_28 = tpu.memref_slice %arg5[%dma_wait3A_27] : memref<98304xf32, #tpu.memory_space<hbm>> -> memref<96xf32, #tpu.memory_space<hbm>>
    tpu.wait_dma2 semaphore(%arg18 : memref<!tpu.dma_semaphore, #tpu.memory_space<semaphore_mem>>) src(%arg14 : memref<96xf32, #tpu.memory_space<vmem>>) dst(%dma_wait3A_28 : memref<96xf32, #tpu.memory_space<hbm>>)
    %dma_wait3A_29 = arith.constant 0 : i32
    %dma_wait3A_30 = tpu.memref_slice %arg4[%dma_wait3A_29] : memref<12582912xf32, #tpu.memory_space<hbm>> -> memref<12288xf32, #tpu.memory_space<hbm>>
    %dma_wait3A_31 = arith.constant 0 : i32
    %dma_wait3A_32 = tpu.memref_slice %arg4[%dma_wait3A_31] : memref<12582912xf32, #tpu.memory_space<hbm>> -> memref<12288xf32, #tpu.memory_space<hbm>>
    tpu.wait_dma2 semaphore(%arg19 : memref<!tpu.dma_semaphore, #tpu.memory_space<semaphore_mem>>) src(%arg11 : memref<12288xf32, #tpu.memory_space<vmem>>) dst(%dma_wait3A_32 : memref<12288xf32, #tpu.memory_space<hbm>>)
    %dma_wait3A_33 = arith.constant 0 : i32
    %dma_wait3A_34 = tpu.memref_slice %arg5[%dma_wait3A_33] : memref<98304xf32, #tpu.memory_space<hbm>> -> memref<96xf32, #tpu.memory_space<hbm>>
    %dma_wait3A_35 = arith.constant 0 : i32
    %dma_wait3A_36 = tpu.memref_slice %arg5[%dma_wait3A_35] : memref<98304xf32, #tpu.memory_space<hbm>> -> memref<96xf32, #tpu.memory_space<hbm>>
    tpu.wait_dma2 semaphore(%arg19 : memref<!tpu.dma_semaphore, #tpu.memory_space<semaphore_mem>>) src(%arg15 : memref<96xf32, #tpu.memory_space<vmem>>) dst(%dma_wait3A_36 : memref<96xf32, #tpu.memory_space<hbm>>)
    return
  }
}

</mosaic_0001>

<sc_bundles>
// kernel: kernel.3.cloned.1.call-start
scs
__scs_entry_jumppad:
0x0: {  	(pc) =	sbr.rel $0x88, $3  }
0x1: {  	(tag) =	ssettag $0x0;
	lr =	simm.s32 $0x1  }
0x2: {  	[smem:$0x3F9F] =	sst lr;
	_ =	strace $0xD0000000  }
0x3: {  	_ = 	snop  }
0x4: {  	_ = 	snop  }
0x5: {  	_ = 	snop  }
0x6: {  	_ = 	snop  }
0x7: {  	_ = 	snop  }
__scs_overlays_trampoline_lowered:
0x8: {  	[smem:$0x3FAE] =	sst s0  }
0x9: {  	[smem:$0x3FAF] =	sst s1  }
0xa: {  	[smem:$0x3FB0] =	sst s2  }
0xb: {  	[smem:$0x3FB1] =	sst s3  }
0xc: {  	[smem:$0x3FB2] =	sst s4  }
0xd: {  	[smem:$0x3FB3] =	sst s5  }
0xe: {  	[smem:$0x3FB4] =	sst s6  }
0xf: {  	[smem:$0x3FB5] =	sst s7  }
0x10: {  	[smem:$0x3FB6] =	sst s8  }
0x11: {  	[smem:$0x3FB7] =	sst s9;
	s0 =	simm.s32 @!p0 $0x0  }
0x12: {  	s1 =	sld [smem:$0x3F9D];
	s0 =	simm.s32 @p0 $0x1  }
0x13: {  	[smem:$0x3FB8] =	sst s0;
	s0 =	simm.s32 @!p1 $0x0  }
0x14: {  	s2 =	sld [smem:$0x3F9C];
	s0 =	simm.s32 @p1 $0x1  }
0x15: {  	[smem:$0x3FB9] =	sst s0;
	s0 =	simm.s32 @!p2 $0x0  }
0x16: {  	s3 =	sld [smem:$0x3FDB];
	s0 =	simm.s32 @p2 $0x1  }
0x17: {  	s4 =	simm.s32 $0x1BF5;
	[smem:$0x3FBB] =	sst s0  }
0x18: {  	s0 =	sld [smem:$0x3F9E];
	_ =	swait.ge [sflag:s4], $0x0  }
0x19: {  	s7 =	sld [smem:$0x3F9F]  }
0x1a: {  	s8 =	sadd.s32 $0xFFFFE003, lr  }
0x1b: {  	s9 =	sadd.s32 $0xFFFFFEF7, lr;
	s5 =	simm.s32 $0xFFFFFFFF;
	p2 =	slt.u32 s8, $0xFFFFF086  }
0x1c: {  	p1 =	slt.u32 s9, $0xF7A;
	s5 =	simm.s32 @!p2 $0x0  }
0x1d: {  	s5 =	simm.s32 @p1 $0x1;
	p0 =	seq.s32 s7, s2  }
0x1e: {  	s7 =	smul.u32 @!p0 $0xF7A, s2;
	p2 =	seq.s32 @!p0 s5, $0x0  }
0x1f: {  	s9 =	smul.u32 $0xF7A, s1;
	s8 =	simm.s32 @!p0 $0x1BF5;
	p2 =	por !p2, p0  }
0x20: {  	[sflag:s8] =	ssyncset.s32 @!p0 $0xFFFFF086;
	s6 =	sadd.s32 @!p0 s3, s7;
	s7 =	simm.s32 @!p0 $0x108  }
0x21: {  	s3 =	sadd.s32 s3, s9;
	s6 =	sadd.s32 @!p0 $0x88, s6;
	s7 =	simm.s32 @p2 $0x1082  }
0x22: {  	[simem:s7], [sflag:s8] =	dma.local @!p0 [hbm:s6], $0xF7A  }
0x23: {  	s9 =	sor.u32 $0xD0000000, s2;
	s6 =	simm.s32 $0x108;
	_ =	swait.ge @!p0 [sflag:s8], $0x0  }
0x24: {  	s3 =	sadd.s32 $0x88, s3;
	s6 =	simm.s32 @!p1 $0x1082;
	[sflag:s4] =	ssyncset.s32 $0xFFFFF086  }
0x25: {  	[simem:s6], [sflag:s4] =	dma.local [hbm:s3], $0xF7A  }
0x26: {  	[smem:$0x3F9F] =	sst s1;
	(tag) =	ssettag s2;
	_ =	strace s9  }
0x27: {  	s1 =	sld [smem:$0x3FAF]  }
0x28: {  	s2 =	sld [smem:$0x3FB0]  }
0x29: {  	s4 =	sld [smem:$0x3FB2]  }
0x2a: {  	p0 =	seq.s32 s5, $0x0;
	s5 =	sld [smem:$0x3FB3]  }
0x2b: {  	s6 =	sld [smem:$0x3FB4]  }
0x2c: {  	s7 =	sld [smem:$0x3FB5]  }
0x2d: {  	s3 =	simm.s32 $0x108;
	s8 =	sld [smem:$0x3FB6]  }
0x2e: {  	s3 =	simm.s32 @!p0 $0x1082;
	s9 =	sld [smem:$0x3FB7]  }
0x2f: {  	lr =	sadd.s32 s0, s3;
	s0 =	sld [smem:$0x3FAE]  }
0x30: {  	s3 =	sld [smem:$0x3FB1]  }
0x31: {  	[smem:$0x3FBA] =	sst s10  }
0x32: {  	s10 =	sld [smem:$0x3FB8];
	_ =	sdelay $0x3  }
0x33: {  	p0 =	seq.s32 s10, $0x1;
	s10 =	sld [smem:$0x3FBA];
	_ =	sdelay $0x3  }
0x34: {  	[smem:$0x3FBA] =	sst s10  }
0x35: {  	s10 =	sld [smem:$0x3FB9];
	_ =	sdelay $0x3  }
0x36: {  	p1 =	seq.s32 s10, $0x1;
	s10 =	sld [smem:$0x3FBA];
	_ =	sdelay $0x3  }
0x37: {  	[smem:$0x3FBA] =	sst s10  }
0x38: {  	s10 =	sld [smem:$0x3FBB]  }
0x39: {  	_ = 	snop;
	(pc) =	sbr.ind lr, $3  }
0x3a: {  	_ = 	snop  }
0x3b: {  	_ = 	snop  }
0x3c: {  	p2 =	seq.s32 s10, $0x1;
	s10 =	sld [smem:$0x3FBA]  }
0x3d: {  	_ =	shalt  }
0x3e: {  	_ =	shalt  }
0x3f: {  	_ =	shalt  }
0x40: {  	_ =	shalt  }
0x41: {  	_ =	shalt  }
0x42: {  	_ =	shalt  }
0x43: {  	_ =	shalt  }
0x44: {  	_ =	shalt  }
0x45: {  	_ =	shalt  }
0x46: {  	_ =	shalt  }
0x47: {  	_ =	shalt  }
0x48: {  	_ =	shalt  }
0x49: {  	_ =	shalt  }
0x4a: {  	_ =	shalt  }
0x4b: {  	_ =	shalt  }
0x4c: {  	_ =	shalt  }
0x4d: {  	_ =	shalt  }
0x4e: {  	_ =	shalt  }
0x4f: {  	_ =	shalt  }
0x50: {  	_ =	shalt  }
0x51: {  	_ =	shalt  }
0x52: {  	_ =	shalt  }
0x53: {  	_ =	shalt  }
0x54: {  	_ =	shalt  }
0x55: {  	_ =	shalt  }
0x56: {  	_ =	shalt  }
0x57: {  	_ =	shalt  }
0x58: {  	_ =	shalt  }
0x59: {  	_ =	shalt  }
0x5a: {  	_ =	shalt  }
0x5b: {  	_ =	shalt  }
0x5c: {  	_ =	shalt  }
0x5d: {  	_ =	shalt  }
0x5e: {  	_ =	shalt  }
0x5f: {  	_ =	shalt  }
0x60: {  	_ =	shalt  }
0x61: {  	_ =	shalt  }
0x62: {  	_ =	shalt  }
0x63: {  	_ =	shalt  }
0x64: {  	_ =	shalt  }
0x65: {  	_ =	shalt  }
0x66: {  	_ =	shalt  }
0x67: {  	_ =	shalt  }
0x68: {  	_ =	shalt  }
0x69: {  	_ =	shalt  }
0x6a: {  	_ =	shalt  }
0x6b: {  	_ =	shalt  }
0x6c: {  	_ =	shalt  }
0x6d: {  	_ =	shalt  }
0x6e: {  	_ =	shalt  }
0x6f: {  	_ =	shalt  }
0x70: {  	_ =	shalt  }
0x71: {  	_ =	shalt  }
0x72: {  	_ =	shalt  }
0x73: {  	_ =	shalt  }
0x74: {  	_ =	shalt  }
0x75: {  	_ =	shalt  }
0x76: {  	_ =	shalt  }
0x77: {  	_ =	shalt  }
0x78: {  	_ =	shalt  }
0x79: {  	_ =	shalt  }
0x7a: {  	_ =	shalt  }
0x7b: {  	_ =	shalt  }
0x7c: {  	_ =	shalt  }
0x7d: {  	_ =	shalt  }
0x7e: {  	_ =	shalt  }
0x7f: {  	_ =	shalt  }
0x80: {  	_ =	shalt  }
0x81: {  	_ =	shalt  }
0x82: {  	_ =	shalt  }
0x83: {  	_ =	shalt  }
0x84: {  	_ =	shalt  }
0x85: {  	_ =	shalt  }
0x86: {  	_ =	shalt  }
0x87: {  	_ =	shalt  }
.Lfunc_end0:
.L_simem_size_0:
called_computation_lowered:
.L_overlay_start_0:
0x88: {  	s2 =	sld [smem:$0x3FD9]  }
0x89: {  	s3 =	sld [smem:$0x3FFE];
	_ =	sdelay $0x1  }
0x8a: {  	s1 =	srdreg.scid  }
0x8b: {  	s0 =	sand.u32 $0x1, s1  }
0x8c: {  	s15 =	sshll.u32 s0, $0xA;
	s2 =	sadd.s32 s3, s2  }
0x8d: {  	s2 =	sadd.s32 s2, s15  }
0x8e: {  	[smem:$0x3FC6] =	sst s2  }
0x8f: {  	_ = 	snop  }
0x90: {  	s2 =	sld [smem:$0x3FD0];
	_ =	sdelay $0x1  }
0x91: {  	s16 =	sld [smem:$0x3FC9]  }
0x92: {  	s5 =	simm.s32 $0xA;
	s6 =	simm.s32 $0x10;
	s4 =	sld [smem:$0x3FC8]  }
0x93: {  	[smem:s6], [sflag:s5] =	dma.local [hbm:s2], $0x1  }
0x94: {  	_ =	swait.eq [sflag:s5], $0x1  }
0x95: {  	[sflag:s5] =	ssyncset.done $0x0  }
0x96: {  	s17 =	sld [smem:$0x10];
	[sflag:s5] =	ssyncadd.s32 $0xFFFFFFFF  }
0x97: {  	s18 =	sld [smem:$0x11];
	(tm) =	ssettm $0x1  }
0x98: {  	s19 =	sld [smem:$0x3FFB];
	_ =	sdelay $0x3  }
0x99: {  	_ =	strace s19  }
0x9a: {  	s6 =	sld [smem:$0x3FFC];
	_ =	sdelay $0x3  }
0x9b: {  	_ =	strace s6  }
0x9c: {  	s6 =	sld [smem:$0x3FFD];
	_ =	sdelay $0x3  }
0x9d: {  	_ =	strace s6  }
0x9e: {  	_ =	strace $0x8FFFFFFF  }
0x9f: {  	s20 =	sld [smem:$0x3FDB];
	_ =	sdelay $0x1  }
0xa0: {  	s7 =	simm.s32 $_scs_section_size  }
0xa1: {  	s8 =	simm.s32 $_size__tile_overlayer_lowered;
	s9 =	simm.s32 $_tile_overlayer_lowered  }
0xa2: {  	s23 =	simm.s32 $0x1BFF;
	s22 =	sshll.u32 s9, $0x1;
	s6 =	sadd.s32 s7, s20  }
0xa3: {  	s10 =	simm.s32 $0x0;
	s21 =	sshll.u32 s8, $0x1;
	s8 =	sadd.s32 s22, s6  }
0xa4: {  	[timem:s10], [sflag:s23] =	dma.local [hbm:s8], s21  }
0xa5: {  	_ =	swait.ge [sflag:s23], s21  }
0xa6: {  	s7 =	ssub.s32 $0x0, s21;
	[sflag:s23] =	ssyncset.done $0x0  }
0xa7: {  	[sflag:s23] =	ssyncadd.s32 s7;
	_ =	sdelay $0x1  }
0xa8: {  	s24 =	simm.s32 $0x1B8B  }
0xa9: {  	_ =	swait.ge [sflag:s24], $0x1  }
0xaa: {  	[sflag:s24] =	ssyncset.done $0x0  }
0xab: {  	s25 =	simm.s32 $0x1B8E;
	[sflag:s24] =	ssyncadd.s32 $0xFFFFFFFF  }
0xac: {  	s26 =	simm.s32 $execute0_lowered;
	[smem:$0x3FD2] =	sst s25  }
0xad: {  	s7 =	sshll.u32 s26, $0x1;
	_ =	strace $0x80000046;
	[dreg:$0x1] =	wrdreg $0xFFFFFFFF  }
0xae: {  	s28 =	simm.s32 $_size_execute0_lowered;
	s6 =	sadd.s32 s6, s7;
	[dreg:$0x0] =	wrdreg $0x0  }
0xaf: {  	s7 =	sshll.u32 s28, $0x1;
	[dreg:$0x2] =	wrdreg s6  }
0xb0: {  	[dreg:$0x3] =	wrdreg s7  }
0xb1: {  	[dreg:$0x4] =	wrdreg $0xC0  }
0xb2: {  	_ =	task [dreg:s10], $0x5FFFF  }
0xb3: {  	[dreg:$0x1] =	wrdreg $0xFFFFFFFF  }
0xb4: {  	[dreg:$0x0] =	wrdreg $0x60  }
0xb5: {  	[dreg:$0x2] =	wrdreg s16  }
0xb6: {  	[dreg:$0x3] =	wrdreg s4  }
0xb7: {  	[dreg:$0x4] =	wrdreg s17  }
0xb8: {  	[dreg:$0x5] =	wrdreg s18  }
0xb9: {  	[dreg:$0x6] =	wrdreg $0x9  }
0xba: {  	_ =	task.clear_ibuf [dreg:s10], $0x7FFFF;
	_ =	strace $0x90000046  }
0xbb: {  	s29 =	simm.s32 $0x9;
	_ =	strace $0x80000048  }
0xbc: {  	_ =	swait.ge [sflag:s29], $0x1  }
0xbd: {  	[sflag:s29] =	ssyncadd.s32 $0xFFFFFFFF  }
0xbe: {  	_ =	strace $0x90000048  }
0xbf: {  	_ =	sfence  }
0xc0: {  	s30 =	sld [smem:$0x0];
	_ =	sdelay $0x2  }
0xc1: {  	s31 =	sshll.u32 s1, $0xD;
	s1 =	sshrl.u32 s1, $0x2  }
0xc2: {  	s3 =	sand.u32 $0x4000, s31;
	s1 =	sadd.s32 s1, s30  }
0xc3: {  	s0 =	sor.u32 s3, s0;
	s1 =	sshll.u32 s1, $0x11  }
0xc4: {  	s0 =	sor.u32 s1, s0  }
0xc5: {  	s0 =	sadd.s32 $0x8F2B, s0  }
0xc6: {  	[sflag:s0] =	ssyncadd.remote.s32 $0x1  }
0xc7: {  	_ =	sfence.sel $0xFFFF  }
0xc8: {  	[dreg:$0x0] =	wrdreg $0xFFFFFFFF;
	(pc) =	sbr.abs _section_cstart, $3  }
0xc9: {  	[dreg:$0x1] =	wrdreg $0xFFFFFFFF  }
0xca: {  	_ =	task.clear_ibuf [dreg:s10], $0x2FFFF;
	_ =	strace $0x9FFFFFFF  }
0xcb: {  	(tm) =	ssettm $0x7FFFFFFF  }
tec
execute0_lowered:
.L_overlay_start_1:
0x0: {  	(tag) =	ssettag $0x1  }
0x1: {  	s1 =	rddreg [dreg:$0x0]  }
0x2: {  	s2 =	rddreg [dreg:$0x1]  }
0x3: {  	s0 =	srdreg.scid;
	s4 =	rddreg [dreg:$0x2]  }
0x4: {  	s3 =	stileid.u32;
	s5 =	rddreg [dreg:$0x3]  }
0x5: {  	s6 =	simm.s32 $0x0;
	s16 =	simm.s32 $0x1;
	s17 =	simm.s32 $0x18400  }
0x6: {  	s18 =	simm.s32 $0x1F000;
	s0 =	sand.u32 $0x1, s0;
	s3 =	sshll.u32 s3, $0x1  }
0x7: {  	v56 =	vimm.s32 $0x0;
	s19 =	simm.s32 $0x2;
	s20 =	simm.s32 $0x1B400;
	s3 =	sor.u32 s0, s3  }
0x8: {  	v60 =	vimm.s32 $0x1;
	v61 =	vimm.s32 $0x2;
	v62 =	vimm.s32 $0x3;
	s21 =	simm.s32 $0x1F080;
	[smem:$0x7FF] =	sst s6;
	s8 =	smul.u32 $0x30000, s3  }
0x9: {  	vm0 =	vmmov $0x1;
	vm1 =	vmmov $0x3;
	vm2 =	vmmov $0x7;
	s0 =	ssub.s32 $0x2, s0;
	_ =	strace $0x80000047;
	s9 =	smul.u32 $0x600, s3  }
0xa: {  	vm3 =	vmmov $0xf;
	vm4 =	vmmov $0x1f;
	vm5 =	vmmov $0x3f;
	s10 =	sshrl.u32 s0, $0x1;
	s7 =	smul.u32 $0xC00, s3;
	s30 =	sadd.s32 s1, s8  }
0xb: {  	vm6 =	vmmov $0x7f;
	vm7 =	vmmov $0xff;
	vm8 =	vmmov $0x1ff;
	s0 =	ssub.s32 s0, s10;
	s31 =	sadd.s32 s2, s9;
	[dreg:$0x5] =	wrdreg s30  }
0xc: {  	vm9 =	vmmov $0x3ff;
	vm10 =	vmmov $0x7ff;
	vm11 =	vmmov $0xfff;
	s10 =	sor.u32 $0x60, s7;
	s0 =	smax.u32 s0, $0x1;
	[dreg:$0x6] =	wrdreg s31  }
0xd: {  	vm12 =	vmmov $0x1fff;
	vm13 =	vmmov $0x3fff;
	vm14 =	vmmov $0x7fff;
	s11 =	sor.u32 $0xC0, s7;
	s8 =	simm.s32 $0x0;
	[dreg:$0x7] =	wrdreg s0  }
.LBB2_1:
0xe: {  	[dreg:$0x8] =	wrdreg s8  }
0xf: {  	s0 =	rddreg [dreg:$0x5]  }
0x10: {  	[tilespmem:s6], [sflag:$0x1] =	stream.linear.gather [hbm4b:s0+s6], $0xC000, $0x38;
	[tilespmem:$0x1F100] =	vst v63  }
0x11: {  	s31 =	rddreg [dreg:$0x6];
	s3 =	simm.s32 $0x18000;
	s25 =	simm.s32 $0x0  }
0x12: {  	[tilespmem:s3], [sflag:$0x1] =	stream.linear.gather [hbm4b:s31+s6], $0x180, $0x38;
	[tilespmem:$0x1F100] =	vst v63  }
.LBB2_2:
0x13: {  	s28 =	smul.u32 $0xC0, s25;
	_ =	sdelay $0x1  }
0x14: {  	s26 =	sadd.s32 s28, s10  }
0x15: {  	s0 =	sshll.u32 s26, $0x6  }
0x16: {  	s0 =	sand.u32 $0x1FFFF800, s0  }
0x17: {  	s3 =	simm.s32 $0xC000;
	s30 =	sshrl.u32 s26, $0x1;
	s0 =	sadd.s32 s1, s0  }
0x18: {  	[tilespmem:s3], [sflag:$0x2] =	stream.linear.gather [hbm4b:s0+s6], $0xC000, $0x38;
	[tilespmem:$0x1F100] =	vst v63  }
0x19: {  	s31 =	simm.s32 $0x18200;
	s0 =	sadd.s32 s2, s30  }
0x1a: {  	[tilespmem:s31], [sflag:$0x2] =	stream.linear.gather [hbm4b:s0+s6], $0x180, $0x38;
	[tilespmem:$0x1F100] =	vst v63  }
0x1b: {  	_ =	swait.ge [sflag:s16], $0xC000  }
0x1c: {  	[sflag:s16] =	ssyncset.done $0x0  }
0x1d: {  	[sflag:s16] =	ssyncadd.s32 $0xFFFF4000  }
0x1e: {  	_ =	swait.ge [sflag:s16], $0x180  }
0x1f: {  	p0 =	seq.s32 s25, $0x0;
	[sflag:s16] =	ssyncset.done $0x0  }
0x20: {  	s0 =	simm.s32 @!p0 $0x3;
	[sflag:s16] =	ssyncadd.s32 $0xFFFFFE80  }
0x21: {  	_ =	swait.ge @!p0 [sflag:s0], $0x3000  }
0x22: {  	[sflag:s0] =	ssyncset.done @!p0 $0x0  }
0x23: {  	[sflag:s0] =	ssyncadd.s32 @!p0 $0xFFFFD000  }
0x24: {  	_ =	swait.ge @!p0 [sflag:s0], $0x60  }
0x25: {  	[sflag:s0] =	ssyncset.done @!p0 $0x0  }
0x26: {  	s29 =	simm.s32 $0x0;
	[sflag:s0] =	ssyncadd.s32 @!p0 $0xFFFFFFA0  }
.LBB2_3:
0x27: {  	s0 =	sshll.u32 s29, $0x4  }
0x28: {  	s3 =	sshra.s32 s0, $0x2  }
0x29: {  	v4 =	vld [tilespmem:s3+$0x18000];
	_ =	sdelay $0x4  }
0x2a: {  	v15 =	vperm.xlane v4, v56;
	v7 =	vperm.xlane v4, v60  }
0x2b: {  	v8 =	vperm.xlane v4, v61;
	v39 =	vperm.xlane v4, v62;
	_ =	sdelay $0x1  }
0x2c: {  	v51 =	vadd.f32 v7, v15;
	v6 =	vadd.f32 v39, v8;
	_ =	sdelay $0x1  }
0x2d: {  	v4 =	vadd.f32 v6, v51;
	_ =	sdelay $0x1  }
0x2e: {  	v6 =	vmul.f32 $2.500000000e-01, v4  }
0x2f: {  	s8 =	sand.u32 $0x3FFFFFF0, s0  }
0x30: {  	s9 =	sshll.u32 s29, $0x9;
	[tilespmem:s8+$0x1E400] =	vst v6  }
0x31: {  	v6 =	vld [tilespmem:s9+$0x0]  }
0x32: {  	v9 =	vld [tilespmem:s9+$0x80]  }
0x33: {  	v10 =	vld [tilespmem:s9+$0x100]  }
0x34: {  	v4 =	vmax.f32 v4, $9.999999970e-07;
	v11 =	vld [tilespmem:s9+$0x180]  }
0x35: {  	(erf) = vrcp.f32 v4;
	_ =	sdelay $0x2  }
0x36: {  	s24 =	sor.u32 $0x1, s29;
	v52 =	vmul.f32 v6, v15;
	v53 =	vmul.f32 v9, v7  }
0x37: {  	s30 =	sshll.u32 s24, $0x2;
	v54 =	vmul.f32 v10, v8;
	v55 =	vmul.f32 v11, v39  }
0x38: {  	s3 =	sand.u32 $0x3FFFFFFC, s30  }
0x39: {  	v58 =	vld [tilespmem:s3+$0x18000];
	v4 =	vadd.f32 v53, v52;
	v57 =	vadd.f32 v55, v54;
	_ =	sdelay $0x1  }
0x3a: {  	s31 =	sor.u32 $0x2, s29;
	v6 =	vadd.f32 v57, v4  }
0x3b: {  	s12 =	sshll.u32 s31, $0x2;
	v42 =	vpop (erf)  }
0x3c: {  	s12 =	sand.u32 $0x3FFFFFFC, s12;
	v6 =	vmul.f32 v6, v42  }
0x3d: {  	s30 =	sshrl.u32 s9, $0x2;
	v16 =	vld [tilespmem:s12+$0x18000];
	v17 =	vperm.xlane v58, v56;
	v13 =	vperm.xlane v58, v61  }
0x3e: {  	v10 =	vperm.xlane v58, v60;
	[tilespmem:s30+$0x18400] =	vst v6;
	v6 =	vperm.xlane v58, v62  }
0x3f: {  	v18 =	vld [tilespmem:s9+$0x10]  }
0x40: {  	v59 =	vadd.f32 v10, v17;
	v19 =	vld [tilespmem:s9+$0x90];
	v63 =	vadd.f32 v6, v13  }
0x41: {  	v20 =	vld [tilespmem:s9+$0x110]  }
0x42: {  	v14 =	vperm.xlane v16, v56;
	v12 =	vperm.xlane v16, v61;
	v21 =	vld [tilespmem:s9+$0x190];
	v22 =	vadd.f32 v63, v59  }
0x43: {  	v11 =	vperm.xlane v16, v60;
	v9 =	vperm.xlane v16, v62  }
0x44: {  	v0 =	vmul.f32 $2.500000000e-01, v22  }
0x45: {  	v23 =	vadd.f32 v11, v14;
	v24 =	vadd.f32 v9, v12  }
0x46: {  	s14 =	sshll.u32 s24, $0x9;
	v18 =	vmul.f32 v18, v15;
	v19 =	vmul.f32 v19, v7;
	[tilespmem:s8+$0x1E410] =	vst v0  }
0x47: {  	v23 =	vadd.f32 v24, v23;
	v1 =	vmul.f32 v20, v8;
	v2 =	vmul.f32 v21, v39;
	v3 =	vld [tilespmem:s14+$0x0]  }
0x48: {  	v4 =	vld [tilespmem:s14+$0x80]  }
0x49: {  	v28 =	vmul.f32 $2.500000000e-01, v23;
	v18 =	vadd.f32 v19, v18;
	v16 =	vadd.f32 v2, v1;
	v5 =	vld [tilespmem:s14+$0x100]  }
0x4a: {  	v22 =	vmax.f32 v22, $9.999999970e-07;
	v25 =	vld [tilespmem:s14+$0x180]  }
0x4b: {  	s12 =	sshll.u32 s31, $0x9;
	[tilespmem:s8+$0x1E420] =	vst v28;
	(erf) = vrcp.f32 v22;
	v16 =	vadd.f32 v16, v18  }
0x4c: {  	v29 =	vld [tilespmem:s12+$0x0]  }
0x4d: {  	v31 =	vld [tilespmem:s12+$0x100];
	v16 =	vmul.f32 v16, v42  }
0x4e: {  	v34 =	vld [tilespmem:s12+$0x180];
	v21 =	vmul.f32 v3, v17;
	v30 =	vmul.f32 v4, v10  }
0x4f: {  	v23 =	vmax.f32 v23, $9.999999970e-07;
	v20 =	vld [tilespmem:s12+$0x80];
	[tilespmem:s30+$0x18410] =	vst v16;
	v32 =	vmul.f32 v5, v13;
	v33 =	vmul.f32 v25, v6  }
0x50: {  	(erf) = vrcp.f32 v23;
	v26 =	vld [tilespmem:s9+$0x20]  }
0x51: {  	v35 =	vld [tilespmem:s9+$0xA0];
	v21 =	vadd.f32 v30, v21;
	v16 =	vadd.f32 v33, v32  }
0x52: {  	v36 =	vld [tilespmem:s9+$0x120]  }
0x53: {  	s13 =	sor.u32 $0x3, s29;
	v38 =	vmul.f32 v29, v14;
	v24 =	vmul.f32 v31, v12;
	v37 =	vld [tilespmem:s9+$0x1A0];
	v16 =	vadd.f32 v16, v21  }
0x54: {  	s15 =	sshll.u32 s13, $0x2;
	v20 =	vmul.f32 v20, v11;
	v25 =	vmul.f32 v34, v9;
	v18 =	vpop (erf)  }
0x55: {  	s3 =	sand.u32 $0x3FFFFFFC, s15;
	v16 =	vmul.f32 v16, v18  }
0x56: {  	s31 =	sshrl.u32 s14, $0x2;
	v41 =	vld [tilespmem:s3+$0x18000];
	v20 =	vadd.f32 v20, v38;
	v40 =	vadd.f32 v25, v24  }
0x57: {  	v43 =	vmul.f32 v26, v15;
	v23 =	vmul.f32 v35, v7;
	[tilespmem:s31+$0x18400] =	vst v16  }
0x58: {  	v20 =	vadd.f32 v40, v20;
	v19 =	vmul.f32 v36, v8;
	v22 =	vmul.f32 v37, v39;
	v44 =	vld [tilespmem:s14+$0x10]  }
0x59: {  	v27 =	vld [tilespmem:s14+$0x90];
	v16 =	vpop (erf)  }
0x5a: {  	v23 =	vadd.f32 v23, v43;
	v19 =	vadd.f32 v22, v19;
	v45 =	vld [tilespmem:s14+$0x110];
	v20 =	vmul.f32 v20, v16  }
0x5b: {  	s3 =	sshrl.u32 s12, $0x2;
	v21 =	vperm.xlane v41, v60;
	v22 =	vperm.xlane v41, v56;
	v28 =	vld [tilespmem:s14+$0x190]  }
0x5c: {  	v23 =	vadd.f32 v19, v23;
	v19 =	vperm.xlane v41, v61;
	[tilespmem:s3+$0x18400] =	vst v20;
	v20 =	vperm.xlane v41, v62  }
0x5d: {  	v46 =	vld [tilespmem:s12+$0x10]  }
0x5e: {  	v30 =	vadd.f32 v21, v22;
	v23 =	vmul.f32 v23, v42;
	v29 =	vld [tilespmem:s12+$0x90];
	v31 =	vadd.f32 v20, v19  }
0x5f: {  	v26 =	vmul.f32 v44, v17;
	v27 =	vmul.f32 v27, v10;
	v32 =	vld [tilespmem:s12+$0x110]  }
0x60: {  	[tilespmem:s30+$0x18420] =	vst v23;
	v47 =	vmul.f32 v45, v13;
	v48 =	vmul.f32 v28, v6;
	v49 =	vld [tilespmem:s12+$0x190];
	v30 =	vadd.f32 v31, v30  }
0x61: {  	v50 =	vld [tilespmem:s9+$0x30]  }
0x62: {  	v33 =	vld [tilespmem:s9+$0xB0];
	v26 =	vadd.f32 v27, v26;
	v23 =	vadd.f32 v48, v47;
	v51 =	vmul.f32 $2.500000000e-01, v30  }
0x63: {  	v52 =	vld [tilespmem:s9+$0x130]  }
0x64: {  	s13 =	sshll.u32 s13, $0x9;
	v34 =	vld [tilespmem:s9+$0x1B0];
	v23 =	vadd.f32 v23, v26;
	v24 =	vmul.f32 v46, v14;
	v53 =	vmul.f32 v29, v11;
	[tilespmem:s8+$0x1E430] =	vst v51  }
0x65: {  	v54 =	vmul.f32 v32, v12;
	v28 =	vmul.f32 v49, v9;
	v55 =	vld [tilespmem:s13+$0x0]  }
0x66: {  	v23 =	vmul.f32 v23, v18;
	v57 =	vld [tilespmem:s13+$0x80]  }
0x67: {  	v31 =	vmul.f32 v50, v15;
	v24 =	vadd.f32 v53, v24;
	v25 =	vadd.f32 v28, v54;
	v58 =	vld [tilespmem:s13+$0x100]  }
0x68: {  	v63 =	vmax.f32 v30, $9.999999970e-07;
	v59 =	vmul.f32 v33, v7;
	v27 =	vmul.f32 v52, v8;
	[tilespmem:s31+$0x18410] =	vst v23;
	v0 =	vld [tilespmem:s13+$0x180]  }
0x69: {  	v1 =	vmul.f32 v34, v39;
	(erf) = vrcp.f32 v63;
	v2 =	vld [tilespmem:s14+$0x20];
	v24 =	vadd.f32 v25, v24  }
0x6a: {  	v3 =	vld [tilespmem:s14+$0xA0]  }
0x6b: {  	v4 =	vadd.f32 v59, v31;
	v27 =	vadd.f32 v1, v27;
	v5 =	vld [tilespmem:s14+$0x120];
	v24 =	vmul.f32 v24, v16  }
0x6c: {  	v36 =	vld [tilespmem:s14+$0x1A0];
	v29 =	vmul.f32 v55, v22;
	v32 =	vmul.f32 v57, v21  }
0x6d: {  	v25 =	vadd.f32 v27, v4;
	[tilespmem:s3+$0x18410] =	vst v24;
	v37 =	vmul.f32 v58, v19;
	v38 =	vmul.f32 v0, v20  }
0x6e: {  	v40 =	vld [tilespmem:s12+$0x20]  }
0x6f: {  	v25 =	vmul.f32 v25, v42;
	v41 =	vld [tilespmem:s12+$0xA0];
	v29 =	vadd.f32 v32, v29;
	v24 =	vadd.f32 v38, v37  }
0x70: {  	v43 =	vmul.f32 v2, v17;
	v44 =	vmul.f32 v3, v10;
	v45 =	vld [tilespmem:s12+$0x120]  }
0x71: {  	[tilespmem:s30+$0x18430] =	vst v25;
	v46 =	vmul.f32 v5, v13;
	v47 =	vmul.f32 v36, v6;
	v48 =	vld [tilespmem:s12+$0x1A0];
	v24 =	vadd.f32 v24, v29  }
0x72: {  	v49 =	vld [tilespmem:s9+$0x40];
	v23 =	vpop (erf)  }
0x73: {  	v50 =	vld [tilespmem:s9+$0xC0];
	v26 =	vadd.f32 v44, v43;
	v25 =	vadd.f32 v47, v46;
	v24 =	vmul.f32 v24, v23  }
0x74: {  	s0 =	sshrl.u32 s13, $0x2;
	v51 =	vld [tilespmem:s9+$0x140]  }
0x75: {  	v52 =	vld [tilespmem:s9+$0x1C0];
	v25 =	vadd.f32 v25, v26;
	v53 =	vmul.f32 v40, v14;
	v54 =	vmul.f32 v41, v11;
	[tilespmem:s0+$0x18400] =	vst v24  }
0x76: {  	v55 =	vmul.f32 v45, v12;
	v57 =	vmul.f32 v48, v9;
	v58 =	vld [tilespmem:s13+$0x10]  }
0x77: {  	v25 =	vmul.f32 v25, v18;
	v59 =	vld [tilespmem:s13+$0x90]  }
0x78: {  	v26 =	vadd.f32 v54, v53;
	v24 =	vadd.f32 v57, v55;
	v63 =	vld [tilespmem:s13+$0x110]  }
0x79: {  	v29 =	vmul.f32 v49, v15;
	v0 =	vmul.f32 v50, v7;
	[tilespmem:s31+$0x18420] =	vst v25;
	v1 =	vld [tilespmem:s13+$0x190]  }
0x7a: {  	v28 =	vmul.f32 v51, v8;
	v32 =	vmul.f32 v52, v39;
	v2 =	vld [tilespmem:s14+$0x30];
	v24 =	vadd.f32 v24, v26  }
0x7b: {  	v3 =	vld [tilespmem:s14+$0xB0]  }
0x7c: {  	v29 =	vadd.f32 v0, v29;
	v28 =	vadd.f32 v32, v28;
	v4 =	vld [tilespmem:s14+$0x130];
	v24 =	vmul.f32 v24, v16  }
0x7d: {  	v5 =	vld [tilespmem:s14+$0x1B0];
	v31 =	vmul.f32 v58, v22;
	v33 =	vmul.f32 v59, v21  }
0x7e: {  	v28 =	vadd.f32 v28, v29;
	[tilespmem:s3+$0x18420] =	vst v24;
	v36 =	vmul.f32 v63, v19;
	v25 =	vmul.f32 v1, v20  }
0x7f: {  	v37 =	vld [tilespmem:s12+$0x30]  }
0x80: {  	v28 =	vmul.f32 v28, v42;
	v38 =	vld [tilespmem:s12+$0xB0];
	v31 =	vadd.f32 v33, v31;
	v24 =	vadd.f32 v25, v36  }
0x81: {  	v40 =	vmul.f32 v2, v17;
	v26 =	vmul.f32 v3, v10;
	v41 =	vld [tilespmem:s12+$0x130]  }
0x82: {  	[tilespmem:s30+$0x18440] =	vst v28;
	v43 =	vmul.f32 v4, v13;
	v44 =	vmul.f32 v5, v6;
	v45 =	vld [tilespmem:s12+$0x1B0];
	v24 =	vadd.f32 v24, v31  }
0x83: {  	v46 =	vld [tilespmem:s9+$0x50]  }
0x84: {  	v47 =	vld [tilespmem:s9+$0xD0];
	v25 =	vadd.f32 v26, v40;
	v48 =	vadd.f32 v44, v43;
	v24 =	vmul.f32 v24, v23  }
0x85: {  	v49 =	vld [tilespmem:s9+$0x150]  }
0x86: {  	v50 =	vld [tilespmem:s9+$0x1D0];
	v25 =	vadd.f32 v48, v25;
	v51 =	vmul.f32 v37, v14;
	v52 =	vmul.f32 v38, v11;
	[tilespmem:s0+$0x18410] =	vst v24  }
0x87: {  	v53 =	vmul.f32 v41, v12;
	v54 =	vmul.f32 v45, v9;
	v55 =	vld [tilespmem:s13+$0x20]  }
0x88: {  	v25 =	vmul.f32 v25, v18;
	v57 =	vld [tilespmem:s13+$0xA0]  }
0x89: {  	v26 =	vadd.f32 v52, v51;
	v24 =	vadd.f32 v54, v53;
	v58 =	vld [tilespmem:s13+$0x120]  }
0x8a: {  	v59 =	vmul.f32 v46, v15;
	v63 =	vmul.f32 v47, v7;
	[tilespmem:s31+$0x18430] =	vst v25;
	v0 =	vld [tilespmem:s13+$0x1A0]  }
0x8b: {  	v28 =	vmul.f32 v49, v8;
	v30 =	vmul.f32 v50, v39;
	v1 =	vld [tilespmem:s14+$0x40];
	v24 =	vadd.f32 v24, v26  }
0x8c: {  	v2 =	vld [tilespmem:s14+$0xC0]  }
0x8d: {  	v29 =	vadd.f32 v63, v59;
	v28 =	vadd.f32 v30, v28;
	v3 =	vld [tilespmem:s14+$0x140];
	v24 =	vmul.f32 v24, v16  }
0x8e: {  	v4 =	vld [tilespmem:s14+$0x1C0];
	v32 =	vmul.f32 v55, v22;
	v33 =	vmul.f32 v57, v21  }
0x8f: {  	v28 =	vadd.f32 v28, v29;
	[tilespmem:s3+$0x18430] =	vst v24;
	v5 =	vmul.f32 v58, v19;
	v25 =	vmul.f32 v0, v20  }
0x90: {  	v36 =	vld [tilespmem:s12+$0x40]  }
0x91: {  	v28 =	vmul.f32 v28, v42;
	v37 =	vld [tilespmem:s12+$0xC0];
	v32 =	vadd.f32 v33, v32;
	v24 =	vadd.f32 v25, v5  }
0x92: {  	v38 =	vmul.f32 v1, v17;
	v26 =	vmul.f32 v2, v10;
	v40 =	vld [tilespmem:s12+$0x140]  }
0x93: {  	v30 =	vmul.f32 v3, v13;
	v31 =	vmul.f32 v4, v6;
	v41 =	vld [tilespmem:s12+$0x1C0];
	v24 =	vadd.f32 v24, v32  }
0x94: {  	[tilespmem:s30+$0x18450] =	vst v28  }
0x95: {  	v28 =	vld [tilespmem:s9+$0x60];
	v25 =	vadd.f32 v26, v38;
	v43 =	vadd.f32 v31, v30;
	v24 =	vmul.f32 v24, v23  }
0x96: {  	v44 =	vld [tilespmem:s9+$0xE0]  }
0x97: {  	v45 =	vld [tilespmem:s9+$0x160];
	v25 =	vadd.f32 v43, v25;
	v46 =	vmul.f32 v36, v14;
	v47 =	vmul.f32 v37, v11;
	[tilespmem:s0+$0x18420] =	vst v24  }
0x98: {  	v48 =	vmul.f32 v40, v12;
	v49 =	vmul.f32 v41, v9;
	v50 =	vld [tilespmem:s13+$0x30]  }
0x99: {  	v25 =	vmul.f32 v25, v18;
	v51 =	vld [tilespmem:s13+$0xB0]  }
0x9a: {  	v26 =	vadd.f32 v47, v46;
	v24 =	vadd.f32 v49, v48;
	v52 =	vld [tilespmem:s13+$0x130]  }
0x9b: {  	[tilespmem:s31+$0x18440] =	vst v25;
	v53 =	vld [tilespmem:s13+$0x1B0]  }
0x9c: {  	v54 =	vld [tilespmem:s14+$0x50];
	v24 =	vadd.f32 v24, v26  }
0x9d: {  	v55 =	vld [tilespmem:s14+$0xD0]  }
0x9e: {  	v57 =	vld [tilespmem:s14+$0x150];
	v24 =	vmul.f32 v24, v16  }
0x9f: {  	v35 =	vld [tilespmem:s14+$0x1D0];
	v32 =	vmul.f32 v50, v22;
	v33 =	vmul.f32 v51, v21  }
0xa0: {  	v36 =	vld [tilespmem:s9+$0x1E0];
	[tilespmem:s3+$0x18440] =	vst v24;
	v58 =	vmul.f32 v52, v19;
	v25 =	vmul.f32 v53, v20  }
0xa1: {  	v59 =	vld [tilespmem:s12+$0x50]  }
0xa2: {  	v37 =	vld [tilespmem:s12+$0xD0];
	v32 =	vadd.f32 v33, v32;
	v24 =	vadd.f32 v25, v58  }
0xa3: {  	v63 =	vmul.f32 v54, v17;
	v26 =	vmul.f32 v55, v10;
	v0 =	vld [tilespmem:s12+$0x150]  }
0xa4: {  	v1 =	vmul.f32 v57, v13;
	v2 =	vmul.f32 v35, v6;
	v3 =	vld [tilespmem:s12+$0x1D0];
	v24 =	vadd.f32 v24, v32  }
0xa5: {  	s15 =	sor.u32 $0x4, s29;
	v31 =	vmul.f32 v45, v8;
	v5 =	vmul.f32 v36, v39  }
0xa6: {  	s22 =	sshll.u32 s15, $0x2;
	v25 =	vadd.f32 v26, v63;
	v4 =	vadd.f32 v2, v1;
	v24 =	vmul.f32 v24, v23  }
0xa7: {  	s22 =	sand.u32 $0x3FFFFFFC, s22;
	v28 =	vmul.f32 v28, v15;
	v30 =	vmul.f32 v44, v7;
	v44 =	vadd.f32 v5, v31  }
0xa8: {  	v5 =	vld [tilespmem:s22+$0x18000];
	v25 =	vadd.f32 v4, v25;
	v36 =	vmul.f32 v59, v14;
	v38 =	vmul.f32 v37, v11;
	[tilespmem:s0+$0x18430] =	vst v24  }
0xa9: {  	v40 =	vmul.f32 v0, v12;
	v41 =	vmul.f32 v3, v9;
	v43 =	vld [tilespmem:s13+$0x40]  }
0xaa: {  	v28 =	vadd.f32 v30, v28;
	v25 =	vmul.f32 v25, v18;
	v45 =	vld [tilespmem:s13+$0xC0]  }
0xab: {  	v26 =	vadd.f32 v38, v36;
	v24 =	vadd.f32 v41, v40;
	v46 =	vld [tilespmem:s13+$0x140]  }
0xac: {  	v28 =	vadd.f32 v44, v28;
	[tilespmem:s31+$0x18450] =	vst v25;
	v47 =	vld [tilespmem:s13+$0x1C0]  }
0xad: {  	v48 =	vld [tilespmem:s14+$0x60];
	v24 =	vadd.f32 v24, v26  }
0xae: {  	v49 =	vmul.f32 v28, v42;
	v50 =	vld [tilespmem:s14+$0xE0]  }
0xaf: {  	v51 =	vld [tilespmem:s14+$0x160];
	v24 =	vmul.f32 v24, v16  }
0xb0: {  	[tilespmem:s30+$0x18460] =	vst v49;
	v52 =	vld [tilespmem:s14+$0x1E0];
	v53 =	vmul.f32 v43, v22;
	v31 =	vmul.f32 v45, v21  }
0xb1: {  	v0 =	vld [tilespmem:s9+$0x70];
	v54 =	vmul.f32 v46, v19;
	v25 =	vmul.f32 v47, v20  }
0xb2: {  	v4 =	vld [tilespmem:s9+$0xF0];
	[tilespmem:s3+$0x18450] =	vst v24  }
0xb3: {  	v55 =	vld [tilespmem:s12+$0x60];
	v31 =	vadd.f32 v31, v53;
	v24 =	vadd.f32 v25, v54  }
0xb4: {  	v58 =	vmul.f32 v48, v17;
	v28 =	vmul.f32 v50, v10;
	v59 =	vld [tilespmem:s12+$0x160]  }
0xb5: {  	v57 =	vld [tilespmem:s12+$0xE0];
	v30 =	vmul.f32 v51, v13;
	v26 =	vmul.f32 v52, v6;
	v24 =	vadd.f32 v24, v31  }
0xb6: {  	s23 =	sor.u32 $0x5, s29;
	v63 =	vld [tilespmem:s12+$0x1E0]  }
0xb7: {  	s22 =	sshll.u32 s23, $0x2;
	v46 =	vld [tilespmem:s9+$0x170];
	v25 =	vadd.f32 v28, v58;
	v26 =	vadd.f32 v26, v30;
	v24 =	vmul.f32 v24, v23  }
0xb8: {  	v31 =	vld [tilespmem:s9+$0x1F0];
	s9 =	sand.u32 $0x3FFFFFFC, s22  }
0xb9: {  	v25 =	vadd.f32 v26, v25;
	v36 =	vmul.f32 v59, v12;
	v59 =	vld [tilespmem:s9+$0x18000];
	[tilespmem:s0+$0x18440] =	vst v24  }
0xba: {  	v34 =	vmul.f32 v55, v14;
	v35 =	vmul.f32 v57, v11;
	v38 =	vld [tilespmem:s13+$0x50]  }
0xbb: {  	v37 =	vmul.f32 v63, v9;
	v45 =	vmul.f32 v25, v18;
	v52 =	vld [tilespmem:s13+$0xD0]  }
0xbc: {  	v53 =	vld [tilespmem:s13+$0x150]  }
0xbd: {  	v47 =	vadd.f32 v35, v34;
	v29 =	vadd.f32 v37, v36;
	[tilespmem:s31+$0x18460] =	vst v45;
	v54 =	vld [tilespmem:s13+$0x1D0]  }
0xbe: {  	v49 =	vld [tilespmem:s14+$0x70]  }
0xbf: {  	v27 =	vperm.xlane v5, v62;
	s22 =	sor.u32 $0x6, s29;
	v26 =	vperm.xlane v5, v61;
	v55 =	vadd.f32 v29, v47;
	v43 =	vld [tilespmem:s14+$0xF0]  }
0xc0: {  	s24 =	sshll.u32 s22, $0x2;
	v25 =	vperm.xlane v5, v60;
	v24 =	vperm.xlane v5, v56;
	v45 =	vld [tilespmem:s14+$0x170]  }
0xc1: {  	s9 =	sand.u32 $0x3FFFFFFC, s24;
	v58 =	vadd.f32 v27, v26;
	v44 =	vld [tilespmem:s14+$0x1F0];
	s14 =	sor.u32 $0x7, s29;
	v29 =	vperm.xlane v59, v60;
	v28 =	vmul.f32 v55, v16  }
0xc2: {  	v1 =	vld [tilespmem:s9+$0x18000];
	v57 =	vadd.f32 v25, v24;
	s24 =	sshll.u32 s14, $0x2;
	v30 =	vmul.f32 v38, v22;
	v33 =	vmul.f32 v52, v21  }
0xc3: {  	[tilespmem:$0x1FFF0] =	vst v31;
	s24 =	sand.u32 $0x3FFFFFFC, s24;
	v63 =	vmul.f32 v53, v19;
	v31 =	vmul.f32 v54, v20  }
0xc4: {  	v32 =	vadd.f32 v58, v57;
	v41 =	vld [tilespmem:s24+$0x18000];
	[tilespmem:s3+$0x18460] =	vst v28;
	v28 =	vperm.xlane v59, v56;
	v33 =	vadd.f32 v33, v30  }
0xc5: {  	v47 =	vld [tilespmem:s12+$0x70];
	v38 =	vadd.f32 v31, v63;
	v30 =	vperm.xlane v59, v61;
	v31 =	vperm.xlane v59, v62  }
0xc6: {  	[tilespmem:$0x1FFD0] =	vst v0;
	v0 =	vmul.f32 $2.500000000e-01, v32;
	v48 =	vld [tilespmem:s12+$0xF0]  }
0xc7: {  	v34 =	vperm.xlane v1, v61;
	v50 =	vld [tilespmem:s12+$0x170];
	v2 =	vadd.f32 v29, v28;
	v35 =	vadd.f32 v31, v30  }
0xc8: {  	s9 =	sshll.u32 s15, $0x9;
	v40 =	vmax.f32 v32, $9.999999970e-07;
	v32 =	vperm.xlane v1, v56;
	v52 =	vld [tilespmem:s12+$0x1F0];
	[tilespmem:s8+$0x1E440] =	vst v0;
	v38 =	vadd.f32 v38, v33  }
0xc9: {  	v51 =	vld [tilespmem:s9+$0x0];
	v33 =	vperm.xlane v1, v60;
	v54 =	vadd.f32 v35, v2;
	v35 =	vperm.xlane v1, v62  }
0xca: {  	(erf) = vrcp.f32 v40;
	v53 =	vld [tilespmem:s9+$0x80];
	v3 =	vmul.f32 v38, v23  }
0xcb: {  	[tilespmem:$0x1FFE0] =	vst v4;
	v55 =	vld [tilespmem:s9+$0x100];
	v58 =	vadd.f32 v33, v32;
	v4 =	vmul.f32 $2.500000000e-01, v54;
	v59 =	vadd.f32 v35, v34  }
0xcc: {  	v57 =	vld [tilespmem:s9+$0x180];
	v37 =	vperm.xlane v41, v56;
	v40 =	vperm.xlane v41, v61;
	[tilespmem:s0+$0x18450] =	vst v3  }
0xcd: {  	s23 =	sshll.u32 s23, $0x9;
	v38 =	vperm.xlane v41, v60;
	v41 =	vperm.xlane v41, v62;
	v56 =	vld [tilespmem:s13+$0x60];
	[tilespmem:s8+$0x1E450] =	vst v4;
	v58 =	vadd.f32 v59, v58  }
0xce: {  	v51 =	vmul.f32 v51, v24;
	v59 =	vld [tilespmem:s23+$0x0]  }
0xcf: {  	v36 =	vadd.f32 v38, v37;
	v63 =	vadd.f32 v41, v40;
	v60 =	vld [tilespmem:s23+$0x80];
	v5 =	vmul.f32 $2.500000000e-01, v58  }
0xd0: {  	v53 =	vmul.f32 v53, v25;
	v55 =	vmul.f32 v55, v26;
	v0 =	vld [tilespmem:s23+$0x100]  }
0xd1: {  	s24 =	sshll.u32 s22, $0x9;
	v57 =	vmul.f32 v57, v27;
	v54 =	vmax.f32 v54, $9.999999970e-07;
	v61 =	vadd.f32 v63, v36;
	v1 =	vld [tilespmem:s23+$0x180];
	[tilespmem:s8+$0x1E460] =	vst v5  }
0xd2: {  	(erf) = vrcp.f32 v54;
	v51 =	vadd.f32 v53, v51;
	v54 =	vld [tilespmem:s24+$0x0]  }
0xd3: {  	v4 =	vadd.f32 v57, v55;
	v58 =	vmax.f32 v58, $9.999999970e-07;
	v5 =	vmul.f32 $2.500000000e-01, v61;
	v55 =	vld [tilespmem:s24+$0x80]  }
0xd4: {  	(erf) = vrcp.f32 v58;
	v36 =	vld [tilespmem:s24+$0x100]  }
0xd5: {  	s22 =	sshll.u32 s14, $0x9;
	v53 =	vadd.f32 v4, v51;
	v4 =	vld [tilespmem:s24+$0x180];
	v59 =	vmul.f32 v59, v28;
	v60 =	vmul.f32 v60, v29;
	[tilespmem:s8+$0x1E470] =	vst v5  }
0xd6: {  	v51 =	vpop (erf);
	v0 =	vmul.f32 v0, v30;
	v1 =	vmul.f32 v1, v31;
	v58 =	vld [tilespmem:s22+$0x0]  }
0xd7: {  	v61 =	vmax.f32 v61, $9.999999970e-07;
	v53 =	vmul.f32 v53, v51;
	v2 =	vld [tilespmem:s22+$0x80]  }
0xd8: {  	v59 =	vadd.f32 v60, v59;
	v0 =	vadd.f32 v1, v0;
	v1 =	vmul.f32 v54, v32;
	v54 =	vld [tilespmem:s22+$0x100]  }
0xd9: {  	(erf) = vrcp.f32 v61;
	s8 =	sshrl.u32 s9, $0x2;
	v5 =	vmul.f32 v36, v34;
	v36 =	vld [tilespmem:s22+$0x180]  }
0xda: {  	v57 =	vld [tilespmem:s13+$0xE0];
	[tilespmem:s8+$0x18400] =	vst v53;
	v55 =	vmul.f32 v55, v33;
	v0 =	vadd.f32 v0, v59;
	v4 =	vmul.f32 v4, v35  }
0xdb: {  	v61 =	vld [tilespmem:s9+$0x10];
	v53 =	vpop (erf)  }
0xdc: {  	v63 =	vld [tilespmem:s9+$0x90];
	v0 =	vmul.f32 v0, v53;
	v1 =	vadd.f32 v55, v1;
	v5 =	vadd.f32 v4, v5  }
0xdd: {  	s12 =	sshrl.u32 s23, $0x2;
	v60 =	vld [tilespmem:s9+$0x190];
	v58 =	vmul.f32 v58, v37;
	v2 =	vmul.f32 v2, v38  }
0xde: {  	v59 =	vld [tilespmem:s9+$0x110];
	[tilespmem:s12+$0x18400] =	vst v0;
	v0 =	vadd.f32 v5, v1;
	v1 =	vmul.f32 v54, v40;
	v36 =	vmul.f32 v36, v41  }
0xdf: {  	v54 =	vpop (erf);
	v62 =	vld [tilespmem:s23+$0x10]  }
0xe0: {  	v2 =	vadd.f32 v2, v58;
	v3 =	vld [tilespmem:s23+$0x90];
	v0 =	vmul.f32 v0, v54;
	v1 =	vadd.f32 v36, v1  }
0xe1: {  	s14 =	sshrl.u32 s24, $0x2;
	v58 =	vld [tilespmem:s23+$0x110]  }
0xe2: {  	v61 =	vmul.f32 v61, v24;
	v63 =	vmul.f32 v63, v25;
	v55 =	vld [tilespmem:s23+$0x190];
	[tilespmem:s14+$0x18400] =	vst v0;
	v1 =	vadd.f32 v1, v2  }
0xe3: {  	v4 =	vpop (erf);
	v36 =	vmul.f32 v60, v27;
	v2 =	vmul.f32 v59, v26;
	v60 =	vld [tilespmem:s24+$0x10]  }
0xe4: {  	v0 =	vld [tilespmem:s24+$0x90];
	v1 =	vmul.f32 v1, v4  }
0xe5: {  	s15 =	sshrl.u32 s22, $0x2;
	v61 =	vadd.f32 v63, v61;
	v2 =	vadd.f32 v36, v2;
	v36 =	vld [tilespmem:s24+$0x110]  }
0xe6: {  	v62 =	vmul.f32 v62, v28;
	v3 =	vmul.f32 v3, v29;
	[tilespmem:s15+$0x18400] =	vst v1;
	v1 =	vld [tilespmem:s24+$0x190]  }
0xe7: {  	v58 =	vmul.f32 v58, v30;
	v55 =	vmul.f32 v55, v31;
	v2 =	vadd.f32 v2, v61;
	v61 =	vld [tilespmem:s22+$0x10]  }
0xe8: {  	v63 =	vld [tilespmem:s22+$0x90]  }
0xe9: {  	v3 =	vadd.f32 v3, v62;
	v55 =	vadd.f32 v55, v58;
	v58 =	vld [tilespmem:s22+$0x110];
	v2 =	vmul.f32 v2, v51  }
0xea: {  	v60 =	vmul.f32 v60, v32;
	v0 =	vmul.f32 v0, v33;
	v62 =	vld [tilespmem:s22+$0x190]  }
0xeb: {  	v5 =	vld [tilespmem:s13+$0x160];
	v36 =	vmul.f32 v36, v34;
	[tilespmem:s8+$0x18410] =	vst v2;
	v2 =	vadd.f32 v55, v3;
	v1 =	vmul.f32 v1, v35  }
0xec: {  	v59 =	vld [tilespmem:s9+$0x20]  }
0xed: {  	v0 =	vadd.f32 v0, v60;
	v55 =	vld [tilespmem:s9+$0xA0];
	v2 =	vmul.f32 v2, v53;
	v1 =	vadd.f32 v1, v36  }
0xee: {  	v60 =	vmul.f32 v61, v37;
	v61 =	vmul.f32 v63, v38;
	v63 =	vld [tilespmem:s9+$0x120]  }
0xef: {  	v3 =	vmul.f32 v62, v41;
	v36 =	vmul.f32 v58, v40;
	[tilespmem:s12+$0x18410] =	vst v2;
	v0 =	vadd.f32 v1, v0;
	v1 =	vld [tilespmem:s9+$0x1A0]  }
0xf0: {  	v62 =	vld [tilespmem:s23+$0x20]  }
0xf1: {  	v60 =	vadd.f32 v61, v60;
	v2 =	vadd.f32 v3, v36;
	v58 =	vld [tilespmem:s23+$0xA0];
	v0 =	vmul.f32 v0, v54  }
0xf2: {  	v61 =	vld [tilespmem:s23+$0x120]  }
0xf3: {  	v55 =	vmul.f32 v55, v25;
	v2 =	vadd.f32 v2, v60;
	[tilespmem:s14+$0x18410] =	vst v0;
	v0 =	vmul.f32 v59, v24;
	v59 =	vld [tilespmem:s23+$0x1A0]  }
0xf4: {  	v36 =	vmul.f32 v63, v26;
	v1 =	vmul.f32 v1, v27;
	v63 =	vld [tilespmem:s24+$0x20]  }
0xf5: {  	v2 =	vmul.f32 v2, v4;
	v3 =	vld [tilespmem:s24+$0xA0]  }
0xf6: {  	v60 =	vld [tilespmem:s24+$0x1A0];
	v0 =	vadd.f32 v55, v0;
	v1 =	vadd.f32 v1, v36  }
0xf7: {  	v58 =	vmul.f32 v58, v29;
	v55 =	vld [tilespmem:s24+$0x120];
	[tilespmem:s15+$0x18410] =	vst v2;
	v2 =	vmul.f32 v62, v28  }
0xf8: {  	v36 =	vmul.f32 v61, v30;
	v61 =	vld [tilespmem:s22+$0x20];
	v0 =	vadd.f32 v1, v0;
	v59 =	vmul.f32 v59, v31  }
0xf9: {  	v62 =	vld [tilespmem:s22+$0xA0]  }
0xfa: {  	v2 =	vadd.f32 v58, v2;
	v58 =	vld [tilespmem:s22+$0x120];
	v1 =	vadd.f32 v59, v36;
	v0 =	vmul.f32 v0, v51  }
0xfb: {  	v3 =	vmul.f32 v3, v33;
	v59 =	vmul.f32 v63, v32;
	v63 =	vld [tilespmem:s22+$0x1A0]  }
0xfc: {  	v36 =	vmul.f32 v60, v35;
	[tilespmem:s8+$0x18420] =	vst v0;
	v0 =	vadd.f32 v1, v2;
	v1 =	vmul.f32 v55, v34;
	v55 =	vld [tilespmem:s13+$0x1E0]  }
0xfd: {  	v60 =	vld [tilespmem:s9+$0x30]  }
0xfe: {  	v3 =	vadd.f32 v3, v59;
	v2 =	vld [tilespmem:s9+$0xB0];
	v1 =	vadd.f32 v36, v1;
	v0 =	vmul.f32 v0, v53  }
0xff: {  	v59 =	vmul.f32 v61, v37;
	v61 =	vmul.f32 v62, v38;
	v62 =	vld [tilespmem:s9+$0x130]  }
0x100: {  	v36 =	vmul.f32 v63, v41;
	[tilespmem:s12+$0x18420] =	vst v0;
	v0 =	vadd.f32 v1, v3;
	v1 =	vmul.f32 v58, v40;
	v58 =	vld [tilespmem:s9+$0x1B0]  }
0x101: {  	v56 =	vmul.f32 v56, v22;
	v59 =	vadd.f32 v61, v59;
	v61 =	vld [tilespmem:s23+$0x30]  }
0x102: {  	v3 =	vmul.f32 v57, v21;
	v57 =	vld [tilespmem:s23+$0xB0];
	v1 =	vadd.f32 v36, v1;
	v0 =	vmul.f32 v0, v54  }
0x103: {  	v5 =	vmul.f32 v5, v19;
	v55 =	vmul.f32 v55, v20;
	v63 =	vld [tilespmem:s23+$0x130]  }
0x104: {  	v2 =	vmul.f32 v2, v25;
	v36 =	vmul.f32 v62, v26;
	[tilespmem:s14+$0x18420] =	vst v0;
	v0 =	vadd.f32 v1, v59;
	v59 =	vld [tilespmem:s23+$0x1B0]  }
0x105: {  	v1 =	vmul.f32 v60, v24;
	v58 =	vmul.f32 v58, v27;
	v62 =	vld [tilespmem:s24+$0x30]  }
0x106: {  	v3 =	vadd.f32 v3, v56;
	v5 =	vadd.f32 v55, v5;
	v55 =	vld [tilespmem:s24+$0xB0];
	v0 =	vmul.f32 v0, v4  }
0x107: {  	v1 =	vadd.f32 v2, v1;
	v56 =	vmul.f32 v57, v29;
	v57 =	vld [tilespmem:s24+$0x1B0];
	v60 =	vadd.f32 v58, v36  }
0x108: {  	v3 =	vadd.f32 v5, v3;
	v5 =	vmul.f32 v61, v28;
	v58 =	vld [tilespmem:s24+$0x130];
	[tilespmem:s15+$0x18420] =	vst v0  }
0x109: {  	v0 =	vadd.f32 v60, v1;
	v1 =	vmul.f32 v63, v30;
	v36 =	vmul.f32 v59, v31;
	v59 =	vld [tilespmem:s22+$0x30]  }
0x10a: {  	v3 =	vmul.f32 v3, v23;
	v60 =	vld [tilespmem:s22+$0xB0]  }
0x10b: {  	v5 =	vadd.f32 v56, v5;
	v2 =	vld [tilespmem:s22+$0x130];
	v0 =	vmul.f32 v0, v51;
	v1 =	vadd.f32 v36, v1  }
0x10c: {  	[tilespmem:s0+$0x18460] =	vst v3;
	v61 =	vld [tilespmem:s22+$0x1B0];
	v3 =	vmul.f32 v62, v32;
	v55 =	vmul.f32 v55, v33  }
0x10d: {  	v56 =	vld [tilespmem:s13+$0x70];
	v63 =	vmul.f32 v57, v35;
	v62 =	vmul.f32 v58, v34;
	[tilespmem:s8+$0x18430] =	vst v0;
	v36 =	vadd.f32 v1, v5  }
0x10e: {  	v57 =	vld [tilespmem:s9+$0x40]  }
0x10f: {  	v3 =	vadd.f32 v55, v3;
	v58 =	vld [tilespmem:s9+$0xC0];
	v1 =	vadd.f32 v63, v62;
	v0 =	vmul.f32 v36, v53  }
0x110: {  	v5 =	vld [tilespmem:s9+$0x140];
	v55 =	vmul.f32 v59, v37;
	v59 =	vmul.f32 v60, v38  }
0x111: {  	v60 =	vld [tilespmem:s9+$0x1C0];
	v36 =	vmul.f32 v61, v41;
	[tilespmem:s12+$0x18430] =	vst v0;
	v0 =	vadd.f32 v1, v3;
	v1 =	vmul.f32 v2, v40  }
0x112: {  	v3 =	vld [tilespmem:s23+$0x40]  }
0x113: {  	v55 =	vadd.f32 v59, v55;
	v61 =	vld [tilespmem:s23+$0xC0];
	v0 =	vmul.f32 v0, v54;
	v1 =	vadd.f32 v36, v1  }
0x114: {  	v2 =	vld [tilespmem:s23+$0x140]  }
0x115: {  	v59 =	vld [tilespmem:s23+$0x1C0];
	v57 =	vmul.f32 v57, v24;
	v58 =	vmul.f32 v58, v25;
	[tilespmem:s14+$0x18430] =	vst v0;
	v0 =	vadd.f32 v1, v55  }
0x116: {  	v36 =	vmul.f32 v60, v27;
	v1 =	vmul.f32 v5, v26;
	v55 =	vld [tilespmem:s24+$0x40]  }
0x117: {  	v60 =	vld [tilespmem:s24+$0xC0];
	v0 =	vmul.f32 v0, v4  }
0x118: {  	v57 =	vadd.f32 v58, v57;
	v5 =	vld [tilespmem:s24+$0x140];
	v1 =	vadd.f32 v36, v1  }
0x119: {  	v3 =	vmul.f32 v3, v28;
	v58 =	vmul.f32 v61, v29;
	v61 =	vld [tilespmem:s24+$0x1C0];
	[tilespmem:s15+$0x18430] =	vst v0  }
0x11a: {  	v36 =	vmul.f32 v59, v31;
	v0 =	vadd.f32 v1, v57;
	v1 =	vmul.f32 v2, v30;
	v59 =	vld [tilespmem:s22+$0x40]  }
0x11b: {  	v62 =	vld [tilespmem:s22+$0xC0]  }
0x11c: {  	v3 =	vadd.f32 v58, v3;
	v2 =	vld [tilespmem:s22+$0x140];
	v0 =	vmul.f32 v0, v51;
	v1 =	vadd.f32 v36, v1  }
0x11d: {  	v55 =	vmul.f32 v55, v32;
	v58 =	vmul.f32 v60, v33;
	v60 =	vld [tilespmem:s22+$0x1C0]  }
0x11e: {  	v57 =	vld [tilespmem:s13+$0xF0];
	v36 =	vmul.f32 v5, v34;
	v63 =	vmul.f32 v61, v35;
	[tilespmem:s8+$0x18440] =	vst v0;
	v0 =	vadd.f32 v1, v3  }
0x11f: {  	v5 =	vld [tilespmem:s9+$0x50]  }
0x120: {  	v55 =	vadd.f32 v58, v55;
	v58 =	vld [tilespmem:s9+$0xD0];
	v1 =	vadd.f32 v63, v36;
	v0 =	vmul.f32 v0, v53  }
0x121: {  	v3 =	vld [tilespmem:s9+$0x150];
	v59 =	vmul.f32 v59, v37;
	v61 =	vmul.f32 v62, v38  }
0x122: {  	v2 =	vmul.f32 v2, v40;
	v1 =	vadd.f32 v1, v55;
	v36 =	vmul.f32 v60, v41;
	[tilespmem:s12+$0x18440] =	vst v0;
	v0 =	vld [tilespmem:s9+$0x1D0]  }
0x123: {  	v60 =	vld [tilespmem:s23+$0x50]  }
0x124: {  	v59 =	vadd.f32 v61, v59;
	v61 =	vld [tilespmem:s23+$0xD0];
	v1 =	vmul.f32 v1, v54;
	v2 =	vadd.f32 v36, v2  }
0x125: {  	v36 =	vld [tilespmem:s23+$0x150]  }
0x126: {  	v5 =	vmul.f32 v5, v24;
	v58 =	vmul.f32 v58, v25;
	[tilespmem:s14+$0x18440] =	vst v1;
	v1 =	vld [tilespmem:s23+$0x1D0];
	v2 =	vadd.f32 v2, v59  }
0x127: {  	v3 =	vmul.f32 v3, v26;
	v59 =	vld [tilespmem:s24+$0x50];
	v0 =	vmul.f32 v0, v27  }
0x128: {  	v62 =	vld [tilespmem:s24+$0xD0];
	v2 =	vmul.f32 v2, v4  }
0x129: {  	v5 =	vadd.f32 v58, v5;
	v0 =	vadd.f32 v0, v3;
	v3 =	vld [tilespmem:s24+$0x150]  }
0x12a: {  	v58 =	vmul.f32 v60, v28;
	v60 =	vmul.f32 v61, v29;
	[tilespmem:s15+$0x18440] =	vst v2;
	v2 =	vld [tilespmem:s24+$0x1D0]  }
0x12b: {  	v36 =	vmul.f32 v36, v30;
	v1 =	vmul.f32 v1, v31;
	v55 =	vld [tilespmem:s22+$0x50];
	v0 =	vadd.f32 v0, v5  }
0x12c: {  	v61 =	vld [tilespmem:s22+$0xD0]  }
0x12d: {  	v58 =	vadd.f32 v60, v58;
	v5 =	vld [tilespmem:s22+$0x150];
	v1 =	vadd.f32 v1, v36;
	v0 =	vmul.f32 v0, v51  }
0x12e: {  	v59 =	vmul.f32 v59, v32;
	v60 =	vmul.f32 v62, v33;
	v36 =	vld [tilespmem:s22+$0x1D0]  }
0x12f: {  	v63 =	vadd.f32 v1, v58;
	v1 =	vld [tilespmem:s13+$0x170];
	v3 =	vmul.f32 v3, v34;
	v2 =	vmul.f32 v2, v35;
	[tilespmem:s8+$0x18450] =	vst v0  }
0x130: {  	v58 =	vld [tilespmem:s9+$0x60]  }
0x131: {  	v59 =	vadd.f32 v60, v59;
	v2 =	vadd.f32 v2, v3;
	v3 =	vld [tilespmem:s9+$0xE0];
	v0 =	vmul.f32 v63, v53  }
0x132: {  	v55 =	vmul.f32 v55, v37;
	v60 =	vmul.f32 v61, v38;
	v61 =	vld [tilespmem:s9+$0x160]  }
0x133: {  	v5 =	vmul.f32 v5, v40;
	v36 =	vmul.f32 v36, v41;
	[tilespmem:s12+$0x18450] =	vst v0;
	v0 =	vadd.f32 v2, v59;
	v2 =	vld [tilespmem:s9+$0x1E0]  }
0x134: {  	v62 =	vld [tilespmem:s23+$0x60]  }
0x135: {  	v55 =	vadd.f32 v60, v55;
	v5 =	vadd.f32 v36, v5;
	v59 =	vld [tilespmem:s23+$0xE0];
	v0 =	vmul.f32 v0, v54  }
0x136: {  	v60 =	vld [tilespmem:s23+$0x160]  }
0x137: {  	v3 =	vmul.f32 v3, v25;
	v5 =	vadd.f32 v5, v55;
	v55 =	vld [tilespmem:s23+$0x1E0];
	[tilespmem:s14+$0x18450] =	vst v0;
	v0 =	vmul.f32 v58, v24  }
0x138: {  	v36 =	vld [tilespmem:$0x1FFD0];
	v58 =	vmul.f32 v61, v26;
	v2 =	vmul.f32 v2, v27  }
0x139: {  	v8 =	vmul.f32 v46, v8;
	v61 =	vld [tilespmem:s24+$0x60]  }
0x13a: {  	v5 =	vmul.f32 v5, v4;
	v63 =	vld [tilespmem:s24+$0xE0];
	v0 =	vadd.f32 v3, v0;
	v2 =	vadd.f32 v2, v58  }
0x13b: {  	v3 =	vld [tilespmem:s24+$0x160];
	v59 =	vmul.f32 v59, v29;
	v58 =	vmul.f32 v62, v28  }
0x13c: {  	[tilespmem:s15+$0x18450] =	vst v5;
	v5 =	vld [tilespmem:s24+$0x1E0];
	v55 =	vmul.f32 v55, v31;
	v0 =	vadd.f32 v2, v0;
	v2 =	vmul.f32 v60, v30  }
0x13d: {  	v17 =	vmul.f32 v49, v17;
	v15 =	vmul.f32 v36, v15;
	v62 =	vld [tilespmem:$0x1FFE0]  }
0x13e: {  	v36 =	vld [tilespmem:s22+$0xE0];
	v46 =	vadd.f32 v59, v58;
	v0 =	vmul.f32 v0, v51;
	v2 =	vadd.f32 v55, v2  }
0x13f: {  	v45 =	vmul.f32 v45, v13;
	v6 =	vmul.f32 v44, v6;
	v60 =	vld [tilespmem:s22+$0x60]  }
0x140: {  	v14 =	vmul.f32 v47, v14;
	v11 =	vmul.f32 v48, v11;
	[tilespmem:s8+$0x18460] =	vst v0;
	v0 =	vadd.f32 v2, v46;
	v46 =	vld [tilespmem:$0x1FFF0]  }
0x141: {  	v12 =	vmul.f32 v50, v12;
	v58 =	vmul.f32 v61, v32;
	v61 =	vld [tilespmem:s22+$0x1E0]  }
0x142: {  	v59 =	vmul.f32 v63, v33;
	v55 =	vld [tilespmem:s22+$0x160];
	v7 =	vmul.f32 v62, v7  }
0x143: {  	v62 =	vld [tilespmem:s13+$0x1F0];
	v63 =	vmul.f32 v5, v35;
	v2 =	vmul.f32 v3, v34  }
0x144: {  	v44 =	vmul.f32 v52, v9;
	v49 =	vld [tilespmem:s9+$0xF0];
	v3 =	vadd.f32 v7, v15;
	v0 =	vmul.f32 v0, v53  }
0x145: {  	v7 =	vld [tilespmem:s9+$0x170];
	v2 =	vadd.f32 v63, v2;
	v5 =	vmul.f32 v46, v39;
	v46 =	vadd.f32 v59, v58  }
0x146: {  	v11 =	vadd.f32 v11, v14;
	v36 =	vmul.f32 v36, v38;
	v15 =	vmul.f32 v60, v37;
	v39 =	vld [tilespmem:s9+$0x70]  }
0x147: {  	v55 =	vmul.f32 v55, v40;
	[tilespmem:s12+$0x18460] =	vst v0;
	v58 =	vld [tilespmem:s9+$0x1F0];
	v59 =	vmul.f32 v61, v41;
	v0 =	vadd.f32 v2, v46  }
0x148: {  	v43 =	vmul.f32 v43, v10;
	v63 =	vadd.f32 v6, v45;
	v6 =	vadd.f32 v44, v12;
	v13 =	vld [tilespmem:s23+$0x70]  }
0x149: {  	v15 =	vadd.f32 v36, v15;
	v36 =	vld [tilespmem:s23+$0xF0];
	v2 =	vadd.f32 v59, v55;
	v0 =	vmul.f32 v0, v54  }
0x14a: {  	v5 =	vadd.f32 v5, v8;
	v8 =	vadd.f32 v43, v17;
	v17 =	vld [tilespmem:s23+$0x170]  }
0x14b: {  	v43 =	vld [tilespmem:s23+$0x1F0];
	v50 =	vadd.f32 v2, v15;
	[tilespmem:s14+$0x18460] =	vst v0  }
0x14c: {  	v47 =	vmul.f32 v57, v21;
	v45 =	vmul.f32 v56, v22;
	v6 =	vadd.f32 v6, v11;
	v46 =	vld [tilespmem:s24+$0x70]  }
0x14d: {  	v1 =	vmul.f32 v1, v19;
	v0 =	vmul.f32 v50, v4;
	v48 =	vld [tilespmem:s24+$0xF0]  }
0x14e: {  	v21 =	vmul.f32 v49, v25;
	v59 =	vadd.f32 v47, v45;
	v47 =	vmul.f32 v6, v16;
	v52 =	vld [tilespmem:s24+$0x170]  }
0x14f: {  	v2 =	vadd.f32 v63, v8;
	v25 =	vmul.f32 v58, v27;
	v28 =	vmul.f32 v13, v28;
	v55 =	vld [tilespmem:s24+$0x1F0];
	[tilespmem:s15+$0x18460] =	vst v0  }
0x150: {  	v29 =	vmul.f32 v36, v29;
	v50 =	vmul.f32 v62, v20;
	v63 =	vld [tilespmem:s22+$0x70]  }
0x151: {  	v57 =	vmul.f32 v2, v18;
	v18 =	vmul.f32 v39, v24;
	v22 =	vld [tilespmem:s22+$0xF0]  }
0x152: {  	v3 =	vadd.f32 v5, v3;
	v24 =	vmul.f32 v7, v26;
	v30 =	vmul.f32 v17, v30;
	v26 =	vld [tilespmem:s22+$0x170]  }
0x153: {  	v36 =	vmul.f32 v43, v31;
	v9 =	vadd.f32 v29, v28;
	v1 =	vadd.f32 v50, v1;
	v27 =	vld [tilespmem:s22+$0x1F0]  }
0x154: {  	v3 =	vmul.f32 v3, v42;
	v8 =	vadd.f32 v21, v18;
	v2 =	vadd.f32 v25, v24  }
0x155: {  	v7 =	vadd.f32 v36, v30;
	v10 =	vmul.f32 v46, v32;
	v39 =	vmul.f32 v48, v33  }
0x156: {  	v1 =	vadd.f32 v1, v59;
	v42 =	vmul.f32 v52, v34;
	v43 =	vmul.f32 v55, v35  }
0x157: {  	v2 =	vadd.f32 v2, v8;
	v5 =	vmul.f32 v63, v37;
	v44 =	vmul.f32 v22, v38  }
0x158: {  	v7 =	vadd.f32 v7, v9;
	v45 =	vmul.f32 v26, v40;
	v46 =	vmul.f32 v27, v41  }
0x159: {  	[tilespmem:s3+$0x18470] =	vst v47;
	v48 =	vadd.f32 v39, v10;
	v49 =	vadd.f32 v43, v42  }
0x15a: {  	[tilespmem:s30+$0x18470] =	vst v3;
	v50 =	vmul.f32 v1, v23;
	v52 =	vadd.f32 v44, v5;
	v55 =	vadd.f32 v46, v45  }
0x15b: {  	p1 =	slt.u32 s29, $0x58;
	[tilespmem:s31+$0x18470] =	vst v57;
	v2 =	vmul.f32 v2, v51;
	v57 =	vadd.f32 v49, v48  }
.Ltmp0:
0x15c: {  	v58 =	vmul.f32 v7, v53;
	[tilespmem:s0+$0x18470] =	vst v50;
	v1 =	vadd.f32 v55, v52;
	(pc) =	sbr.rel @p1 .LBB2_3-.Ltmp0, $4  }
0x15d: {  	[tilespmem:s8+$0x18470] =	vst v2;
	v59 =	vmul.f32 v57, v54  }
0x15e: {  	[tilespmem:s12+$0x18470] =	vst v58;
	v63 =	vmul.f32 v1, v4  }
0x15f: {  	v60 =	vimm.s32 $0x1;
	s3 =	simm.s32 $0xFFFFFFFE;
	s31 =	sadd.s32 $0x8, s29;
	[tilespmem:s14+$0x18470] =	vst v59  }
0x160: {  	v56 =	vimm.s32 $0x0;
	v61 =	vimm.s32 $0x2;
	v62 =	vimm.s32 $0x3;
	s29 =	smov.u32 s31;
	s0 =	simm.s32 $0x1F010;
	s8 =	simm.s32 $0x1E500;
	[tilespmem:s15+$0x18470] =	vst v63  }
0x161: {  	v0 =	vld [tilespmem:s8+$0x0]  }
0x162: {  	v1 =	vld [tilespmem:s8+$0x10]  }
0x163: {  	v2 =	vld [tilespmem:s8+$0x20]  }
0x164: {  	v3 =	vld [tilespmem:s8+$0x30]  }
0x165: {  	v4 =	vld [tilespmem:s8+$0x40]  }
0x166: {  	v5 =	vld [tilespmem:s8+$0x50]  }
0x167: {  	v6 =	vld [tilespmem:s8+$0x60]  }
0x168: {  	v7 =	vld [tilespmem:s8+$0x70]  }
0x169: {  	v8 =	vld [tilespmem:s8+$0x80]  }
0x16a: {  	v9 =	vld [tilespmem:s8+$0x90]  }
0x16b: {  	v10 =	vld [tilespmem:s8+$0xA0]  }
0x16c: {  	v11 =	vld [tilespmem:s8+$0xB0]  }
0x16d: {  	v12 =	vld [tilespmem:s8+$0xC0]  }
0x16e: {  	v13 =	vld [tilespmem:s8+$0xD0]  }
0x16f: {  	v14 =	vld [tilespmem:s8+$0xE0]  }
0x170: {  	v15 =	vld [tilespmem:s8+$0xF0]  }
0x171: {  	v58 =	vld [tilespmem:s8+$0xFFFFFF10];
	v0 =	vsel vm0, v0, v1  }
0x172: {  	v59 =	vld [tilespmem:s8+$0xFFFFFF00];
	v0 =	vsel vm1, v0, v2  }
0x173: {  	v0 =	vsel vm2, v0, v3;
	v3 =	vld [tilespmem:s8+$0xFFFFFF20]  }
0x174: {  	v0 =	vsel vm3, v0, v4;
	v4 =	vld [tilespmem:s8+$0xFFFFFF30]  }
0x175: {  	v0 =	vsel vm4, v0, v5;
	v5 =	vld [tilespmem:s8+$0xFFFFFF40]  }
0x176: {  	v0 =	vsel vm5, v0, v6;
	v6 =	vld [tilespmem:s8+$0xFFFFFF50]  }
0x177: {  	v63 =	vld [tilespmem:s8+$0xFFFFFF60];
	v1 =	vsel vm0, v59, v58;
	v0 =	vsel vm6, v0, v7  }
0x178: {  	v0 =	vsel vm7, v0, v8;
	v1 =	vsel vm1, v1, v3;
	v3 =	vld [tilespmem:s8+$0xFFFFFF70]  }
0x179: {  	v7 =	vld [tilespmem:s8+$0xFFFFFF80];
	v0 =	vsel vm8, v0, v9;
	v1 =	vsel vm2, v1, v4  }
0x17a: {  	v8 =	vld [tilespmem:s8+$0xFFFFFF90];
	v0 =	vsel vm9, v0, v10;
	v1 =	vsel vm3, v1, v5  }
0x17b: {  	v9 =	vld [tilespmem:s8+$0xFFFFFFA0];
	v0 =	vsel vm10, v0, v11;
	v1 =	vsel vm4, v1, v6  }
0x17c: {  	v4 =	vld [tilespmem:s8+$0xFFFFFFB0];
	v0 =	vsel vm11, v0, v12;
	v1 =	vsel vm5, v1, v63  }
0x17d: {  	v5 =	vld [tilespmem:s8+$0xFFFFFFC0];
	v0 =	vsel vm12, v0, v13;
	v1 =	vsel vm6, v1, v3  }
0x17e: {  	v6 =	vld [tilespmem:s8+$0xFFFFFFD0];
	v0 =	vsel vm13, v0, v14;
	v1 =	vsel vm7, v1, v7  }
0x17f: {  	v7 =	vld [tilespmem:s8+$0xFFFFFFE0];
	v0 =	vsel vm14, v0, v15;
	v1 =	vsel vm8, v1, v8  }
0x180: {  	s3 =	sadd.s32 $0x2, s3;
	v8 =	vld [tilespmem:s8+$0xFFFFFFF0];
	s8 =	sadd.s32 $0x200, s8;
	[tilespmem:s0+$0x0] =	vst v0;
	v9 =	vsel vm9, v1, v9  }
.LBB2_5:
0x181: {  	v0 =	vld [tilespmem:s8+$0x0];
	v1 =	vsel vm10, v9, v4  }
0x182: {  	s3 =	sadd.s32 $0x2, s3;
	v2 =	vld [tilespmem:s8+$0x10];
	v1 =	vsel vm11, v1, v5  }
0x183: {  	p1 =	slt.u32 s3, $0x4;
	v3 =	vld [tilespmem:s8+$0x20];
	v1 =	vsel vm12, v1, v6  }
0x184: {  	v4 =	vld [tilespmem:s8+$0x30];
	v1 =	vsel vm13, v1, v7  }
0x185: {  	v5 =	vld [tilespmem:s8+$0x40];
	v1 =	vsel vm14, v1, v8  }
0x186: {  	v6 =	vld [tilespmem:s8+$0x50];
	[tilespmem:s0+$0xFFFFFFF0] =	vst v1  }
0x187: {  	v0 =	vsel vm0, v0, v2;
	v1 =	vld [tilespmem:s8+$0x60]  }
0x188: {  	v0 =	vsel vm1, v0, v3;
	v2 =	vld [tilespmem:s8+$0x70]  }
0x189: {  	v0 =	vsel vm2, v0, v4;
	v3 =	vld [tilespmem:s8+$0x80]  }
0x18a: {  	v0 =	vsel vm3, v0, v5;
	v4 =	vld [tilespmem:s8+$0x90]  }
0x18b: {  	v0 =	vsel vm4, v0, v6;
	v5 =	vld [tilespmem:s8+$0xA0]  }
0x18c: {  	v0 =	vsel vm5, v0, v1;
	v1 =	vld [tilespmem:s8+$0xB0]  }
0x18d: {  	v0 =	vsel vm6, v0, v2;
	v2 =	vld [tilespmem:s8+$0xC0]  }
0x18e: {  	v0 =	vsel vm7, v0, v3;
	v3 =	vld [tilespmem:s8+$0xD0]  }
0x18f: {  	v0 =	vsel vm8, v0, v4;
	v4 =	vld [tilespmem:s8+$0xE0]  }
0x190: {  	v0 =	vsel vm9, v0, v5;
	v5 =	vld [tilespmem:s8+$0xF0]  }
0x191: {  	v6 =	vld [tilespmem:s8+$0xFFFFFF10];
	v0 =	vsel vm10, v0, v1  }
0x192: {  	v1 =	vld [tilespmem:s8+$0xFFFFFF00];
	v0 =	vsel vm11, v0, v2  }
0x193: {  	v2 =	vld [tilespmem:s8+$0xFFFFFF20];
	v0 =	vsel vm12, v0, v3  }
0x194: {  	v3 =	vld [tilespmem:s8+$0xFFFFFF30];
	v0 =	vsel vm13, v0, v4  }
0x195: {  	s0 =	sadd.s32 $0x20, s0;
	v4 =	vld [tilespmem:s8+$0xFFFFFF40];
	v0 =	vsel vm14, v0, v5  }
0x196: {  	v5 =	vld [tilespmem:s8+$0xFFFFFF50];
	[tilespmem:s0+$0x0] =	vst v0  }
0x197: {  	v0 =	vsel vm0, v1, v6;
	v1 =	vld [tilespmem:s8+$0xFFFFFF60]  }
0x198: {  	v0 =	vsel vm1, v0, v2;
	v2 =	vld [tilespmem:s8+$0xFFFFFF70]  }
0x199: {  	v0 =	vsel vm2, v0, v3;
	v3 =	vld [tilespmem:s8+$0xFFFFFF80]  }
0x19a: {  	v0 =	vsel vm3, v0, v4;
	v7 =	vld [tilespmem:s8+$0xFFFFFF90]  }
0x19b: {  	v0 =	vsel vm4, v0, v5;
	v8 =	vld [tilespmem:s8+$0xFFFFFFA0]  }
.Ltmp1:
0x19c: {  	v0 =	vsel vm5, v0, v1;
	v4 =	vld [tilespmem:s8+$0xFFFFFFB0];
	(pc) =	sbr.rel @p1 .LBB2_5-.Ltmp1, $4  }
0x19d: {  	v0 =	vsel vm6, v0, v2;
	v5 =	vld [tilespmem:s8+$0xFFFFFFC0]  }
0x19e: {  	v0 =	vsel vm7, v0, v3;
	v6 =	vld [tilespmem:s8+$0xFFFFFFD0]  }
0x19f: {  	v0 =	vsel vm8, v0, v7;
	v7 =	vld [tilespmem:s8+$0xFFFFFFE0]  }
0x1a0: {  	v9 =	vsel vm9, v0, v8;
	v8 =	vld [tilespmem:s8+$0xFFFFFFF0];
	s8 =	sadd.s32 $0x200, s8  }
0x1a1: {  	v0 =	vsel vm10, v9, v4  }
0x1a2: {  	v0 =	vsel vm11, v0, v5  }
0x1a3: {  	v0 =	vsel vm12, v0, v6  }
0x1a4: {  	s3 =	sadd.s32 s7, s28;
	v0 =	vsel vm13, v0, v7  }
0x1a5: {  	s8 =	sshll.u32 s3, $0x4;
	v0 =	vsel vm14, v0, v8  }
0x1a6: {  	s31 =	sshrl.u32 s3, $0x3;
	s30 =	sadd.s32 s4, s8;
	[tilespmem:s0+$0xFFFFFFF0] =	vst v0  }
0x1a7: {  	[hbm4b:s30+s6] =	stream.linear.scatter [tilespmem:s17], [sflag:$0x3], $0x3000, $0x38;
	[tilespmem:$0x1F100] =	vst v63  }
0x1a8: {  	p1 =	seq.s32 s25, $0xF;
	s0 =	sadd.s32 s5, s31  }
0x1a9: {  	[hbm4b:s0+s6] =	stream.linear.scatter [tilespmem:s18], [sflag:$0x3], $0x60, $0x38;
	[tilespmem:$0x1F100] =	vst v63  }
0x1aa: {  	s0 =	sadd.s32 @!p1 s28, s11  }
0x1ab: {  	s3 =	sshll.u32 @!p1 s0, $0x6  }
0x1ac: {  	s3 =	sand.u32 @!p1 $0x1FFFF000, s3  }
0x1ad: {  	s8 =	simm.s32 @!p1 $0x0;
	s0 =	sshrl.u32 @!p1 s0, $0x1;
	s3 =	sadd.s32 @!p1 s1, s3  }
0x1ae: {  	[tilespmem:s8], [sflag:$0x1] =	stream.linear.gather @!p1 [hbm4b:s3+s8], $0xC000, $0x38;
	[tilespmem:$0x1F100] =	vst v63  }
0x1af: {  	s0 =	sadd.s32 @!p1 s2, s0;
	s3 =	simm.s32 @!p1 $0x18000  }
0x1b0: {  	[tilespmem:s3], [sflag:$0x1] =	stream.linear.gather @!p1 [hbm4b:s0+s8], $0x180, $0x38;
	[tilespmem:$0x1F100] =	vst v63  }
0x1b1: {  	_ =	swait.ge [sflag:s19], $0xC000  }
0x1b2: {  	[sflag:s19] =	ssyncset.done $0x0  }
0x1b3: {  	[sflag:s19] =	ssyncadd.s32 $0xFFFF4000  }
0x1b4: {  	_ =	swait.ge [sflag:s19], $0x180  }
0x1b5: {  	[sflag:s19] =	ssyncset.done $0x0  }
0x1b6: {  	s0 =	simm.s32 @!p0 $0x4;
	[sflag:s19] =	ssyncadd.s32 $0xFFFFFE80  }
0x1b7: {  	_ =	swait.ge @!p0 [sflag:s0], $0x3000  }
0x1b8: {  	[sflag:s0] =	ssyncset.done @!p0 $0x0  }
0x1b9: {  	[sflag:s0] =	ssyncadd.s32 @!p0 $0xFFFFD000  }
0x1ba: {  	_ =	swait.ge @!p0 [sflag:s0], $0x60  }
0x1bb: {  	[sflag:s0] =	ssyncset.done @!p0 $0x0  }
0x1bc: {  	s28 =	simm.s32 $0x0;
	[sflag:s0] =	ssyncadd.s32 @!p0 $0xFFFFFFA0  }
.LBB2_7:
0x1bd: {  	s0 =	sshll.u32 s28, $0x4  }
0x1be: {  	s3 =	sshra.s32 s0, $0x2  }
0x1bf: {  	v0 =	vld [tilespmem:s3+$0x18200];
	_ =	sdelay $0x4  }
0x1c0: {  	v15 =	vperm.xlane v0, v56;
	v7 =	vperm.xlane v0, v60  }
0x1c1: {  	v8 =	vperm.xlane v0, v61;
	v36 =	vperm.xlane v0, v62;
	_ =	sdelay $0x1  }
0x1c2: {  	v20 =	vadd.f32 v7, v15;
	v1 =	vadd.f32 v36, v8;
	_ =	sdelay $0x1  }
0x1c3: {  	v0 =	vadd.f32 v1, v20;
	_ =	sdelay $0x1  }
0x1c4: {  	v1 =	vmul.f32 $2.500000000e-01, v0  }
0x1c5: {  	s8 =	sand.u32 $0x3FFFFFF0, s0  }
0x1c6: {  	s9 =	sshll.u32 s28, $0x9;
	[tilespmem:s8+$0x1EA00] =	vst v1  }
0x1c7: {  	v1 =	vld [tilespmem:s9+$0xC000]  }
0x1c8: {  	v2 =	vld [tilespmem:s9+$0xC080]  }
0x1c9: {  	v3 =	vld [tilespmem:s9+$0xC100]  }
0x1ca: {  	v0 =	vmax.f32 v0, $9.999999970e-07;
	v4 =	vld [tilespmem:s9+$0xC180]  }
0x1cb: {  	(erf) = vrcp.f32 v0;
	_ =	sdelay $0x2  }
0x1cc: {  	s24 =	sor.u32 $0x1, s28;
	v21 =	vmul.f32 v1, v15;
	v22 =	vmul.f32 v2, v7  }
0x1cd: {  	s30 =	sshll.u32 s24, $0x2;
	v23 =	vmul.f32 v3, v8;
	v24 =	vmul.f32 v4, v36  }
0x1ce: {  	s3 =	sand.u32 $0x3FFFFFFC, s30  }
0x1cf: {  	v26 =	vld [tilespmem:s3+$0x18200];
	v0 =	vadd.f32 v22, v21;
	v25 =	vadd.f32 v24, v23;
	_ =	sdelay $0x1  }
0x1d0: {  	s31 =	sor.u32 $0x2, s28;
	v0 =	vadd.f32 v25, v0  }
0x1d1: {  	s12 =	sshll.u32 s31, $0x2;
	v39 =	vpop (erf)  }
0x1d2: {  	s12 =	sand.u32 $0x3FFFFFFC, s12;
	v0 =	vmul.f32 v0, v39  }
0x1d3: {  	s29 =	sshrl.u32 s9, $0x2;
	v27 =	vld [tilespmem:s12+$0x18200];
	v17 =	vperm.xlane v26, v56;
	v10 =	vperm.xlane v26, v60  }
0x1d4: {  	v13 =	vperm.xlane v26, v61;
	v6 =	vperm.xlane v26, v62;
	[tilespmem:s29+$0x1B400] =	vst v0  }
0x1d5: {  	v0 =	vld [tilespmem:s9+$0xC010]  }
0x1d6: {  	v29 =	vadd.f32 v10, v17;
	v9 =	vadd.f32 v6, v13;
	v28 =	vld [tilespmem:s9+$0xC090]  }
0x1d7: {  	v16 =	vld [tilespmem:s9+$0xC110]  }
0x1d8: {  	v14 =	vperm.xlane v27, v56;
	v11 =	vperm.xlane v27, v60;
	v3 =	vadd.f32 v9, v29;
	v18 =	vld [tilespmem:s9+$0xC190]  }
0x1d9: {  	v12 =	vperm.xlane v27, v61;
	v9 =	vperm.xlane v27, v62  }
0x1da: {  	v30 =	vmul.f32 $2.500000000e-01, v3  }
0x1db: {  	v19 =	vadd.f32 v11, v14;
	v20 =	vadd.f32 v9, v12  }
0x1dc: {  	s14 =	sshll.u32 s24, $0x9;
	[tilespmem:s8+$0x1EA10] =	vst v30;
	v0 =	vmul.f32 v0, v15;
	v2 =	vmul.f32 v28, v7  }
0x1dd: {  	v19 =	vadd.f32 v20, v19;
	v33 =	vld [tilespmem:s14+$0xC000];
	v31 =	vmul.f32 v16, v8;
	v32 =	vmul.f32 v18, v36  }
0x1de: {  	v34 =	vld [tilespmem:s14+$0xC080]  }
0x1df: {  	v35 =	vld [tilespmem:s14+$0xC100];
	v37 =	vmul.f32 $2.500000000e-01, v19;
	v0 =	vadd.f32 v2, v0;
	v1 =	vadd.f32 v32, v31  }
0x1e0: {  	v3 =	vmax.f32 v3, $9.999999970e-07;
	v21 =	vld [tilespmem:s14+$0xC180]  }
0x1e1: {  	s12 =	sshll.u32 s31, $0x9;
	(erf) = vrcp.f32 v3;
	[tilespmem:s8+$0x1EA20] =	vst v37;
	v0 =	vadd.f32 v1, v0  }
0x1e2: {  	v38 =	vld [tilespmem:s12+$0xC000]  }
0x1e3: {  	v40 =	vld [tilespmem:s12+$0xC080];
	v0 =	vmul.f32 v0, v39  }
0x1e4: {  	v43 =	vld [tilespmem:s12+$0xC100];
	v41 =	vmul.f32 v33, v17;
	v42 =	vmul.f32 v34, v10  }
0x1e5: {  	v19 =	vmax.f32 v19, $9.999999970e-07;
	v46 =	vld [tilespmem:s12+$0xC180];
	v44 =	vmul.f32 v35, v13;
	v45 =	vmul.f32 v21, v6;
	[tilespmem:s29+$0x1B410] =	vst v0  }
0x1e6: {  	(erf) = vrcp.f32 v19;
	v22 =	vld [tilespmem:s9+$0xC020]  }
0x1e7: {  	v16 =	vadd.f32 v42, v41;
	v0 =	vadd.f32 v45, v44;
	v47 =	vld [tilespmem:s9+$0xC0A0]  }
0x1e8: {  	v48 =	vld [tilespmem:s9+$0xC120]  }
0x1e9: {  	s13 =	sor.u32 $0x3, s28;
	v3 =	vmul.f32 v40, v11;
	v49 =	vmul.f32 v43, v12;
	v23 =	vld [tilespmem:s9+$0xC1A0];
	v0 =	vadd.f32 v0, v16  }
0x1ea: {  	s15 =	sshll.u32 s13, $0x2;
	v18 =	vpop (erf);
	v50 =	vmul.f32 v46, v9;
	v1 =	vmul.f32 v38, v14  }
0x1eb: {  	s3 =	sand.u32 $0x3FFFFFFC, s15;
	v0 =	vmul.f32 v0, v18  }
0x1ec: {  	s30 =	sshrl.u32 s14, $0x2;
	v52 =	vld [tilespmem:s3+$0x18200];
	v51 =	vadd.f32 v50, v49;
	v1 =	vadd.f32 v3, v1  }
0x1ed: {  	v53 =	vmul.f32 v22, v15;
	v19 =	vmul.f32 v47, v7;
	[tilespmem:s30+$0x1B400] =	vst v0  }
0x1ee: {  	v1 =	vadd.f32 v51, v1;
	v54 =	vmul.f32 v48, v8;
	v55 =	vmul.f32 v23, v36;
	v57 =	vld [tilespmem:s14+$0xC010]  }
0x1ef: {  	v16 =	vpop (erf);
	v58 =	vld [tilespmem:s14+$0xC090]  }
0x1f0: {  	v1 =	vmul.f32 v1, v16;
	v59 =	vld [tilespmem:s14+$0xC110];
	v19 =	vadd.f32 v19, v53;
	v0 =	vadd.f32 v55, v54  }
0x1f1: {  	s3 =	sshrl.u32 s12, $0x2;
	v20 =	vperm.xlane v52, v62;
	v21 =	vperm.xlane v52, v60;
	v24 =	vld [tilespmem:s14+$0xC190]  }
0x1f2: {  	[tilespmem:s3+$0x1B400] =	vst v1;
	v22 =	vperm.xlane v52, v56;
	v0 =	vadd.f32 v0, v19;
	v19 =	vperm.xlane v52, v61  }
0x1f3: {  	v1 =	vld [tilespmem:s12+$0xC010]  }
0x1f4: {  	v25 =	vld [tilespmem:s12+$0xC090];
	v26 =	vadd.f32 v21, v22;
	v0 =	vmul.f32 v0, v39;
	v27 =	vadd.f32 v20, v19  }
0x1f5: {  	v28 =	vld [tilespmem:s12+$0xC110];
	v23 =	vmul.f32 v57, v17;
	v3 =	vmul.f32 v58, v10  }
0x1f6: {  	v33 =	vld [tilespmem:s12+$0xC190];
	v63 =	vmul.f32 v59, v13;
	v32 =	vmul.f32 v24, v6;
	[tilespmem:s29+$0x1B420] =	vst v0;
	v26 =	vadd.f32 v27, v26  }
0x1f7: {  	v34 =	vld [tilespmem:s9+$0xC030]  }
0x1f8: {  	v3 =	vadd.f32 v3, v23;
	v0 =	vadd.f32 v32, v63;
	v29 =	vld [tilespmem:s9+$0xC0B0];
	v35 =	vmul.f32 $2.500000000e-01, v26  }
0x1f9: {  	v37 =	vld [tilespmem:s9+$0xC130]  }
0x1fa: {  	s13 =	sshll.u32 s13, $0x9;
	v1 =	vmul.f32 v1, v14;
	v38 =	vmul.f32 v25, v11;
	v30 =	vld [tilespmem:s9+$0xC1B0];
	v0 =	vadd.f32 v0, v3;
	[tilespmem:s8+$0x1EA30] =	vst v35  }
0x1fb: {  	v40 =	vmul.f32 v28, v12;
	v24 =	vmul.f32 v33, v9;
	v41 =	vld [tilespmem:s13+$0xC000]  }
0x1fc: {  	v45 =	vmax.f32 v26, $9.999999970e-07;
	v0 =	vmul.f32 v0, v18;
	v42 =	vld [tilespmem:s13+$0xC080]  }
0x1fd: {  	v1 =	vadd.f32 v38, v1;
	v2 =	vadd.f32 v24, v40;
	(erf) = vrcp.f32 v45;
	v43 =	vld [tilespmem:s13+$0xC100]  }
0x1fe: {  	v46 =	vld [tilespmem:s13+$0xC180];
	v27 =	vmul.f32 v34, v15;
	v44 =	vmul.f32 v29, v7;
	[tilespmem:s30+$0x1B410] =	vst v0  }
0x1ff: {  	v1 =	vadd.f32 v2, v1;
	v23 =	vmul.f32 v37, v8;
	v47 =	vmul.f32 v30, v36;
	v48 =	vld [tilespmem:s14+$0xC020]  }
0x200: {  	v49 =	vld [tilespmem:s14+$0xC0A0]  }
0x201: {  	v1 =	vmul.f32 v1, v16;
	v51 =	vld [tilespmem:s14+$0xC120];
	v50 =	vadd.f32 v44, v27;
	v23 =	vadd.f32 v47, v23  }
0x202: {  	v52 =	vld [tilespmem:s14+$0xC1A0];
	v25 =	vmul.f32 v41, v22;
	v28 =	vmul.f32 v42, v21  }
0x203: {  	[tilespmem:s3+$0x1B410] =	vst v1;
	v2 =	vadd.f32 v23, v50;
	v53 =	vmul.f32 v43, v19;
	v54 =	vmul.f32 v46, v20  }
0x204: {  	v55 =	vld [tilespmem:s12+$0xC020]  }
0x205: {  	v57 =	vld [tilespmem:s12+$0xC0A0];
	v2 =	vmul.f32 v2, v39;
	v58 =	vadd.f32 v28, v25;
	v1 =	vadd.f32 v54, v53  }
0x206: {  	v63 =	vld [tilespmem:s12+$0xC120];
	v59 =	vmul.f32 v48, v17;
	v0 =	vmul.f32 v49, v10  }
0x207: {  	v33 =	vld [tilespmem:s12+$0xC1A0];
	v4 =	vmul.f32 v51, v13;
	v5 =	vmul.f32 v52, v6;
	[tilespmem:s29+$0x1B430] =	vst v2;
	v1 =	vadd.f32 v1, v58  }
0x208: {  	v23 =	vpop (erf);
	v34 =	vld [tilespmem:s9+$0xC040]  }
0x209: {  	v0 =	vadd.f32 v0, v59;
	v2 =	vadd.f32 v5, v4;
	v35 =	vld [tilespmem:s9+$0xC0C0];
	v1 =	vmul.f32 v1, v23  }
0x20a: {  	s0 =	sshrl.u32 s13, $0x2;
	v37 =	vld [tilespmem:s9+$0xC140]  }
0x20b: {  	v40 =	vmul.f32 v55, v14;
	v41 =	vmul.f32 v57, v11;
	v38 =	vld [tilespmem:s9+$0xC1C0];
	v0 =	vadd.f32 v2, v0;
	[tilespmem:s0+$0x1B400] =	vst v1  }
0x20c: {  	v42 =	vmul.f32 v63, v12;
	v43 =	vmul.f32 v33, v9;
	v44 =	vld [tilespmem:s13+$0xC010]  }
0x20d: {  	v0 =	vmul.f32 v0, v18;
	v45 =	vld [tilespmem:s13+$0xC090]  }
0x20e: {  	v2 =	vadd.f32 v41, v40;
	v1 =	vadd.f32 v43, v42;
	v46 =	vld [tilespmem:s13+$0xC110]  }
0x20f: {  	v49 =	vld [tilespmem:s13+$0xC190];
	v47 =	vmul.f32 v34, v15;
	v48 =	vmul.f32 v35, v7;
	[tilespmem:s30+$0x1B420] =	vst v0  }
0x210: {  	v3 =	vmul.f32 v37, v8;
	v24 =	vmul.f32 v38, v36;
	v1 =	vadd.f32 v1, v2;
	v50 =	vld [tilespmem:s14+$0xC030]  }
0x211: {  	v51 =	vld [tilespmem:s14+$0xC0B0]  }
0x212: {  	v52 =	vld [tilespmem:s14+$0xC130];
	v26 =	vadd.f32 v48, v47;
	v3 =	vadd.f32 v24, v3;
	v1 =	vmul.f32 v1, v16  }
0x213: {  	v53 =	vld [tilespmem:s14+$0xC1B0];
	v27 =	vmul.f32 v44, v22;
	v29 =	vmul.f32 v45, v21  }
0x214: {  	v3 =	vadd.f32 v3, v26;
	[tilespmem:s3+$0x1B420] =	vst v1;
	v54 =	vmul.f32 v46, v19;
	v0 =	vmul.f32 v49, v20  }
0x215: {  	v55 =	vld [tilespmem:s12+$0xC030]  }
0x216: {  	v57 =	vld [tilespmem:s12+$0xC0B0];
	v3 =	vmul.f32 v3, v39;
	v27 =	vadd.f32 v29, v27;
	v0 =	vadd.f32 v0, v54  }
0x217: {  	v59 =	vld [tilespmem:s12+$0xC130];
	v58 =	vmul.f32 v50, v17;
	v2 =	vmul.f32 v51, v10  }
0x218: {  	v34 =	vld [tilespmem:s12+$0xC1B0];
	v63 =	vmul.f32 v52, v13;
	v33 =	vmul.f32 v53, v6;
	[tilespmem:s29+$0x1B440] =	vst v3;
	v0 =	vadd.f32 v0, v27  }
0x219: {  	v35 =	vld [tilespmem:s9+$0xC050]  }
0x21a: {  	v1 =	vadd.f32 v2, v58;
	v38 =	vadd.f32 v33, v63;
	v37 =	vld [tilespmem:s9+$0xC0D0];
	v0 =	vmul.f32 v0, v23  }
0x21b: {  	v40 =	vld [tilespmem:s9+$0xC150]  }
0x21c: {  	v41 =	vld [tilespmem:s9+$0xC1D0];
	v1 =	vadd.f32 v38, v1;
	v42 =	vmul.f32 v55, v14;
	v43 =	vmul.f32 v57, v11;
	[tilespmem:s0+$0x1B410] =	vst v0  }
0x21d: {  	v44 =	vmul.f32 v59, v12;
	v45 =	vmul.f32 v34, v9;
	v46 =	vld [tilespmem:s13+$0xC020]  }
0x21e: {  	v1 =	vmul.f32 v1, v18;
	v47 =	vld [tilespmem:s13+$0xC0A0]  }
0x21f: {  	v2 =	vadd.f32 v43, v42;
	v0 =	vadd.f32 v45, v44;
	v48 =	vld [tilespmem:s13+$0xC120]  }
0x220: {  	v51 =	vld [tilespmem:s13+$0xC1A0];
	v49 =	vmul.f32 v35, v15;
	v50 =	vmul.f32 v37, v7;
	[tilespmem:s30+$0x1B430] =	vst v1  }
0x221: {  	v3 =	vmul.f32 v40, v8;
	v24 =	vmul.f32 v41, v36;
	v0 =	vadd.f32 v0, v2;
	v52 =	vld [tilespmem:s14+$0xC040]  }
0x222: {  	v53 =	vld [tilespmem:s14+$0xC0C0]  }
0x223: {  	v54 =	vld [tilespmem:s14+$0xC140];
	v26 =	vadd.f32 v50, v49;
	v3 =	vadd.f32 v24, v3;
	v0 =	vmul.f32 v0, v16  }
0x224: {  	v55 =	vld [tilespmem:s14+$0xC1C0];
	v28 =	vmul.f32 v46, v22;
	v29 =	vmul.f32 v47, v21  }
0x225: {  	v3 =	vadd.f32 v3, v26;
	[tilespmem:s3+$0x1B430] =	vst v0;
	v57 =	vmul.f32 v48, v19;
	v1 =	vmul.f32 v51, v20  }
0x226: {  	v58 =	vld [tilespmem:s12+$0xC040]  }
0x227: {  	v59 =	vld [tilespmem:s12+$0xC0C0];
	v3 =	vmul.f32 v3, v39;
	v28 =	vadd.f32 v29, v28;
	v0 =	vadd.f32 v1, v57  }
0x228: {  	v33 =	vld [tilespmem:s12+$0xC140];
	v63 =	vmul.f32 v52, v17;
	v2 =	vmul.f32 v53, v10  }
0x229: {  	v34 =	vld [tilespmem:s12+$0xC1C0];
	v24 =	vmul.f32 v54, v13;
	v27 =	vmul.f32 v55, v6;
	v0 =	vadd.f32 v0, v28;
	[tilespmem:s29+$0x1B450] =	vst v3  }
0x22a: {  	v3 =	vld [tilespmem:s9+$0xC060]  }
0x22b: {  	v1 =	vadd.f32 v2, v63;
	v35 =	vadd.f32 v27, v24;
	v37 =	vld [tilespmem:s9+$0xC0E0];
	v0 =	vmul.f32 v0, v23  }
0x22c: {  	v38 =	vld [tilespmem:s9+$0xC160]  }
0x22d: {  	v32 =	vld [tilespmem:s9+$0xC1E0];
	v1 =	vadd.f32 v35, v1;
	v40 =	vmul.f32 v58, v14;
	v41 =	vmul.f32 v59, v11;
	[tilespmem:s0+$0x1B420] =	vst v0  }
0x22e: {  	v42 =	vmul.f32 v33, v12;
	v43 =	vmul.f32 v34, v9;
	v44 =	vld [tilespmem:s13+$0xC030]  }
0x22f: {  	v1 =	vmul.f32 v1, v18;
	v45 =	vld [tilespmem:s13+$0xC0B0]  }
0x230: {  	v2 =	vadd.f32 v41, v40;
	v0 =	vadd.f32 v43, v42;
	v46 =	vld [tilespmem:s13+$0xC130]  }
0x231: {  	v47 =	vld [tilespmem:s13+$0xC1B0];
	[tilespmem:s30+$0x1B440] =	vst v1  }
0x232: {  	v0 =	vadd.f32 v0, v2;
	v3 =	vmul.f32 v3, v15;
	v48 =	vld [tilespmem:s14+$0xC050]  }
0x233: {  	v24 =	vmul.f32 v37, v7;
	v27 =	vmul.f32 v38, v8;
	v49 =	vld [tilespmem:s14+$0xC0D0]  }
0x234: {  	v63 =	vmul.f32 v32, v36;
	v50 =	vld [tilespmem:s14+$0xC150];
	v0 =	vmul.f32 v0, v16  }
0x235: {  	v31 =	vld [tilespmem:s14+$0xC1D0];
	v28 =	vmul.f32 v44, v22;
	v29 =	vmul.f32 v45, v21  }
0x236: {  	[tilespmem:s3+$0x1B440] =	vst v0;
	v51 =	vmul.f32 v46, v19;
	v1 =	vmul.f32 v47, v20  }
0x237: {  	v3 =	vadd.f32 v24, v3;
	v40 =	vadd.f32 v63, v27;
	v52 =	vld [tilespmem:s12+$0xC050]  }
0x238: {  	v33 =	vld [tilespmem:s12+$0xC0D0];
	v28 =	vadd.f32 v29, v28;
	v0 =	vadd.f32 v1, v51  }
0x239: {  	v3 =	vadd.f32 v40, v3;
	v54 =	vld [tilespmem:s12+$0xC150];
	v53 =	vmul.f32 v48, v17;
	v2 =	vmul.f32 v49, v10  }
0x23a: {  	v58 =	vld [tilespmem:s12+$0xC1D0];
	v55 =	vmul.f32 v50, v13;
	v57 =	vmul.f32 v31, v6;
	v0 =	vadd.f32 v0, v28  }
0x23b: {  	v45 =	vmul.f32 v3, v39  }
0x23c: {  	v1 =	vadd.f32 v2, v53;
	v59 =	vadd.f32 v57, v55;
	v0 =	vmul.f32 v0, v23  }
0x23d: {  	[tilespmem:s29+$0x1B460] =	vst v45  }
0x23e: {  	v50 =	vld [tilespmem:s9+$0xC070];
	v1 =	vadd.f32 v59, v1;
	v32 =	vmul.f32 v52, v14;
	v34 =	vmul.f32 v33, v11;
	[tilespmem:s0+$0x1B430] =	vst v0  }
0x23f: {  	v35 =	vmul.f32 v54, v12;
	v37 =	vmul.f32 v58, v9;
	v38 =	vld [tilespmem:s13+$0xC040]  }
0x240: {  	v1 =	vmul.f32 v1, v18;
	v41 =	vld [tilespmem:s13+$0xC0C0]  }
0x241: {  	v2 =	vadd.f32 v34, v32;
	v0 =	vadd.f32 v37, v35;
	v42 =	vld [tilespmem:s13+$0xC140]  }
0x242: {  	v43 =	vld [tilespmem:s13+$0xC1C0];
	[tilespmem:s30+$0x1B450] =	vst v1  }
0x243: {  	v0 =	vadd.f32 v0, v2;
	v44 =	vld [tilespmem:s14+$0xC060]  }
0x244: {  	v46 =	vld [tilespmem:s14+$0xC0E0]  }
0x245: {  	v47 =	vld [tilespmem:s14+$0xC160];
	v0 =	vmul.f32 v0, v16  }
0x246: {  	v48 =	vld [tilespmem:s14+$0xC1E0];
	v49 =	vmul.f32 v38, v22;
	v27 =	vmul.f32 v41, v21  }
0x247: {  	v63 =	vld [tilespmem:s9+$0xC1F0];
	v51 =	vmul.f32 v42, v19;
	v1 =	vmul.f32 v43, v20  }
0x248: {  	v58 =	vld [tilespmem:s9+$0xC0F0];
	[tilespmem:s3+$0x1B450] =	vst v0  }
0x249: {  	v52 =	vld [tilespmem:s12+$0xC060];
	v27 =	vadd.f32 v27, v49;
	v0 =	vadd.f32 v1, v51  }
0x24a: {  	s15 =	sor.u32 $0x4, s28;
	v53 =	vld [tilespmem:s12+$0xC0E0];
	v54 =	vmul.f32 v44, v17;
	v3 =	vmul.f32 v46, v10  }
0x24b: {  	s22 =	sshll.u32 s15, $0x2;
	v55 =	vld [tilespmem:s12+$0xC160];
	v26 =	vmul.f32 v47, v13;
	v2 =	vmul.f32 v48, v6;
	v0 =	vadd.f32 v0, v27  }
0x24c: {  	s23 =	sor.u32 $0x5, s28;
	s22 =	sand.u32 $0x3FFFFFFC, s22;
	v57 =	vld [tilespmem:s12+$0xC1E0]  }
0x24d: {  	v59 =	vld [tilespmem:s22+$0x18200];
	s22 =	sshll.u32 s23, $0x2;
	v1 =	vadd.f32 v3, v54;
	v2 =	vadd.f32 v2, v26;
	v0 =	vmul.f32 v0, v23  }
0x24e: {  	v46 =	vld [tilespmem:s9+$0xC170];
	s9 =	sand.u32 $0x3FFFFFFC, s22  }
0x24f: {  	v1 =	vadd.f32 v2, v1;
	v5 =	vmul.f32 v53, v11;
	v53 =	vld [tilespmem:s9+$0x18200];
	[tilespmem:s0+$0x1B440] =	vst v0  }
0x250: {  	v4 =	vmul.f32 v52, v14;
	v32 =	vmul.f32 v55, v12;
	v34 =	vld [tilespmem:s13+$0xC050]  }
0x251: {  	v33 =	vmul.f32 v57, v9;
	v1 =	vmul.f32 v1, v18;
	v35 =	vld [tilespmem:s13+$0xC0D0]  }
0x252: {  	v37 =	vld [tilespmem:s13+$0xC150]  }
0x253: {  	v2 =	vadd.f32 v5, v4;
	v0 =	vadd.f32 v33, v32;
	v38 =	vld [tilespmem:s13+$0xC1D0];
	[tilespmem:s30+$0x1B460] =	vst v1  }
0x254: {  	v24 =	vperm.xlane v59, v56;
	v25 =	vperm.xlane v59, v60;
	v49 =	vld [tilespmem:s14+$0xC070]  }
0x255: {  	v26 =	vperm.xlane v59, v61;
	v27 =	vperm.xlane v59, v62;
	v0 =	vadd.f32 v0, v2;
	v43 =	vld [tilespmem:s14+$0xC0F0]  }
0x256: {  	s22 =	sor.u32 $0x6, s28;
	v52 =	vadd.f32 v25, v24;
	v45 =	vld [tilespmem:s14+$0xC170];
	v30 =	vperm.xlane v53, v61  }
0x257: {  	s24 =	sshll.u32 s22, $0x2;
	v3 =	vadd.f32 v27, v26;
	v44 =	vld [tilespmem:s14+$0xC1F0];
	s14 =	sor.u32 $0x7, s28;
	v31 =	vperm.xlane v53, v62;
	v0 =	vmul.f32 v0, v16  }
0x258: {  	s9 =	sand.u32 $0x3FFFFFFC, s24;
	s31 =	sshll.u32 s14, $0x2;
	v28 =	vmul.f32 v34, v22;
	v29 =	vmul.f32 v35, v21  }
0x259: {  	v2 =	vadd.f32 v3, v52;
	s24 =	sand.u32 $0x3FFFFFFC, s31;
	v54 =	vmul.f32 v37, v19;
	v1 =	vmul.f32 v38, v20;
	v35 =	vld [tilespmem:s9+$0x18200]  }
0x25a: {  	[tilespmem:s3+$0x1B460] =	vst v0;
	v41 =	vld [tilespmem:s24+$0x18200];
	v55 =	vadd.f32 v29, v28;
	v28 =	vperm.xlane v53, v56;
	v29 =	vperm.xlane v53, v60  }
0x25b: {  	[tilespmem:$0x1FFA0] =	vst v50;
	v57 =	vmul.f32 $2.500000000e-01, v2;
	v47 =	vld [tilespmem:s12+$0xC070];
	v1 =	vadd.f32 v1, v54  }
0x25c: {  	[tilespmem:$0x1FFB0] =	vst v58;
	v2 =	vmax.f32 v2, $9.999999970e-07;
	v59 =	vadd.f32 v31, v30;
	v48 =	vld [tilespmem:s12+$0xC0F0];
	v58 =	vadd.f32 v29, v28  }
0x25d: {  	(erf) = vrcp.f32 v2;
	[tilespmem:s8+$0x1EA40] =	vst v57;
	s9 =	sshll.u32 s15, $0x9;
	v50 =	vld [tilespmem:s12+$0xC170];
	v0 =	vadd.f32 v1, v55  }
0x25e: {  	v51 =	vld [tilespmem:s9+$0xC000];
	v32 =	vperm.xlane v35, v56;
	v33 =	vperm.xlane v35, v60;
	v1 =	vadd.f32 v59, v58  }
0x25f: {  	v2 =	vld [tilespmem:s9+$0xC100];
	v34 =	vperm.xlane v35, v61;
	v35 =	vperm.xlane v35, v62  }
0x260: {  	[tilespmem:$0x1FFC0] =	vst v63;
	v63 =	vld [tilespmem:s9+$0xC180];
	v40 =	vmul.f32 $2.500000000e-01, v1  }
0x261: {  	v53 =	vld [tilespmem:s9+$0xC080];
	v0 =	vmul.f32 v0, v23;
	v54 =	vadd.f32 v33, v32;
	v55 =	vadd.f32 v35, v34  }
0x262: {  	s23 =	sshll.u32 s23, $0x9;
	v52 =	vld [tilespmem:s12+$0xC1F0];
	v37 =	vperm.xlane v41, v56;
	v38 =	vperm.xlane v41, v60;
	[tilespmem:s8+$0x1EA50] =	vst v40  }
0x263: {  	[tilespmem:s0+$0x1B450] =	vst v0;
	v0 =	vadd.f32 v55, v54;
	v40 =	vperm.xlane v41, v61;
	v41 =	vperm.xlane v41, v62;
	v54 =	vld [tilespmem:s23+$0xC000]  }
0x264: {  	v51 =	vmul.f32 v51, v24;
	v2 =	vmul.f32 v2, v26;
	v60 =	vld [tilespmem:s23+$0xC100]  }
0x265: {  	v58 =	vadd.f32 v38, v37;
	v57 =	vmul.f32 $2.500000000e-01, v0;
	v42 =	vld [tilespmem:s23+$0xC180];
	v59 =	vadd.f32 v41, v40  }
0x266: {  	v3 =	vmul.f32 v63, v27;
	v53 =	vmul.f32 v53, v25;
	v1 =	vmax.f32 v1, $9.999999970e-07;
	v55 =	vld [tilespmem:s23+$0xC080]  }
0x267: {  	s22 =	sshll.u32 s22, $0x9;
	v56 =	vld [tilespmem:s13+$0xC060];
	(erf) = vrcp.f32 v1;
	[tilespmem:s8+$0x1EA60] =	vst v57;
	v57 =	vadd.f32 v59, v58  }
0x268: {  	v2 =	vadd.f32 v3, v2;
	v51 =	vadd.f32 v53, v51;
	v1 =	vld [tilespmem:s22+$0xC000]  }
0x269: {  	v58 =	vld [tilespmem:s22+$0xC100];
	v4 =	vmul.f32 $2.500000000e-01, v57  }
0x26a: {  	v2 =	vadd.f32 v2, v51;
	v5 =	vmul.f32 v60, v30;
	v60 =	vld [tilespmem:s22+$0xC180];
	v42 =	vmul.f32 v42, v31  }
0x26b: {  	v0 =	vmax.f32 v0, $9.999999970e-07;
	v3 =	vld [tilespmem:s22+$0xC080];
	v54 =	vmul.f32 v54, v28;
	v55 =	vmul.f32 v55, v29;
	[tilespmem:s8+$0x1EA70] =	vst v4;
	s8 =	sshll.u32 s14, $0x9  }
0x26c: {  	(erf) = vrcp.f32 v0;
	v51 =	vpop (erf);
	v53 =	vadd.f32 v42, v5;
	v0 =	vld [tilespmem:s8+$0xC000]  }
0x26d: {  	v2 =	vmul.f32 v2, v51;
	v54 =	vadd.f32 v55, v54;
	v61 =	vld [tilespmem:s8+$0xC080]  }
0x26e: {  	s12 =	sshrl.u32 s9, $0x2;
	v4 =	vmax.f32 v57, $9.999999970e-07;
	v1 =	vmul.f32 v1, v32;
	v55 =	vld [tilespmem:s8+$0xC100]  }
0x26f: {  	[tilespmem:s12+$0x1B400] =	vst v2;
	v58 =	vmul.f32 v58, v34;
	v62 =	vld [tilespmem:s8+$0xC180];
	v5 =	vadd.f32 v53, v54;
	v42 =	vmul.f32 v60, v35  }
0x270: {  	v59 =	vld [tilespmem:s9+$0xC010];
	v3 =	vmul.f32 v3, v33;
	(erf) = vrcp.f32 v4;
	v53 =	vpop (erf)  }
0x271: {  	v63 =	vld [tilespmem:s9+$0xC190];
	v2 =	vmul.f32 v5, v53;
	v54 =	vadd.f32 v42, v58  }
0x272: {  	s14 =	sshrl.u32 s23, $0x2;
	v60 =	vld [tilespmem:s9+$0xC090];
	v1 =	vadd.f32 v3, v1  }
0x273: {  	v58 =	vld [tilespmem:s9+$0xC110];
	v0 =	vmul.f32 v0, v37;
	v61 =	vmul.f32 v61, v38;
	[tilespmem:s14+$0x1B400] =	vst v2  }
0x274: {  	v42 =	vmul.f32 v62, v41;
	v1 =	vadd.f32 v54, v1;
	v2 =	vmul.f32 v55, v40;
	v62 =	vld [tilespmem:s23+$0xC010]  }
0x275: {  	v4 =	vld [tilespmem:s23+$0xC090];
	v54 =	vpop (erf)  }
0x276: {  	v0 =	vadd.f32 v61, v0;
	v3 =	vld [tilespmem:s23+$0xC110];
	v2 =	vadd.f32 v42, v2;
	v1 =	vmul.f32 v1, v54  }
0x277: {  	s31 =	sshrl.u32 s22, $0x2;
	v61 =	vld [tilespmem:s23+$0xC190]  }
0x278: {  	v57 =	vld [tilespmem:s13+$0xC0E0];
	v59 =	vmul.f32 v59, v24;
	v60 =	vmul.f32 v60, v25;
	v0 =	vadd.f32 v2, v0;
	[tilespmem:s31+$0x1B400] =	vst v1  }
0x279: {  	v5 =	vmul.f32 v63, v27;
	v42 =	vmul.f32 v58, v26;
	v55 =	vpop (erf);
	v58 =	vld [tilespmem:s22+$0xC010]  }
0x27a: {  	v59 =	vadd.f32 v60, v59;
	v0 =	vmul.f32 v0, v55;
	v63 =	vld [tilespmem:s22+$0xC090]  }
0x27b: {  	s15 =	sshrl.u32 s8, $0x2;
	v1 =	vadd.f32 v5, v42;
	v2 =	vld [tilespmem:s22+$0xC110];
	v60 =	vmul.f32 v62, v28;
	v4 =	vmul.f32 v4, v29  }
0x27c: {  	v3 =	vmul.f32 v3, v30;
	v42 =	vmul.f32 v61, v31;
	[tilespmem:s15+$0x1B400] =	vst v0;
	v0 =	vld [tilespmem:s22+$0xC190]  }
0x27d: {  	v1 =	vadd.f32 v1, v59;
	v61 =	vld [tilespmem:s8+$0xC010]  }
0x27e: {  	v4 =	vadd.f32 v4, v60;
	v3 =	vadd.f32 v42, v3;
	v62 =	vld [tilespmem:s8+$0xC090]  }
0x27f: {  	v1 =	vmul.f32 v1, v51;
	v59 =	vld [tilespmem:s8+$0xC110]  }
0x280: {  	v42 =	vadd.f32 v3, v4;
	v58 =	vmul.f32 v58, v32;
	v60 =	vmul.f32 v63, v33;
	v63 =	vld [tilespmem:s8+$0xC190]  }
0x281: {  	v5 =	vld [tilespmem:s13+$0xC160];
	[tilespmem:s12+$0x1B410] =	vst v1;
	v2 =	vmul.f32 v2, v34;
	v0 =	vmul.f32 v0, v35  }
0x282: {  	v4 =	vld [tilespmem:s9+$0xC020];
	v1 =	vmul.f32 v42, v53;
	v58 =	vadd.f32 v60, v58  }
0x283: {  	v60 =	vmul.f32 v61, v37;
	v61 =	vmul.f32 v62, v38;
	v62 =	vld [tilespmem:s9+$0xC120];
	v0 =	vadd.f32 v0, v2  }
0x284: {  	[tilespmem:s14+$0x1B410] =	vst v1;
	v1 =	vld [tilespmem:s9+$0xC1A0]  }
0x285: {  	v42 =	vmul.f32 v59, v40;
	v2 =	vld [tilespmem:s9+$0xC0A0];
	v3 =	vmul.f32 v63, v41;
	v0 =	vadd.f32 v0, v58  }
0x286: {  	v59 =	vld [tilespmem:s23+$0xC0A0]  }
0x287: {  	v63 =	vld [tilespmem:s23+$0xC020];
	v60 =	vadd.f32 v61, v60;
	v58 =	vadd.f32 v3, v42;
	v0 =	vmul.f32 v0, v54  }
0x288: {  	v61 =	vld [tilespmem:s23+$0xC120]  }
0x289: {  	v42 =	vmul.f32 v62, v26;
	[tilespmem:s31+$0x1B410] =	vst v0;
	v0 =	vmul.f32 v4, v24;
	v4 =	vadd.f32 v58, v60;
	v58 =	vld [tilespmem:s23+$0xC1A0]  }
0x28a: {  	v1 =	vmul.f32 v1, v27;
	v2 =	vmul.f32 v2, v25;
	v62 =	vld [tilespmem:s22+$0xC020]  }
0x28b: {  	v3 =	vld [tilespmem:s22+$0xC0A0];
	v4 =	vmul.f32 v4, v55  }
0x28c: {  	v1 =	vadd.f32 v1, v42;
	v60 =	vld [tilespmem:s22+$0xC1A0];
	v0 =	vadd.f32 v2, v0  }
0x28d: {  	v59 =	vmul.f32 v59, v29;
	v2 =	vld [tilespmem:s22+$0xC120];
	[tilespmem:s15+$0x1B410] =	vst v4;
	v4 =	vmul.f32 v63, v28  }
0x28e: {  	v42 =	vmul.f32 v61, v30;
	v0 =	vadd.f32 v1, v0;
	v58 =	vmul.f32 v58, v31;
	v61 =	vld [tilespmem:s8+$0xC020]  }
0x28f: {  	v63 =	vld [tilespmem:s8+$0xC0A0];
	v4 =	vadd.f32 v59, v4  }
0x290: {  	v0 =	vmul.f32 v0, v51;
	v59 =	vmul.f32 v62, v32;
	v62 =	vld [tilespmem:s8+$0xC1A0];
	v1 =	vadd.f32 v58, v42  }
0x291: {  	v3 =	vmul.f32 v3, v33;
	v58 =	vld [tilespmem:s8+$0xC120]  }
0x292: {  	v42 =	vmul.f32 v60, v35;
	[tilespmem:s12+$0x1B420] =	vst v0;
	v0 =	vadd.f32 v1, v4;
	v1 =	vmul.f32 v2, v34;
	v4 =	vld [tilespmem:s13+$0xC1E0]  }
0x293: {  	v60 =	vld [tilespmem:s9+$0xC030]  }
0x294: {  	v3 =	vadd.f32 v3, v59;
	v2 =	vld [tilespmem:s9+$0xC0B0];
	v1 =	vadd.f32 v42, v1;
	v0 =	vmul.f32 v0, v53  }
0x295: {  	v59 =	vmul.f32 v61, v37;
	v61 =	vmul.f32 v63, v38;
	v63 =	vld [tilespmem:s9+$0xC130]  }
0x296: {  	v42 =	vmul.f32 v62, v41;
	[tilespmem:s14+$0x1B420] =	vst v0;
	v0 =	vadd.f32 v1, v3;
	v1 =	vmul.f32 v58, v40;
	v58 =	vld [tilespmem:s9+$0xC1B0]  }
0x297: {  	v56 =	vmul.f32 v56, v22;
	v59 =	vadd.f32 v61, v59;
	v61 =	vld [tilespmem:s23+$0xC030]  }
0x298: {  	v3 =	vmul.f32 v57, v21;
	v57 =	vld [tilespmem:s23+$0xC0B0];
	v1 =	vadd.f32 v42, v1;
	v0 =	vmul.f32 v0, v54  }
0x299: {  	v5 =	vmul.f32 v5, v19;
	v4 =	vmul.f32 v4, v20;
	v62 =	vld [tilespmem:s23+$0xC130]  }
0x29a: {  	v2 =	vmul.f32 v2, v25;
	v42 =	vmul.f32 v63, v26;
	[tilespmem:s31+$0x1B420] =	vst v0;
	v0 =	vadd.f32 v1, v59;
	v59 =	vld [tilespmem:s23+$0xC1B0]  }
0x29b: {  	v1 =	vmul.f32 v60, v24;
	v58 =	vmul.f32 v58, v27;
	v63 =	vld [tilespmem:s22+$0xC030]  }
0x29c: {  	v3 =	vadd.f32 v3, v56;
	v4 =	vadd.f32 v4, v5;
	v5 =	vld [tilespmem:s22+$0xC0B0];
	v0 =	vmul.f32 v0, v55  }
0x29d: {  	v1 =	vadd.f32 v2, v1;
	v56 =	vmul.f32 v57, v29;
	v57 =	vld [tilespmem:s22+$0xC1B0];
	v60 =	vadd.f32 v58, v42  }
0x29e: {  	v3 =	vadd.f32 v4, v3;
	v4 =	vmul.f32 v61, v28;
	v58 =	vld [tilespmem:s22+$0xC130];
	[tilespmem:s15+$0x1B420] =	vst v0  }
0x29f: {  	v0 =	vadd.f32 v60, v1;
	v1 =	vmul.f32 v62, v30;
	v42 =	vmul.f32 v59, v31;
	v59 =	vld [tilespmem:s8+$0xC030]  }
0x2a0: {  	v3 =	vmul.f32 v3, v23;
	v60 =	vld [tilespmem:s8+$0xC0B0]  }
0x2a1: {  	v4 =	vadd.f32 v56, v4;
	v2 =	vld [tilespmem:s8+$0xC130];
	v0 =	vmul.f32 v0, v51;
	v1 =	vadd.f32 v42, v1  }
0x2a2: {  	[tilespmem:s0+$0x1B460] =	vst v3;
	v61 =	vld [tilespmem:s8+$0xC1B0];
	v3 =	vmul.f32 v63, v32;
	v5 =	vmul.f32 v5, v33  }
0x2a3: {  	v56 =	vld [tilespmem:s13+$0xC070];
	v63 =	vmul.f32 v57, v35;
	v62 =	vmul.f32 v58, v34;
	[tilespmem:s12+$0x1B430] =	vst v0;
	v42 =	vadd.f32 v1, v4  }
0x2a4: {  	v57 =	vld [tilespmem:s9+$0xC040]  }
0x2a5: {  	v3 =	vadd.f32 v5, v3;
	v58 =	vld [tilespmem:s9+$0xC0C0];
	v1 =	vadd.f32 v63, v62;
	v0 =	vmul.f32 v42, v53  }
0x2a6: {  	v4 =	vld [tilespmem:s9+$0xC140];
	v5 =	vmul.f32 v59, v37;
	v59 =	vmul.f32 v60, v38  }
0x2a7: {  	v60 =	vld [tilespmem:s9+$0xC1C0];
	v42 =	vmul.f32 v61, v41;
	[tilespmem:s14+$0x1B430] =	vst v0;
	v0 =	vadd.f32 v1, v3;
	v1 =	vmul.f32 v2, v40  }
0x2a8: {  	v3 =	vld [tilespmem:s23+$0xC040]  }
0x2a9: {  	v5 =	vadd.f32 v59, v5;
	v61 =	vld [tilespmem:s23+$0xC0C0];
	v0 =	vmul.f32 v0, v54;
	v1 =	vadd.f32 v42, v1  }
0x2aa: {  	v2 =	vld [tilespmem:s23+$0xC140]  }
0x2ab: {  	v59 =	vld [tilespmem:s23+$0xC1C0];
	v57 =	vmul.f32 v57, v24;
	v58 =	vmul.f32 v58, v25;
	[tilespmem:s31+$0x1B430] =	vst v0;
	v0 =	vadd.f32 v1, v5  }
0x2ac: {  	v42 =	vmul.f32 v60, v27;
	v1 =	vmul.f32 v4, v26;
	v5 =	vld [tilespmem:s22+$0xC040]  }
0x2ad: {  	v60 =	vld [tilespmem:s22+$0xC0C0];
	v0 =	vmul.f32 v0, v55  }
0x2ae: {  	v57 =	vadd.f32 v58, v57;
	v4 =	vld [tilespmem:s22+$0xC140];
	v1 =	vadd.f32 v42, v1  }
0x2af: {  	v3 =	vmul.f32 v3, v28;
	v58 =	vmul.f32 v61, v29;
	v61 =	vld [tilespmem:s22+$0xC1C0];
	[tilespmem:s15+$0x1B430] =	vst v0  }
0x2b0: {  	v42 =	vmul.f32 v59, v31;
	v0 =	vadd.f32 v1, v57;
	v1 =	vmul.f32 v2, v30;
	v59 =	vld [tilespmem:s8+$0xC040]  }
0x2b1: {  	v62 =	vld [tilespmem:s8+$0xC0C0]  }
0x2b2: {  	v3 =	vadd.f32 v58, v3;
	v2 =	vld [tilespmem:s8+$0xC140];
	v0 =	vmul.f32 v0, v51;
	v1 =	vadd.f32 v42, v1  }
0x2b3: {  	v5 =	vmul.f32 v5, v32;
	v58 =	vmul.f32 v60, v33;
	v60 =	vld [tilespmem:s8+$0xC1C0]  }
0x2b4: {  	v57 =	vld [tilespmem:s13+$0xC0F0];
	v42 =	vmul.f32 v4, v34;
	v63 =	vmul.f32 v61, v35;
	[tilespmem:s12+$0x1B440] =	vst v0;
	v0 =	vadd.f32 v1, v3  }
0x2b5: {  	v4 =	vld [tilespmem:s9+$0xC050]  }
0x2b6: {  	v5 =	vadd.f32 v58, v5;
	v58 =	vld [tilespmem:s9+$0xC0D0];
	v1 =	vadd.f32 v63, v42;
	v0 =	vmul.f32 v0, v53  }
0x2b7: {  	v3 =	vld [tilespmem:s9+$0xC150];
	v59 =	vmul.f32 v59, v37;
	v61 =	vmul.f32 v62, v38  }
0x2b8: {  	v2 =	vmul.f32 v2, v40;
	v1 =	vadd.f32 v1, v5;
	v42 =	vmul.f32 v60, v41;
	[tilespmem:s14+$0x1B440] =	vst v0;
	v0 =	vld [tilespmem:s9+$0xC1D0]  }
0x2b9: {  	v60 =	vld [tilespmem:s23+$0xC050]  }
0x2ba: {  	v59 =	vadd.f32 v61, v59;
	v61 =	vld [tilespmem:s23+$0xC0D0];
	v1 =	vmul.f32 v1, v54;
	v2 =	vadd.f32 v42, v2  }
0x2bb: {  	v42 =	vld [tilespmem:s23+$0xC150]  }
0x2bc: {  	v4 =	vmul.f32 v4, v24;
	v58 =	vmul.f32 v58, v25;
	[tilespmem:s31+$0x1B440] =	vst v1;
	v1 =	vld [tilespmem:s23+$0xC1D0];
	v2 =	vadd.f32 v2, v59  }
0x2bd: {  	v3 =	vmul.f32 v3, v26;
	v59 =	vld [tilespmem:s22+$0xC050];
	v0 =	vmul.f32 v0, v27  }
0x2be: {  	v62 =	vld [tilespmem:s22+$0xC0D0];
	v2 =	vmul.f32 v2, v55  }
0x2bf: {  	v4 =	vadd.f32 v58, v4;
	v0 =	vadd.f32 v0, v3;
	v3 =	vld [tilespmem:s22+$0xC150]  }
0x2c0: {  	v58 =	vmul.f32 v60, v28;
	v60 =	vmul.f32 v61, v29;
	[tilespmem:s15+$0x1B440] =	vst v2;
	v2 =	vld [tilespmem:s22+$0xC1D0]  }
0x2c1: {  	v42 =	vmul.f32 v42, v30;
	v1 =	vmul.f32 v1, v31;
	v5 =	vld [tilespmem:s8+$0xC050];
	v0 =	vadd.f32 v0, v4  }
0x2c2: {  	v61 =	vld [tilespmem:s8+$0xC0D0]  }
0x2c3: {  	v58 =	vadd.f32 v60, v58;
	v4 =	vld [tilespmem:s8+$0xC150];
	v1 =	vadd.f32 v1, v42;
	v0 =	vmul.f32 v0, v51  }
0x2c4: {  	v59 =	vmul.f32 v59, v32;
	v60 =	vmul.f32 v62, v33;
	v42 =	vld [tilespmem:s8+$0xC1D0]  }
0x2c5: {  	v63 =	vadd.f32 v1, v58;
	v1 =	vld [tilespmem:s13+$0xC170];
	v3 =	vmul.f32 v3, v34;
	v2 =	vmul.f32 v2, v35;
	[tilespmem:s12+$0x1B450] =	vst v0  }
0x2c6: {  	v58 =	vld [tilespmem:s9+$0xC060]  }
0x2c7: {  	v59 =	vadd.f32 v60, v59;
	v2 =	vadd.f32 v2, v3;
	v3 =	vld [tilespmem:s9+$0xC0E0];
	v0 =	vmul.f32 v63, v53  }
0x2c8: {  	v5 =	vmul.f32 v5, v37;
	v60 =	vmul.f32 v61, v38;
	v61 =	vld [tilespmem:s9+$0xC160]  }
0x2c9: {  	v4 =	vmul.f32 v4, v40;
	v42 =	vmul.f32 v42, v41;
	[tilespmem:s14+$0x1B450] =	vst v0;
	v0 =	vadd.f32 v2, v59;
	v2 =	vld [tilespmem:s9+$0xC1E0]  }
0x2ca: {  	v62 =	vld [tilespmem:s23+$0xC060]  }
0x2cb: {  	v5 =	vadd.f32 v60, v5;
	v4 =	vadd.f32 v42, v4;
	v59 =	vld [tilespmem:s23+$0xC0E0];
	v0 =	vmul.f32 v0, v54  }
0x2cc: {  	v60 =	vld [tilespmem:s23+$0xC160]  }
0x2cd: {  	v3 =	vmul.f32 v3, v25;
	v4 =	vadd.f32 v4, v5;
	v5 =	vld [tilespmem:s23+$0xC1E0];
	[tilespmem:s31+$0x1B450] =	vst v0;
	v0 =	vmul.f32 v58, v24  }
0x2ce: {  	v42 =	vld [tilespmem:$0x1FFA0];
	v58 =	vmul.f32 v61, v26;
	v2 =	vmul.f32 v2, v27  }
0x2cf: {  	v61 =	vld [tilespmem:s22+$0xC060]  }
0x2d0: {  	v4 =	vmul.f32 v4, v55;
	v63 =	vld [tilespmem:s22+$0xC0E0];
	v0 =	vadd.f32 v3, v0;
	v2 =	vadd.f32 v2, v58  }
0x2d1: {  	v3 =	vld [tilespmem:s22+$0xC160];
	v59 =	vmul.f32 v59, v29;
	v58 =	vmul.f32 v62, v28  }
0x2d2: {  	[tilespmem:s15+$0x1B450] =	vst v4;
	v4 =	vld [tilespmem:s22+$0xC1E0];
	v5 =	vmul.f32 v5, v31;
	v0 =	vadd.f32 v2, v0;
	v2 =	vmul.f32 v60, v30  }
0x2d3: {  	v8 =	vmul.f32 v46, v8;
	v15 =	vmul.f32 v42, v15;
	v62 =	vld [tilespmem:$0x1FFB0]  }
0x2d4: {  	v42 =	vld [tilespmem:s8+$0xC0E0];
	v46 =	vadd.f32 v59, v58;
	v0 =	vmul.f32 v0, v51;
	v2 =	vadd.f32 v5, v2  }
0x2d5: {  	v60 =	vld [tilespmem:s8+$0xC060]  }
0x2d6: {  	[tilespmem:s12+$0x1B460] =	vst v0;
	v0 =	vadd.f32 v2, v46;
	v46 =	vld [tilespmem:$0x1FFC0]  }
0x2d7: {  	v58 =	vmul.f32 v61, v32;
	v61 =	vld [tilespmem:s8+$0xC1E0]  }
0x2d8: {  	v59 =	vmul.f32 v63, v33;
	v5 =	vld [tilespmem:s8+$0xC160];
	v7 =	vmul.f32 v62, v7  }
0x2d9: {  	v62 =	vld [tilespmem:s13+$0xC1F0];
	v63 =	vmul.f32 v4, v35;
	v2 =	vmul.f32 v3, v34  }
0x2da: {  	v17 =	vmul.f32 v49, v17;
	v49 =	vld [tilespmem:s9+$0xC0F0];
	v3 =	vadd.f32 v7, v15;
	v0 =	vmul.f32 v0, v53  }
0x2db: {  	v7 =	vld [tilespmem:s9+$0xC170];
	v2 =	vadd.f32 v63, v2;
	v4 =	vmul.f32 v46, v36;
	v46 =	vadd.f32 v59, v58  }
0x2dc: {  	v42 =	vmul.f32 v42, v38;
	v15 =	vmul.f32 v60, v37;
	v36 =	vld [tilespmem:s9+$0xC070]  }
0x2dd: {  	[tilespmem:s14+$0x1B460] =	vst v0;
	v58 =	vld [tilespmem:s9+$0xC1F0];
	v59 =	vmul.f32 v61, v41;
	v0 =	vadd.f32 v2, v46;
	v2 =	vmul.f32 v5, v40  }
0x2de: {  	v43 =	vmul.f32 v43, v10;
	v6 =	vmul.f32 v44, v6;
	v15 =	vadd.f32 v42, v15;
	v42 =	vld [tilespmem:s23+$0xC1F0]  }
0x2df: {  	v46 =	vmul.f32 v45, v13;
	v13 =	vld [tilespmem:s23+$0xC070];
	v2 =	vadd.f32 v59, v2;
	v0 =	vmul.f32 v0, v54  }
0x2e0: {  	v14 =	vmul.f32 v47, v14;
	v11 =	vmul.f32 v48, v11;
	v4 =	vadd.f32 v4, v8;
	v5 =	vld [tilespmem:s23+$0xC0F0]  }
0x2e1: {  	v12 =	vmul.f32 v50, v12;
	v8 =	vadd.f32 v43, v17;
	v17 =	vld [tilespmem:s23+$0xC170];
	[tilespmem:s31+$0x1B460] =	vst v0;
	v50 =	vadd.f32 v2, v15  }
0x2e2: {  	v11 =	vadd.f32 v11, v14;
	v1 =	vmul.f32 v1, v19;
	v48 =	vmul.f32 v62, v20;
	v45 =	vld [tilespmem:s22+$0xC070]  }
0x2e3: {  	v44 =	vmul.f32 v56, v22;
	v63 =	vadd.f32 v6, v46;
	v47 =	vld [tilespmem:s22+$0xC0F0];
	v0 =	vmul.f32 v50, v55  }
0x2e4: {  	v1 =	vadd.f32 v48, v1;
	v43 =	vmul.f32 v52, v9;
	v46 =	vmul.f32 v57, v21;
	v52 =	vld [tilespmem:s22+$0xC1F0]  }
0x2e5: {  	v21 =	vmul.f32 v49, v25;
	v31 =	vmul.f32 v42, v31;
	v2 =	vadd.f32 v63, v8;
	v50 =	vld [tilespmem:s22+$0xC170];
	[tilespmem:s15+$0x1B460] =	vst v0  }
0x2e6: {  	v6 =	vadd.f32 v43, v12;
	v28 =	vmul.f32 v13, v28;
	v5 =	vmul.f32 v5, v29;
	v63 =	vld [tilespmem:s8+$0xC070]  }
0x2e7: {  	v59 =	vadd.f32 v46, v44;
	v30 =	vmul.f32 v17, v30;
	v57 =	vmul.f32 v2, v18;
	v22 =	vld [tilespmem:s8+$0xC0F0]  }
0x2e8: {  	v3 =	vadd.f32 v4, v3;
	v18 =	vmul.f32 v36, v24;
	v24 =	vmul.f32 v7, v26;
	v26 =	vld [tilespmem:s8+$0xC170]  }
0x2e9: {  	v25 =	vmul.f32 v58, v27;
	v6 =	vadd.f32 v6, v11;
	v1 =	vadd.f32 v1, v59;
	v27 =	vld [tilespmem:s8+$0xC1F0]  }
0x2ea: {  	v3 =	vmul.f32 v3, v39;
	v5 =	vadd.f32 v5, v28;
	v7 =	vadd.f32 v31, v30  }
0x2eb: {  	v8 =	vadd.f32 v21, v18;
	v32 =	vmul.f32 v45, v32;
	v36 =	vmul.f32 v47, v33  }
0x2ec: {  	v2 =	vadd.f32 v25, v24;
	v42 =	vmul.f32 v52, v35;
	v39 =	vmul.f32 v50, v34  }
0x2ed: {  	v5 =	vadd.f32 v7, v5;
	v4 =	vmul.f32 v63, v37;
	v43 =	vmul.f32 v22, v38  }
0x2ee: {  	v2 =	vadd.f32 v2, v8;
	v44 =	vmul.f32 v26, v40;
	v45 =	vmul.f32 v27, v41  }
0x2ef: {  	[tilespmem:s29+$0x1B470] =	vst v3;
	v46 =	vmul.f32 v6, v16;
	v47 =	vadd.f32 v36, v32;
	v48 =	vadd.f32 v42, v39  }
0x2f0: {  	[tilespmem:s30+$0x1B470] =	vst v57;
	v49 =	vmul.f32 v1, v23;
	v50 =	vadd.f32 v43, v4;
	v52 =	vadd.f32 v45, v44  }
0x2f1: {  	p0 =	slt.u32 s28, $0x58;
	[tilespmem:s3+$0x1B470] =	vst v46;
	v58 =	vmul.f32 v5, v53;
	v57 =	vadd.f32 v48, v47  }
.Ltmp2:
0x2f2: {  	[tilespmem:s0+$0x1B470] =	vst v49;
	v2 =	vmul.f32 v2, v51;
	v1 =	vadd.f32 v52, v50;
	(pc) =	sbr.rel @p0 .LBB2_7-.Ltmp2, $4  }
0x2f3: {  	[tilespmem:s14+$0x1B470] =	vst v58;
	v59 =	vmul.f32 v57, v54  }
0x2f4: {  	[tilespmem:s12+$0x1B470] =	vst v2;
	v63 =	vmul.f32 v1, v55  }
0x2f5: {  	v56 =	vimm.s32 $0x0;
	s3 =	simm.s32 $0xFFFFFFFE;
	[tilespmem:s31+$0x1B470] =	vst v59;
	s31 =	sadd.s32 $0x8, s28  }
0x2f6: {  	v60 =	vimm.s32 $0x1;
	v62 =	vimm.s32 $0x3;
	v61 =	vimm.s32 $0x2;
	s8 =	simm.s32 $0x1EB00;
	s0 =	simm.s32 $0x1F090;
	s28 =	smov.u32 s31;
	[tilespmem:s15+$0x1B470] =	vst v63  }
0x2f7: {  	v0 =	vld [tilespmem:s8+$0x0]  }
0x2f8: {  	v1 =	vld [tilespmem:s8+$0x10]  }
0x2f9: {  	v2 =	vld [tilespmem:s8+$0x20]  }
0x2fa: {  	v3 =	vld [tilespmem:s8+$0x30]  }
0x2fb: {  	v4 =	vld [tilespmem:s8+$0x40]  }
0x2fc: {  	v5 =	vld [tilespmem:s8+$0x50]  }
0x2fd: {  	v6 =	vld [tilespmem:s8+$0x60]  }
0x2fe: {  	v7 =	vld [tilespmem:s8+$0x70]  }
0x2ff: {  	v8 =	vld [tilespmem:s8+$0x80]  }
0x300: {  	v9 =	vld [tilespmem:s8+$0x90]  }
0x301: {  	v10 =	vld [tilespmem:s8+$0xA0]  }
0x302: {  	v11 =	vld [tilespmem:s8+$0xB0]  }
0x303: {  	v12 =	vld [tilespmem:s8+$0xC0]  }
0x304: {  	v13 =	vld [tilespmem:s8+$0xD0]  }
0x305: {  	v14 =	vld [tilespmem:s8+$0xE0]  }
0x306: {  	v15 =	vld [tilespmem:s8+$0xF0]  }
0x307: {  	v58 =	vld [tilespmem:s8+$0xFFFFFF10];
	v0 =	vsel vm0, v0, v1  }
0x308: {  	v59 =	vld [tilespmem:s8+$0xFFFFFF00];
	v0 =	vsel vm1, v0, v2  }
0x309: {  	v0 =	vsel vm2, v0, v3;
	v3 =	vld [tilespmem:s8+$0xFFFFFF20]  }
0x30a: {  	v0 =	vsel vm3, v0, v4;
	v4 =	vld [tilespmem:s8+$0xFFFFFF30]  }
0x30b: {  	v0 =	vsel vm4, v0, v5;
	v5 =	vld [tilespmem:s8+$0xFFFFFF40]  }
0x30c: {  	v0 =	vsel vm5, v0, v6;
	v6 =	vld [tilespmem:s8+$0xFFFFFF50]  }
0x30d: {  	v63 =	vld [tilespmem:s8+$0xFFFFFF60];
	v1 =	vsel vm0, v59, v58;
	v0 =	vsel vm6, v0, v7  }
0x30e: {  	v0 =	vsel vm7, v0, v8;
	v1 =	vsel vm1, v1, v3;
	v3 =	vld [tilespmem:s8+$0xFFFFFF70]  }
0x30f: {  	v7 =	vld [tilespmem:s8+$0xFFFFFF80];
	v0 =	vsel vm8, v0, v9;
	v1 =	vsel vm2, v1, v4  }
0x310: {  	v8 =	vld [tilespmem:s8+$0xFFFFFF90];
	v0 =	vsel vm9, v0, v10;
	v1 =	vsel vm3, v1, v5  }
0x311: {  	v9 =	vld [tilespmem:s8+$0xFFFFFFA0];
	v0 =	vsel vm10, v0, v11;
	v1 =	vsel vm4, v1, v6  }
0x312: {  	v4 =	vld [tilespmem:s8+$0xFFFFFFB0];
	v0 =	vsel vm11, v0, v12;
	v1 =	vsel vm5, v1, v63  }
0x313: {  	v5 =	vld [tilespmem:s8+$0xFFFFFFC0];
	v0 =	vsel vm12, v0, v13;
	v1 =	vsel vm6, v1, v3  }
0x314: {  	v6 =	vld [tilespmem:s8+$0xFFFFFFD0];
	v0 =	vsel vm13, v0, v14;
	v1 =	vsel vm7, v1, v7  }
0x315: {  	v7 =	vld [tilespmem:s8+$0xFFFFFFE0];
	v0 =	vsel vm14, v0, v15;
	v1 =	vsel vm8, v1, v8  }
0x316: {  	s3 =	sadd.s32 $0x2, s3;
	v8 =	vld [tilespmem:s8+$0xFFFFFFF0];
	s8 =	sadd.s32 $0x200, s8;
	[tilespmem:s0+$0x0] =	vst v0;
	v9 =	vsel vm9, v1, v9  }
.LBB2_9:
0x317: {  	v0 =	vld [tilespmem:s8+$0x0];
	v1 =	vsel vm10, v9, v4  }
0x318: {  	s3 =	sadd.s32 $0x2, s3;
	v2 =	vld [tilespmem:s8+$0x10];
	v1 =	vsel vm11, v1, v5  }
0x319: {  	p0 =	slt.u32 s3, $0x4;
	v3 =	vld [tilespmem:s8+$0x20];
	v1 =	vsel vm12, v1, v6  }
0x31a: {  	v4 =	vld [tilespmem:s8+$0x30];
	v1 =	vsel vm13, v1, v7  }
0x31b: {  	v5 =	vld [tilespmem:s8+$0x40];
	v1 =	vsel vm14, v1, v8  }
0x31c: {  	v6 =	vld [tilespmem:s8+$0x50];
	[tilespmem:s0+$0xFFFFFFF0] =	vst v1  }
0x31d: {  	v0 =	vsel vm0, v0, v2;
	v1 =	vld [tilespmem:s8+$0x60]  }
0x31e: {  	v0 =	vsel vm1, v0, v3;
	v2 =	vld [tilespmem:s8+$0x70]  }
0x31f: {  	v0 =	vsel vm2, v0, v4;
	v3 =	vld [tilespmem:s8+$0x80]  }
0x320: {  	v0 =	vsel vm3, v0, v5;
	v4 =	vld [tilespmem:s8+$0x90]  }
0x321: {  	v0 =	vsel vm4, v0, v6;
	v5 =	vld [tilespmem:s8+$0xA0]  }
0x322: {  	v0 =	vsel vm5, v0, v1;
	v1 =	vld [tilespmem:s8+$0xB0]  }
0x323: {  	v0 =	vsel vm6, v0, v2;
	v2 =	vld [tilespmem:s8+$0xC0]  }
0x324: {  	v0 =	vsel vm7, v0, v3;
	v3 =	vld [tilespmem:s8+$0xD0]  }
0x325: {  	v0 =	vsel vm8, v0, v4;
	v4 =	vld [tilespmem:s8+$0xE0]  }
0x326: {  	v0 =	vsel vm9, v0, v5;
	v5 =	vld [tilespmem:s8+$0xF0]  }
0x327: {  	v6 =	vld [tilespmem:s8+$0xFFFFFF10];
	v0 =	vsel vm10, v0, v1  }
0x328: {  	v1 =	vld [tilespmem:s8+$0xFFFFFF00];
	v0 =	vsel vm11, v0, v2  }
0x329: {  	v2 =	vld [tilespmem:s8+$0xFFFFFF20];
	v0 =	vsel vm12, v0, v3  }
0x32a: {  	v3 =	vld [tilespmem:s8+$0xFFFFFF30];
	v0 =	vsel vm13, v0, v4  }
0x32b: {  	s0 =	sadd.s32 $0x20, s0;
	v4 =	vld [tilespmem:s8+$0xFFFFFF40];
	v0 =	vsel vm14, v0, v5  }
0x32c: {  	v5 =	vld [tilespmem:s8+$0xFFFFFF50];
	[tilespmem:s0+$0x0] =	vst v0  }
0x32d: {  	v0 =	vsel vm0, v1, v6;
	v1 =	vld [tilespmem:s8+$0xFFFFFF60]  }
0x32e: {  	v0 =	vsel vm1, v0, v2;
	v2 =	vld [tilespmem:s8+$0xFFFFFF70]  }
0x32f: {  	v0 =	vsel vm2, v0, v3;
	v3 =	vld [tilespmem:s8+$0xFFFFFF80]  }
0x330: {  	v0 =	vsel vm3, v0, v4;
	v7 =	vld [tilespmem:s8+$0xFFFFFF90]  }
0x331: {  	v0 =	vsel vm4, v0, v5;
	v8 =	vld [tilespmem:s8+$0xFFFFFFA0]  }
.Ltmp3:
0x332: {  	v0 =	vsel vm5, v0, v1;
	v4 =	vld [tilespmem:s8+$0xFFFFFFB0];
	(pc) =	sbr.rel @p0 .LBB2_9-.Ltmp3, $4  }
0x333: {  	v0 =	vsel vm6, v0, v2;
	v5 =	vld [tilespmem:s8+$0xFFFFFFC0]  }
0x334: {  	v0 =	vsel vm7, v0, v3;
	v6 =	vld [tilespmem:s8+$0xFFFFFFD0]  }
0x335: {  	v0 =	vsel vm8, v0, v7;
	v7 =	vld [tilespmem:s8+$0xFFFFFFE0]  }
0x336: {  	v9 =	vsel vm9, v0, v8;
	v8 =	vld [tilespmem:s8+$0xFFFFFFF0];
	s8 =	sadd.s32 $0x200, s8  }
0x337: {  	v0 =	vsel vm10, v9, v4  }
0x338: {  	v0 =	vsel vm11, v0, v5  }
0x339: {  	s25 =	sadd.s32 $0x1, s25;
	v0 =	vsel vm12, v0, v6  }
0x33a: {  	s3 =	sshll.u32 s26, $0x4;
	p0 =	sne.s32 s25, $0x10;
	v0 =	vsel vm13, v0, v7  }
.Ltmp4:
0x33b: {  	s3 =	sand.u32 $0x1FFFFE00, s3;
	v0 =	vsel vm14, v0, v8;
	(pc) =	sbr.rel @p0 .LBB2_2-.Ltmp4, $4  }
0x33c: {  	s31 =	sshrl.u32 s26, $0x3;
	s30 =	sadd.s32 s4, s3;
	[tilespmem:s0+$0xFFFFFFF0] =	vst v0  }
0x33d: {  	[hbm4b:s30+s6] =	stream.linear.scatter [tilespmem:s20], [sflag:$0x4], $0x3000, $0x38;
	[tilespmem:$0x1F100] =	vst v63  }
0x33e: {  	s0 =	sadd.s32 s5, s31  }
0x33f: {  	[hbm4b:s0+s6] =	stream.linear.scatter [tilespmem:s21], [sflag:$0x4], $0x60, $0x38;
	[tilespmem:$0x1F100] =	vst v63  }
0x340: {  	s0 =	simm.s32 $0x3  }
0x341: {  	_ =	swait.ge [sflag:s0], $0x3000  }
0x342: {  	[sflag:s0] =	ssyncset.done $0x0  }
0x343: {  	[sflag:s0] =	ssyncadd.s32 $0xFFFFD000  }
0x344: {  	_ =	swait.ge [sflag:s0], $0x60  }
0x345: {  	[sflag:s0] =	ssyncset.done $0x0  }
0x346: {  	s3 =	simm.s32 $0x4;
	[sflag:s0] =	ssyncadd.s32 $0xFFFFFFA0  }
0x347: {  	_ =	swait.ge [sflag:s3], $0x3000  }
0x348: {  	[sflag:s3] =	ssyncset.done $0x0  }
0x349: {  	[sflag:s3] =	ssyncadd.s32 $0xFFFFD000  }
0x34a: {  	_ =	swait.ge [sflag:s3], $0x60  }
0x34b: {  	s8 =	rddreg [dreg:$0x8]  }
0x34c: {  	s31 =	rddreg [dreg:$0x7];
	s8 =	sadd.s32 $0x1, s8  }
0x34d: {  	p0 =	sne.s32 s8, s31  }
.Ltmp5:
0x34e: {  	_ = 	snop;
	(pc) =	sbr.rel @p0 .LBB2_1-.Ltmp5, $3  }
0x34f: {  	_ =	sdelay $0x1  }
0x350: {  	[sflag:s3] =	ssyncset.done $0x0  }
0x351: {  	[sflag:s3] =	ssyncadd.s32 $0xFFFFFFA0  }
0x352: {  	_ =	sfence.sel $0x180000  }
0x353: {  	[bflag:$0x0] =	sbarrier.arrive $0xFFFF  }
0x354: {  	_ =	strace $0x90000047  }
0x355: {  	s0 =	stileid.u32;
	[bflag:$0x2] =	sbarrier.arrive $0xFFFF  }
0x356: {  	p0 =	sne.s32 s0, $0x0;
	s0 =	rddreg [dreg:$0x4]  }
0x357: {  	s0 =	sadd.s32 @!p0 $0x100000, s0  }
0x358: {  	[sflag:s0] =	ssyncadd.tile.s32 @!p0 $0x1;
	_ =	shalt  }
.Lfunc_end2:
_tile_overlayer_lowered:
.L_overlay_start_2:
0x359: {  	(tag) =	ssettag $0x2  }
0x35a: {  	s0 =	rddreg [dreg:$0x0];
	s2 =	stileid.u32  }
0x35b: {  	s1 =	rddreg [dreg:$0x1];
	p0 =	sne.s32 s2, $0x0  }
0x35c: {  	s3 =	rddreg [dreg:$0x2];
	[bflag:$0x3] =	sbarrier.arrive $0xFFFF;
	s2 =	simm.s32 @!p0 $0x1C05  }
0x35d: {  	[timem:s3], [sflag:s2] =	dma.local @!p0 [hbm:s0], s1  }
0x35e: {  	s0 =	simm.s32 @!p0 $0x5  }
0x35f: {  	_ =	swait.ge @!p0 [sflag:s0], s1  }
0x360: {  	s1 =	ssub.s32 @!p0 $0x0, s1;
	[sflag:s0] =	ssyncset.done @!p0 $0x0  }
0x361: {  	[sflag:s0] =	ssyncadd.s32 @!p0 s1  }
0x362: {  	[bflag:$0x3] =	sbarrier.arrive $0xFFFF  }
0x363: {  	_ =	shalt  }

</sc_bundles>
